<compile_context>
chip_gen: v7x
topology: tpu7x:2x2x1
jax: 0.10.2.dev20260603
libtpu: 0.0.44.dev20260713+nightly
codegen_flags: <defaults>
</compile_context>

<pallas_src>
import functools

import jax
import jax.numpy as jnp
from jax import lax
from jax.experimental import pallas as pl
from jax.experimental.pallas import tpu as pltpu
from jax.experimental.pallas import tpu_sc as plsc

_B = 320000
_D = 128
_V = 10000
_NC, _NS = 2, 16
_NW = _NC * _NS
_TPW = _B // _NW
_G = 40
_GI = 3 * _G
_NCH = _TPW // _G
_NT = _NCH // 3
_LANES = 16


def _make_sc_kernel():
    mesh = plsc.VectorSubcoreMesh(core_axis_name="c", subcore_axis_name="s")

    @functools.partial(
        pl.kernel,
        mesh=mesh,
        out_type=jax.ShapeDtypeStruct((_B, _D), jnp.float32),
        scratch_types=(
            [pltpu.VMEM((_GI,), jnp.int32) for _ in range(3)]
            + [pltpu.VMEM((_GI, _D), jnp.float32) for _ in range(3)]
            + [pltpu.VMEM_SHARED((_V, _D), jnp.float32)]
            + [pltpu.SemaphoreType.DMA for _ in range(9)]
        ),
    )
    def k(x_hbm, idx_hbm, out_hbm,
          ib0, ib1, ib2, rb0, rb1, rb2, x_sh,
          si0, si1, si2, sg0, sg1, sg2, so0, so1, so2):
        wid = lax.axis_index("s") * _NC + lax.axis_index("c")
        base = wid * _TPW

        @pl.when(lax.axis_index("s") == 0)
        def _():
            pltpu.sync_copy(x_hbm, x_sh)

        plsc.subcore_barrier()

        ibufs = (ib0, ib1, ib2)
        rbufs = (rb0, rb1, rb2)
        sis = (si0, si1, si2)
        sgs = (sg0, sg1, sg2)
        sos = (so0, so1, so2)

        def start_idx(s, c):
            for a in range(3):
                off = pl.multiple_of(a * _B + base + c * _G, 8)
                pltpu.async_copy(idx_hbm.at[pl.ds(off, _G)],
                                 ibufs[s].at[pl.ds(a * _G, _G)], sis[s])

        def wait_idx(s):
            pltpu.make_async_copy(idx_hbm.at[pl.ds(0, _GI)], ibufs[s],
                                  sis[s]).wait()

        def start_g(s):
            for a in range(3):
                pltpu.async_copy(x_sh.at[ibufs[s].at[pl.ds(a * _G, _G)]],
                                 rbufs[s].at[pl.ds(a * _G, _G)], sgs[s])

        def wait_g(s):
            pltpu.make_async_copy(x_hbm.at[pl.ds(0, _GI)], rbufs[s],
                                  sgs[s]).wait()

        def start_out(s, c):
            pltpu.async_copy(rbufs[s].at[pl.ds(0, _G)],
                             out_hbm.at[pl.ds(base + c * _G, _G), :], sos[s])

        def wait_out(s):
            pltpu.make_async_copy(rbufs[s].at[pl.ds(0, _G)],
                                  out_hbm.at[pl.ds(base, _G), :], sos[s]).wait()

        def compute(s):
            rb = rbufs[s]

            @plsc.parallel_loop(0, _G, unroll=4)
            def row(rr):
                for j in range(_D // _LANES):
                    sl = pl.ds(j * _LANES, _LANES)
                    rb[rr, sl] = (rb[rr, sl] * rb[_G + rr, sl]
                                  * rb[2 * _G + rr, sl])

        start_idx(0, 0)
        start_idx(1, 1)
        start_idx(2, 2)
        wait_idx(0)
        start_g(0)
        wait_idx(1)
        start_g(1)

        def stage(s, c):
            s2 = (s + 2) % 3

            @pl.when(c > 0)
            def _():
                wait_out(s2)

            @pl.when(c + 2 < _NCH)
            def _():
                wait_idx(s2)
                start_g(s2)

            wait_g(s)

            @pl.when(c + 3 < _NCH)
            def _():
                start_idx(s, c + 3)

            compute(s)
            start_out(s, c)

        def rot(p, carry):
            c = 3 * p
            stage(0, c)
            stage(1, c + 1)
            stage(2, c + 2)
            return carry

        lax.fori_loop(0, _NT, rot, 0)

        wait_g(0)
        compute(0)
        start_out(0, _NCH - 1)
        wait_out(2)
        wait_out(0)

    return k


_sc_prod = _make_sc_kernel()


def kernel(X, adj_t, tuples_coo):
    del adj_t
    idx = tuples_coo.astype(jnp.int32).reshape(-1)
    return _sc_prod(X, idx)

# --- scband reference (transcript-rebuilt; emitter-appended) ---
"""Pipeline reference for scband-product-tuple-encoder-20950850470260 (READ-ONLY COPY).

The authoritative reference and input builder live on the scoring server;
editing this copy changes nothing except your own understanding.
"""

import jax, jax.numpy as jnp
import numpy as np


def setup_inputs(seed: int = 0) -> dict:
    key = jax.random.key(seed)
    k_x, k_t = jax.random.split(key, 2)
    X = jax.random.normal(k_x, (10000, 128), dtype=jnp.float32)
    adj_t = jnp.zeros((1,), dtype=jnp.float32)  # unused by the module's forward
    tuples_coo = jax.random.randint(k_t, (3, 320000), 0, 10000, dtype=jnp.int64)
    return {"X": X, "adj_t": adj_t, "tuples_coo": tuples_coo}


def reference(X, adj_t, tuples_coo):
    # X[tuples_coo] gathers to shape [arity, n_tuples, d]; elementwise product over arity.
    gathered = jnp.take(X, tuples_coo, axis=0)  # [3, 320000, 128]
    return jnp.prod(gathered, axis=0)  # [320000, 128]

if __name__ == "__main__":
    import jax
    _d = setup_inputs()
    print(jax.jit(kernel)(*tuple(_d.values())))

</pallas_src>

<mosaic_0001>
#map = affine_map<(d0, d1) -> (0, 0)>
#map1 = affine_map<(d0, d1) -> (0)>
module attributes {stable_mosaic.version = 14 : i64} {
  func.func @k(%arg0: i32, %arg1: i32, %arg2: memref<10000x128xf32, #tpu.memory_space<hbm>>, %arg3: memref<960000xi32, #tpu.memory_space<hbm>>, %arg4: memref<320000x128xf32, #tpu.memory_space<hbm>>, %arg5: memref<120xi32, #tpu.memory_space<vmem>>, %arg6: memref<120xi32, #tpu.memory_space<vmem>>, %arg7: memref<120xi32, #tpu.memory_space<vmem>>, %arg8: memref<120x128xf32, #tpu.memory_space<vmem>>, %arg9: memref<120x128xf32, #tpu.memory_space<vmem>>, %arg10: memref<120x128xf32, #tpu.memory_space<vmem>>, %arg11: memref<10000x128xf32, #tpu.memory_space<vmem_shared>>, %arg12: memref<!tpu.dma_semaphore, #tpu.memory_space<semaphore_mem>>, %arg13: memref<!tpu.dma_semaphore, #tpu.memory_space<semaphore_mem>>, %arg14: memref<!tpu.dma_semaphore, #tpu.memory_space<semaphore_mem>>, %arg15: memref<!tpu.dma_semaphore, #tpu.memory_space<semaphore_mem>>, %arg16: memref<!tpu.dma_semaphore, #tpu.memory_space<semaphore_mem>>, %arg17: memref<!tpu.dma_semaphore, #tpu.memory_space<semaphore_mem>>, %arg18: memref<!tpu.dma_semaphore, #tpu.memory_space<semaphore_mem>>, %arg19: memref<!tpu.dma_semaphore, #tpu.memory_space<semaphore_mem>>, %arg20: memref<!tpu.dma_semaphore, #tpu.memory_space<semaphore_mem>>) attributes {dimension_semantics = [#tpu.dimension_semantics<core_parallel>, #tpu.dimension_semantics<subcore_parallel>], iteration_bounds = array<i64: 2, 16>, scalar_prefetch = 0 : i64, scratch_operands = 16 : i64, tpu.core_type = #tpu.core_type<sc_vector_subcore>, window_params = [{transform_indices = #map}, {transform_indices = #map1}, {transform_indices = #map}]} {
    %mul3A = arith.constant 2 : i32
    %mul3A_0 = arith.muli %arg1, %mul3A : i32
    %add3A = arith.addi %mul3A_0, %arg0 : i32
    %mul3A_1 = arith.constant 10000 : i32
    %mul3A_2 = arith.muli %add3A, %mul3A_1 : i32
    %eq3A = arith.constant 0 : i32
    %eq3A_3 = arith.cmpi eq, %arg1, %eq3A : i32
    %convert_element_type3A = arith.extui %eq3A_3 : i1 to i32
    %cond3A = arith.constant 0 : i32
    %cond3A_4 = arith.cmpi ne, %convert_element_type3A, %cond3A : i32
    scf.if %cond3A_4 {
      "tpu.region"() ({
        %run_scoped3A = tpu.sem_alloc : memref<!tpu.dma_semaphore, #tpu.memory_space<semaphore_mem>>
        tpu.enqueue_dma source(%arg2 : memref<10000x128xf32, #tpu.memory_space<hbm>>) target(%arg11 : memref<10000x128xf32, #tpu.memory_space<vmem_shared>>) target_semaphore(%run_scoped3A : memref<!tpu.dma_semaphore, #tpu.memory_space<semaphore_mem>>)
        tpu.wait_dma2 semaphore(%run_scoped3A : memref<!tpu.dma_semaphore, #tpu.memory_space<semaphore_mem>>) src(%arg2 : memref<10000x128xf32, #tpu.memory_space<hbm>>) dst(%arg11 : memref<10000x128xf32, #tpu.memory_space<vmem_shared>>)
        tpu.yield
      }) : () -> ()
    } else {
    }
    %barrier3A = arith.constant 0 : index
    tpu.barrier barrier_id(%barrier3A)
    %add3A_5 = arith.constant 0 : i32
    %add3A_6 = arith.addi %add3A_5, %mul3A_2 : i32
    %add3A_7 = arith.constant 0 : i32
    %add3A_8 = arith.addi %add3A_6, %add3A_7 : i32
    %multiple_of3A = tpu.assume_multiple %add3A_8, 8 : i32
    %dma_start3A = arith.constant 0 : i32
    %dma_start3A_9 = tpu.memref_slice %arg5[%dma_start3A] : memref<120xi32, #tpu.memory_space<vmem>> -> memref<40xi32, #tpu.memory_space<vmem>>
    %dma_start3A_10 = tpu.memref_slice %arg3[%multiple_of3A] : memref<960000xi32, #tpu.memory_space<hbm>> -> memref<40xi32, #tpu.memory_space<hbm>>
    %dma_start3A_11 = arith.constant 0 : i32
    %dma_start3A_12 = tpu.memref_slice %arg5[%dma_start3A_11] : memref<120xi32, #tpu.memory_space<vmem>> -> memref<40xi32, #tpu.memory_space<vmem>>
    %dma_start3A_13 = tpu.memref_slice %arg3[%multiple_of3A] : memref<960000xi32, #tpu.memory_space<hbm>> -> memref<40xi32, #tpu.memory_space<hbm>>
    tpu.enqueue_dma source(%dma_start3A_13 : memref<40xi32, #tpu.memory_space<hbm>>) target(%dma_start3A_12 : memref<40xi32, #tpu.memory_space<vmem>>) target_semaphore(%arg12 : memref<!tpu.dma_semaphore, #tpu.memory_space<semaphore_mem>>)
    %add3A_14 = arith.constant 320000 : i32
    %add3A_15 = arith.addi %add3A_14, %mul3A_2 : i32
    %add3A_16 = arith.constant 0 : i32
    %add3A_17 = arith.addi %add3A_15, %add3A_16 : i32
    %multiple_of3A_18 = tpu.assume_multiple %add3A_17, 8 : i32
    %dma_start3A_19 = arith.constant 40 : i32
    %dma_start3A_20 = tpu.memref_slice %arg5[%dma_start3A_19] : memref<120xi32, #tpu.memory_space<vmem>> -> memref<40xi32, #tpu.memory_space<vmem>>
    %dma_start3A_21 = tpu.memref_slice %arg3[%multiple_of3A_18] : memref<960000xi32, #tpu.memory_space<hbm>> -> memref<40xi32, #tpu.memory_space<hbm>>
    %dma_start3A_22 = arith.constant 40 : i32
    %dma_start3A_23 = tpu.memref_slice %arg5[%dma_start3A_22] : memref<120xi32, #tpu.memory_space<vmem>> -> memref<40xi32, #tpu.memory_space<vmem>>
    %dma_start3A_24 = tpu.memref_slice %arg3[%multiple_of3A_18] : memref<960000xi32, #tpu.memory_space<hbm>> -> memref<40xi32, #tpu.memory_space<hbm>>
    tpu.enqueue_dma source(%dma_start3A_24 : memref<40xi32, #tpu.memory_space<hbm>>) target(%dma_start3A_23 : memref<40xi32, #tpu.memory_space<vmem>>) target_semaphore(%arg12 : memref<!tpu.dma_semaphore, #tpu.memory_space<semaphore_mem>>)
    %add3A_25 = arith.constant 640000 : i32
    %add3A_26 = arith.addi %add3A_25, %mul3A_2 : i32
    %add3A_27 = arith.constant 0 : i32
    %add3A_28 = arith.addi %add3A_26, %add3A_27 : i32
    %multiple_of3A_29 = tpu.assume_multiple %add3A_28, 8 : i32
    %dma_start3A_30 = arith.constant 80 : i32
    %dma_start3A_31 = tpu.memref_slice %arg5[%dma_start3A_30] : memref<120xi32, #tpu.memory_space<vmem>> -> memref<40xi32, #tpu.memory_space<vmem>>
    %dma_start3A_32 = tpu.memref_slice %arg3[%multiple_of3A_29] : memref<960000xi32, #tpu.memory_space<hbm>> -> memref<40xi32, #tpu.memory_space<hbm>>
    %dma_start3A_33 = arith.constant 80 : i32
    %dma_start3A_34 = tpu.memref_slice %arg5[%dma_start3A_33] : memref<120xi32, #tpu.memory_space<vmem>> -> memref<40xi32, #tpu.memory_space<vmem>>
    %dma_start3A_35 = tpu.memref_slice %arg3[%multiple_of3A_29] : memref<960000xi32, #tpu.memory_space<hbm>> -> memref<40xi32, #tpu.memory_space<hbm>>
    tpu.enqueue_dma source(%dma_start3A_35 : memref<40xi32, #tpu.memory_space<hbm>>) target(%dma_start3A_34 : memref<40xi32, #tpu.memory_space<vmem>>) target_semaphore(%arg12 : memref<!tpu.dma_semaphore, #tpu.memory_space<semaphore_mem>>)
    %add3A_36 = arith.constant 0 : i32
    %add3A_37 = arith.addi %add3A_36, %mul3A_2 : i32
    %add3A_38 = arith.constant 40 : i32
    %add3A_39 = arith.addi %add3A_37, %add3A_38 : i32
    %multiple_of3A_40 = tpu.assume_multiple %add3A_39, 8 : i32
    %dma_start3A_41 = arith.constant 0 : i32
    %dma_start3A_42 = tpu.memref_slice %arg6[%dma_start3A_41] : memref<120xi32, #tpu.memory_space<vmem>> -> memref<40xi32, #tpu.memory_space<vmem>>
    %dma_start3A_43 = tpu.memref_slice %arg3[%multiple_of3A_40] : memref<960000xi32, #tpu.memory_space<hbm>> -> memref<40xi32, #tpu.memory_space<hbm>>
    %dma_start3A_44 = arith.constant 0 : i32
    %dma_start3A_45 = tpu.memref_slice %arg6[%dma_start3A_44] : memref<120xi32, #tpu.memory_space<vmem>> -> memref<40xi32, #tpu.memory_space<vmem>>
    %dma_start3A_46 = tpu.memref_slice %arg3[%multiple_of3A_40] : memref<960000xi32, #tpu.memory_space<hbm>> -> memref<40xi32, #tpu.memory_space<hbm>>
    tpu.enqueue_dma source(%dma_start3A_46 : memref<40xi32, #tpu.memory_space<hbm>>) target(%dma_start3A_45 : memref<40xi32, #tpu.memory_space<vmem>>) target_semaphore(%arg13 : memref<!tpu.dma_semaphore, #tpu.memory_space<semaphore_mem>>)
    %add3A_47 = arith.constant 320000 : i32
    %add3A_48 = arith.addi %add3A_47, %mul3A_2 : i32
    %add3A_49 = arith.constant 40 : i32
    %add3A_50 = arith.addi %add3A_48, %add3A_49 : i32
    %multiple_of3A_51 = tpu.assume_multiple %add3A_50, 8 : i32
    %dma_start3A_52 = arith.constant 40 : i32
    %dma_start3A_53 = tpu.memref_slice %arg6[%dma_start3A_52] : memref<120xi32, #tpu.memory_space<vmem>> -> memref<40xi32, #tpu.memory_space<vmem>>
    %dma_start3A_54 = tpu.memref_slice %arg3[%multiple_of3A_51] : memref<960000xi32, #tpu.memory_space<hbm>> -> memref<40xi32, #tpu.memory_space<hbm>>
    %dma_start3A_55 = arith.constant 40 : i32
    %dma_start3A_56 = tpu.memref_slice %arg6[%dma_start3A_55] : memref<120xi32, #tpu.memory_space<vmem>> -> memref<40xi32, #tpu.memory_space<vmem>>
    %dma_start3A_57 = tpu.memref_slice %arg3[%multiple_of3A_51] : memref<960000xi32, #tpu.memory_space<hbm>> -> memref<40xi32, #tpu.memory_space<hbm>>
    tpu.enqueue_dma source(%dma_start3A_57 : memref<40xi32, #tpu.memory_space<hbm>>) target(%dma_start3A_56 : memref<40xi32, #tpu.memory_space<vmem>>) target_semaphore(%arg13 : memref<!tpu.dma_semaphore, #tpu.memory_space<semaphore_mem>>)
    %add3A_58 = arith.constant 640000 : i32
    %add3A_59 = arith.addi %add3A_58, %mul3A_2 : i32
    %add3A_60 = arith.constant 40 : i32
    %add3A_61 = arith.addi %add3A_59, %add3A_60 : i32
    %multiple_of3A_62 = tpu.assume_multiple %add3A_61, 8 : i32
    %dma_start3A_63 = arith.constant 80 : i32
    %dma_start3A_64 = tpu.memref_slice %arg6[%dma_start3A_63] : memref<120xi32, #tpu.memory_space<vmem>> -> memref<40xi32, #tpu.memory_space<vmem>>
    %dma_start3A_65 = tpu.memref_slice %arg3[%multiple_of3A_62] : memref<960000xi32, #tpu.memory_space<hbm>> -> memref<40xi32, #tpu.memory_space<hbm>>
    %dma_start3A_66 = arith.constant 80 : i32
    %dma_start3A_67 = tpu.memref_slice %arg6[%dma_start3A_66] : memref<120xi32, #tpu.memory_space<vmem>> -> memref<40xi32, #tpu.memory_space<vmem>>
    %dma_start3A_68 = tpu.memref_slice %arg3[%multiple_of3A_62] : memref<960000xi32, #tpu.memory_space<hbm>> -> memref<40xi32, #tpu.memory_space<hbm>>
    tpu.enqueue_dma source(%dma_start3A_68 : memref<40xi32, #tpu.memory_space<hbm>>) target(%dma_start3A_67 : memref<40xi32, #tpu.memory_space<vmem>>) target_semaphore(%arg13 : memref<!tpu.dma_semaphore, #tpu.memory_space<semaphore_mem>>)
    %add3A_69 = arith.constant 0 : i32
    %add3A_70 = arith.addi %add3A_69, %mul3A_2 : i32
    %add3A_71 = arith.constant 80 : i32
    %add3A_72 = arith.addi %add3A_70, %add3A_71 : i32
    %multiple_of3A_73 = tpu.assume_multiple %add3A_72, 8 : i32
    %dma_start3A_74 = arith.constant 0 : i32
    %dma_start3A_75 = tpu.memref_slice %arg7[%dma_start3A_74] : memref<120xi32, #tpu.memory_space<vmem>> -> memref<40xi32, #tpu.memory_space<vmem>>
    %dma_start3A_76 = tpu.memref_slice %arg3[%multiple_of3A_73] : memref<960000xi32, #tpu.memory_space<hbm>> -> memref<40xi32, #tpu.memory_space<hbm>>
    %dma_start3A_77 = arith.constant 0 : i32
    %dma_start3A_78 = tpu.memref_slice %arg7[%dma_start3A_77] : memref<120xi32, #tpu.memory_space<vmem>> -> memref<40xi32, #tpu.memory_space<vmem>>
    %dma_start3A_79 = tpu.memref_slice %arg3[%multiple_of3A_73] : memref<960000xi32, #tpu.memory_space<hbm>> -> memref<40xi32, #tpu.memory_space<hbm>>
    tpu.enqueue_dma source(%dma_start3A_79 : memref<40xi32, #tpu.memory_space<hbm>>) target(%dma_start3A_78 : memref<40xi32, #tpu.memory_space<vmem>>) target_semaphore(%arg14 : memref<!tpu.dma_semaphore, #tpu.memory_space<semaphore_mem>>)
    %add3A_80 = arith.constant 320000 : i32
    %add3A_81 = arith.addi %add3A_80, %mul3A_2 : i32
    %add3A_82 = arith.constant 80 : i32
    %add3A_83 = arith.addi %add3A_81, %add3A_82 : i32
    %multiple_of3A_84 = tpu.assume_multiple %add3A_83, 8 : i32
    %dma_start3A_85 = arith.constant 40 : i32
    %dma_start3A_86 = tpu.memref_slice %arg7[%dma_start3A_85] : memref<120xi32, #tpu.memory_space<vmem>> -> memref<40xi32, #tpu.memory_space<vmem>>
    %dma_start3A_87 = tpu.memref_slice %arg3[%multiple_of3A_84] : memref<960000xi32, #tpu.memory_space<hbm>> -> memref<40xi32, #tpu.memory_space<hbm>>
    %dma_start3A_88 = arith.constant 40 : i32
    %dma_start3A_89 = tpu.memref_slice %arg7[%dma_start3A_88] : memref<120xi32, #tpu.memory_space<vmem>> -> memref<40xi32, #tpu.memory_space<vmem>>
    %dma_start3A_90 = tpu.memref_slice %arg3[%multiple_of3A_84] : memref<960000xi32, #tpu.memory_space<hbm>> -> memref<40xi32, #tpu.memory_space<hbm>>
    tpu.enqueue_dma source(%dma_start3A_90 : memref<40xi32, #tpu.memory_space<hbm>>) target(%dma_start3A_89 : memref<40xi32, #tpu.memory_space<vmem>>) target_semaphore(%arg14 : memref<!tpu.dma_semaphore, #tpu.memory_space<semaphore_mem>>)
    %add3A_91 = arith.constant 640000 : i32
    %add3A_92 = arith.addi %add3A_91, %mul3A_2 : i32
    %add3A_93 = arith.constant 80 : i32
    %add3A_94 = arith.addi %add3A_92, %add3A_93 : i32
    %multiple_of3A_95 = tpu.assume_multiple %add3A_94, 8 : i32
    %dma_start3A_96 = arith.constant 80 : i32
    %dma_start3A_97 = tpu.memref_slice %arg7[%dma_start3A_96] : memref<120xi32, #tpu.memory_space<vmem>> -> memref<40xi32, #tpu.memory_space<vmem>>
    %dma_start3A_98 = tpu.memref_slice %arg3[%multiple_of3A_95] : memref<960000xi32, #tpu.memory_space<hbm>> -> memref<40xi32, #tpu.memory_space<hbm>>
    %dma_start3A_99 = arith.constant 80 : i32
    %dma_start3A_100 = tpu.memref_slice %arg7[%dma_start3A_99] : memref<120xi32, #tpu.memory_space<vmem>> -> memref<40xi32, #tpu.memory_space<vmem>>
    %dma_start3A_101 = tpu.memref_slice %arg3[%multiple_of3A_95] : memref<960000xi32, #tpu.memory_space<hbm>> -> memref<40xi32, #tpu.memory_space<hbm>>
    tpu.enqueue_dma source(%dma_start3A_101 : memref<40xi32, #tpu.memory_space<hbm>>) target(%dma_start3A_100 : memref<40xi32, #tpu.memory_space<vmem>>) target_semaphore(%arg14 : memref<!tpu.dma_semaphore, #tpu.memory_space<semaphore_mem>>)
    %dma_wait3A = arith.constant 0 : i32
    %dma_wait3A_102 = tpu.memref_slice %arg3[%dma_wait3A] : memref<960000xi32, #tpu.memory_space<hbm>> -> memref<120xi32, #tpu.memory_space<hbm>>
    %dma_wait3A_103 = arith.constant 0 : i32
    %dma_wait3A_104 = tpu.memref_slice %arg3[%dma_wait3A_103] : memref<960000xi32, #tpu.memory_space<hbm>> -> memref<120xi32, #tpu.memory_space<hbm>>
    tpu.wait_dma2 semaphore(%arg12 : memref<!tpu.dma_semaphore, #tpu.memory_space<semaphore_mem>>) src(%dma_wait3A_104 : memref<120xi32, #tpu.memory_space<hbm>>) dst(%arg5 : memref<120xi32, #tpu.memory_space<vmem>>)
    %dma_start3A_105 = arith.constant 0 : i32
    %dma_start3A_106 = arith.constant 0 : i32
    %dma_start3A_107 = tpu.memref_slice %arg8[%dma_start3A_105, %dma_start3A_106] : memref<120x128xf32, #tpu.memory_space<vmem>> -> memref<40x128xf32, #tpu.memory_space<vmem>>
    %dma_start3A_108 = arith.constant 0 : i32
    %dma_start3A_109 = tpu.memref_slice %arg5[%dma_start3A_108] : memref<120xi32, #tpu.memory_space<vmem>> -> memref<40xi32, #tpu.memory_space<vmem>>
    %dma_start3A_110 = arith.constant 0 : i32
    %dma_start3A_111 = arith.constant 0 : i32
    %dma_start3A_112 = tpu.memref_slice %arg11[%dma_start3A_110, %dma_start3A_111] : memref<10000x128xf32, #tpu.memory_space<vmem_shared>> -> memref<10000x128xf32, #tpu.memory_space<vmem_shared>>
    tpu.enqueue_indirect_dma source(%dma_start3A_112 : memref<10000x128xf32, #tpu.memory_space<vmem_shared>>) target(%dma_start3A_107 : memref<40x128xf32, #tpu.memory_space<vmem>>) offsets(%dma_start3A_109 : memref<40xi32, #tpu.memory_space<vmem>>) semaphore(%arg15 : memref<!tpu.dma_semaphore, #tpu.memory_space<semaphore_mem>>)
    %dma_start3A_113 = arith.constant 40 : i32
    %dma_start3A_114 = arith.constant 0 : i32
    %dma_start3A_115 = tpu.memref_slice %arg8[%dma_start3A_113, %dma_start3A_114] : memref<120x128xf32, #tpu.memory_space<vmem>> -> memref<40x128xf32, #tpu.memory_space<vmem>>
    %dma_start3A_116 = arith.constant 40 : i32
    %dma_start3A_117 = tpu.memref_slice %arg5[%dma_start3A_116] : memref<120xi32, #tpu.memory_space<vmem>> -> memref<40xi32, #tpu.memory_space<vmem>>
    %dma_start3A_118 = arith.constant 0 : i32
    %dma_start3A_119 = arith.constant 0 : i32
    %dma_start3A_120 = tpu.memref_slice %arg11[%dma_start3A_118, %dma_start3A_119] : memref<10000x128xf32, #tpu.memory_space<vmem_shared>> -> memref<10000x128xf32, #tpu.memory_space<vmem_shared>>
    tpu.enqueue_indirect_dma source(%dma_start3A_120 : memref<10000x128xf32, #tpu.memory_space<vmem_shared>>) target(%dma_start3A_115 : memref<40x128xf32, #tpu.memory_space<vmem>>) offsets(%dma_start3A_117 : memref<40xi32, #tpu.memory_space<vmem>>) semaphore(%arg15 : memref<!tpu.dma_semaphore, #tpu.memory_space<semaphore_mem>>)
    %dma_start3A_121 = arith.constant 80 : i32
    %dma_start3A_122 = arith.constant 0 : i32
    %dma_start3A_123 = tpu.memref_slice %arg8[%dma_start3A_121, %dma_start3A_122] : memref<120x128xf32, #tpu.memory_space<vmem>> -> memref<40x128xf32, #tpu.memory_space<vmem>>
    %dma_start3A_124 = arith.constant 80 : i32
    %dma_start3A_125 = tpu.memref_slice %arg5[%dma_start3A_124] : memref<120xi32, #tpu.memory_space<vmem>> -> memref<40xi32, #tpu.memory_space<vmem>>
    %dma_start3A_126 = arith.constant 0 : i32
    %dma_start3A_127 = arith.constant 0 : i32
    %dma_start3A_128 = tpu.memref_slice %arg11[%dma_start3A_126, %dma_start3A_127] : memref<10000x128xf32, #tpu.memory_space<vmem_shared>> -> memref<10000x128xf32, #tpu.memory_space<vmem_shared>>
    tpu.enqueue_indirect_dma source(%dma_start3A_128 : memref<10000x128xf32, #tpu.memory_space<vmem_shared>>) target(%dma_start3A_123 : memref<40x128xf32, #tpu.memory_space<vmem>>) offsets(%dma_start3A_125 : memref<40xi32, #tpu.memory_space<vmem>>) semaphore(%arg15 : memref<!tpu.dma_semaphore, #tpu.memory_space<semaphore_mem>>)
    %dma_wait3A_129 = arith.constant 0 : i32
    %dma_wait3A_130 = tpu.memref_slice %arg3[%dma_wait3A_129] : memref<960000xi32, #tpu.memory_space<hbm>> -> memref<120xi32, #tpu.memory_space<hbm>>
    %dma_wait3A_131 = arith.constant 0 : i32
    %dma_wait3A_132 = tpu.memref_slice %arg3[%dma_wait3A_131] : memref<960000xi32, #tpu.memory_space<hbm>> -> memref<120xi32, #tpu.memory_space<hbm>>
    tpu.wait_dma2 semaphore(%arg13 : memref<!tpu.dma_semaphore, #tpu.memory_space<semaphore_mem>>) src(%dma_wait3A_132 : memref<120xi32, #tpu.memory_space<hbm>>) dst(%arg6 : memref<120xi32, #tpu.memory_space<vmem>>)
    %dma_start3A_133 = arith.constant 0 : i32
    %dma_start3A_134 = arith.constant 0 : i32
    %dma_start3A_135 = tpu.memref_slice %arg9[%dma_start3A_133, %dma_start3A_134] : memref<120x128xf32, #tpu.memory_space<vmem>> -> memref<40x128xf32, #tpu.memory_space<vmem>>
    %dma_start3A_136 = arith.constant 0 : i32
    %dma_start3A_137 = tpu.memref_slice %arg6[%dma_start3A_136] : memref<120xi32, #tpu.memory_space<vmem>> -> memref<40xi32, #tpu.memory_space<vmem>>
    %dma_start3A_138 = arith.constant 0 : i32
    %dma_start3A_139 = arith.constant 0 : i32
    %dma_start3A_140 = tpu.memref_slice %arg11[%dma_start3A_138, %dma_start3A_139] : memref<10000x128xf32, #tpu.memory_space<vmem_shared>> -> memref<10000x128xf32, #tpu.memory_space<vmem_shared>>
    tpu.enqueue_indirect_dma source(%dma_start3A_140 : memref<10000x128xf32, #tpu.memory_space<vmem_shared>>) target(%dma_start3A_135 : memref<40x128xf32, #tpu.memory_space<vmem>>) offsets(%dma_start3A_137 : memref<40xi32, #tpu.memory_space<vmem>>) semaphore(%arg16 : memref<!tpu.dma_semaphore, #tpu.memory_space<semaphore_mem>>)
    %dma_start3A_141 = arith.constant 40 : i32
    %dma_start3A_142 = arith.constant 0 : i32
    %dma_start3A_143 = tpu.memref_slice %arg9[%dma_start3A_141, %dma_start3A_142] : memref<120x128xf32, #tpu.memory_space<vmem>> -> memref<40x128xf32, #tpu.memory_space<vmem>>
    %dma_start3A_144 = arith.constant 40 : i32
    %dma_start3A_145 = tpu.memref_slice %arg6[%dma_start3A_144] : memref<120xi32, #tpu.memory_space<vmem>> -> memref<40xi32, #tpu.memory_space<vmem>>
    %dma_start3A_146 = arith.constant 0 : i32
    %dma_start3A_147 = arith.constant 0 : i32
    %dma_start3A_148 = tpu.memref_slice %arg11[%dma_start3A_146, %dma_start3A_147] : memref<10000x128xf32, #tpu.memory_space<vmem_shared>> -> memref<10000x128xf32, #tpu.memory_space<vmem_shared>>
    tpu.enqueue_indirect_dma source(%dma_start3A_148 : memref<10000x128xf32, #tpu.memory_space<vmem_shared>>) target(%dma_start3A_143 : memref<40x128xf32, #tpu.memory_space<vmem>>) offsets(%dma_start3A_145 : memref<40xi32, #tpu.memory_space<vmem>>) semaphore(%arg16 : memref<!tpu.dma_semaphore, #tpu.memory_space<semaphore_mem>>)
    %dma_start3A_149 = arith.constant 80 : i32
    %dma_start3A_150 = arith.constant 0 : i32
    %dma_start3A_151 = tpu.memref_slice %arg9[%dma_start3A_149, %dma_start3A_150] : memref<120x128xf32, #tpu.memory_space<vmem>> -> memref<40x128xf32, #tpu.memory_space<vmem>>
    %dma_start3A_152 = arith.constant 80 : i32
    %dma_start3A_153 = tpu.memref_slice %arg6[%dma_start3A_152] : memref<120xi32, #tpu.memory_space<vmem>> -> memref<40xi32, #tpu.memory_space<vmem>>
    %dma_start3A_154 = arith.constant 0 : i32
    %dma_start3A_155 = arith.constant 0 : i32
    %dma_start3A_156 = tpu.memref_slice %arg11[%dma_start3A_154, %dma_start3A_155] : memref<10000x128xf32, #tpu.memory_space<vmem_shared>> -> memref<10000x128xf32, #tpu.memory_space<vmem_shared>>
    tpu.enqueue_indirect_dma source(%dma_start3A_156 : memref<10000x128xf32, #tpu.memory_space<vmem_shared>>) target(%dma_start3A_151 : memref<40x128xf32, #tpu.memory_space<vmem>>) offsets(%dma_start3A_153 : memref<40xi32, #tpu.memory_space<vmem>>) semaphore(%arg16 : memref<!tpu.dma_semaphore, #tpu.memory_space<semaphore_mem>>)
    %scan3A = arith.constant 0 : i32
    %scan3A_157 = arith.constant 0 : i32
    %scan3A_158 = arith.constant 83 : i32
    %scan3A_159 = arith.addi %scan3A_157, %scan3A_158 : i32
    %scan3A_160 = arith.constant 1 : i32
    scf.for %scan3A_202 = %scan3A_157 to %scan3A_159 step %scan3A_160  : i32 {
      %mul3A_203 = arith.constant 3 : i32
      %mul3A_204 = arith.muli %mul3A_203, %scan3A_202 : i32
      %gt3A = arith.constant 0 : i32
      %gt3A_205 = arith.cmpi sgt, %mul3A_204, %gt3A : i32
      %convert_element_type3A_206 = arith.extui %gt3A_205 : i1 to i32
      %cond3A_207 = arith.constant 0 : i32
      %cond3A_208 = arith.cmpi ne, %convert_element_type3A_206, %cond3A_207 : i32
      scf.if %cond3A_208 {
        %dma_wait3A_330 = arith.constant 0 : i32
        %dma_wait3A_331 = arith.constant 0 : i32
        %dma_wait3A_332 = tpu.memref_slice %arg10[%dma_wait3A_330, %dma_wait3A_331] : memref<120x128xf32, #tpu.memory_space<vmem>> -> memref<40x128xf32, #tpu.memory_space<vmem>>
        %dma_wait3A_333 = arith.constant 0 : i32
        %dma_wait3A_334 = tpu.memref_slice %arg4[%mul3A_2, %dma_wait3A_333] : memref<320000x128xf32, #tpu.memory_space<hbm>> -> memref<40x128xf32, #tpu.memory_space<hbm>>
        %dma_wait3A_335 = arith.constant 0 : i32
        %dma_wait3A_336 = tpu.memref_slice %arg4[%mul3A_2, %dma_wait3A_335] : memref<320000x128xf32, #tpu.memory_space<hbm>> -> memref<40x128xf32, #tpu.memory_space<hbm>>
        %dma_wait3A_337 = arith.constant 0 : i32
        %dma_wait3A_338 = arith.constant 0 : i32
        %dma_wait3A_339 = tpu.memref_slice %arg10[%dma_wait3A_337, %dma_wait3A_338] : memref<120x128xf32, #tpu.memory_space<vmem>> -> memref<40x128xf32, #tpu.memory_space<vmem>>
        tpu.wait_dma2 semaphore(%arg20 : memref<!tpu.dma_semaphore, #tpu.memory_space<semaphore_mem>>) src(%dma_wait3A_339 : memref<40x128xf32, #tpu.memory_space<vmem>>) dst(%dma_wait3A_336 : memref<40x128xf32, #tpu.memory_space<hbm>>)
      } else {
      }
      %add3A_209 = arith.constant 2 : i32
      %add3A_210 = arith.addi %mul3A_204, %add3A_209 : i32
      %lt3A = arith.constant 250 : i32
      %lt3A_211 = arith.cmpi slt, %add3A_210, %lt3A : i32
      %convert_element_type3A_212 = arith.extui %lt3A_211 : i1 to i32
      %cond3A_213 = arith.constant 0 : i32
      %cond3A_214 = arith.cmpi ne, %convert_element_type3A_212, %cond3A_213 : i32
      scf.if %cond3A_214 {
        %dma_wait3A_330 = arith.constant 0 : i32
        %dma_wait3A_331 = tpu.memref_slice %arg3[%dma_wait3A_330] : memref<960000xi32, #tpu.memory_space<hbm>> -> memref<120xi32, #tpu.memory_space<hbm>>
        %dma_wait3A_332 = arith.constant 0 : i32
        %dma_wait3A_333 = tpu.memref_slice %arg3[%dma_wait3A_332] : memref<960000xi32, #tpu.memory_space<hbm>> -> memref<120xi32, #tpu.memory_space<hbm>>
        tpu.wait_dma2 semaphore(%arg14 : memref<!tpu.dma_semaphore, #tpu.memory_space<semaphore_mem>>) src(%dma_wait3A_333 : memref<120xi32, #tpu.memory_space<hbm>>) dst(%arg7 : memref<120xi32, #tpu.memory_space<vmem>>)
        %dma_start3A_334 = arith.constant 0 : i32
        %dma_start3A_335 = arith.constant 0 : i32
        %dma_start3A_336 = tpu.memref_slice %arg10[%dma_start3A_334, %dma_start3A_335] : memref<120x128xf32, #tpu.memory_space<vmem>> -> memref<40x128xf32, #tpu.memory_space<vmem>>
        %dma_start3A_337 = arith.constant 0 : i32
        %dma_start3A_338 = tpu.memref_slice %arg7[%dma_start3A_337] : memref<120xi32, #tpu.memory_space<vmem>> -> memref<40xi32, #tpu.memory_space<vmem>>
        %dma_start3A_339 = arith.constant 0 : i32
        %dma_start3A_340 = arith.constant 0 : i32
        %dma_start3A_341 = tpu.memref_slice %arg11[%dma_start3A_339, %dma_start3A_340] : memref<10000x128xf32, #tpu.memory_space<vmem_shared>> -> memref<10000x128xf32, #tpu.memory_space<vmem_shared>>
        tpu.enqueue_indirect_dma source(%dma_start3A_341 : memref<10000x128xf32, #tpu.memory_space<vmem_shared>>) target(%dma_start3A_336 : memref<40x128xf32, #tpu.memory_space<vmem>>) offsets(%dma_start3A_338 : memref<40xi32, #tpu.memory_space<vmem>>) semaphore(%arg17 : memref<!tpu.dma_semaphore, #tpu.memory_space<semaphore_mem>>)
        %dma_start3A_342 = arith.constant 40 : i32
        %dma_start3A_343 = arith.constant 0 : i32
        %dma_start3A_344 = tpu.memref_slice %arg10[%dma_start3A_342, %dma_start3A_343] : memref<120x128xf32, #tpu.memory_space<vmem>> -> memref<40x128xf32, #tpu.memory_space<vmem>>
        %dma_start3A_345 = arith.constant 40 : i32
        %dma_start3A_346 = tpu.memref_slice %arg7[%dma_start3A_345] : memref<120xi32, #tpu.memory_space<vmem>> -> memref<40xi32, #tpu.memory_space<vmem>>
        %dma_start3A_347 = arith.constant 0 : i32
        %dma_start3A_348 = arith.constant 0 : i32
        %dma_start3A_349 = tpu.memref_slice %arg11[%dma_start3A_347, %dma_start3A_348] : memref<10000x128xf32, #tpu.memory_space<vmem_shared>> -> memref<10000x128xf32, #tpu.memory_space<vmem_shared>>
        tpu.enqueue_indirect_dma source(%dma_start3A_349 : memref<10000x128xf32, #tpu.memory_space<vmem_shared>>) target(%dma_start3A_344 : memref<40x128xf32, #tpu.memory_space<vmem>>) offsets(%dma_start3A_346 : memref<40xi32, #tpu.memory_space<vmem>>) semaphore(%arg17 : memref<!tpu.dma_semaphore, #tpu.memory_space<semaphore_mem>>)
        %dma_start3A_350 = arith.constant 80 : i32
        %dma_start3A_351 = arith.constant 0 : i32
        %dma_start3A_352 = tpu.memref_slice %arg10[%dma_start3A_350, %dma_start3A_351] : memref<120x128xf32, #tpu.memory_space<vmem>> -> memref<40x128xf32, #tpu.memory_space<vmem>>
        %dma_start3A_353 = arith.constant 80 : i32
        %dma_start3A_354 = tpu.memref_slice %arg7[%dma_start3A_353] : memref<120xi32, #tpu.memory_space<vmem>> -> memref<40xi32, #tpu.memory_space<vmem>>
        %dma_start3A_355 = arith.constant 0 : i32
        %dma_start3A_356 = arith.constant 0 : i32
        %dma_start3A_357 = tpu.memref_slice %arg11[%dma_start3A_355, %dma_start3A_356] : memref<10000x128xf32, #tpu.memory_space<vmem_shared>> -> memref<10000x128xf32, #tpu.memory_space<vmem_shared>>
        tpu.enqueue_indirect_dma source(%dma_start3A_357 : memref<10000x128xf32, #tpu.memory_space<vmem_shared>>) target(%dma_start3A_352 : memref<40x128xf32, #tpu.memory_space<vmem>>) offsets(%dma_start3A_354 : memref<40xi32, #tpu.memory_space<vmem>>) semaphore(%arg17 : memref<!tpu.dma_semaphore, #tpu.memory_space<semaphore_mem>>)
      } else {
      }
      %dma_wait3A_215 = arith.constant 0 : i32
      %dma_wait3A_216 = arith.constant 0 : i32
      %dma_wait3A_217 = tpu.memref_slice %arg2[%dma_wait3A_215, %dma_wait3A_216] : memref<10000x128xf32, #tpu.memory_space<hbm>> -> memref<120x128xf32, #tpu.memory_space<hbm>>
      %dma_wait3A_218 = arith.constant 0 : i32
      %dma_wait3A_219 = arith.constant 0 : i32
      %dma_wait3A_220 = tpu.memref_slice %arg2[%dma_wait3A_218, %dma_wait3A_219] : memref<10000x128xf32, #tpu.memory_space<hbm>> -> memref<120x128xf32, #tpu.memory_space<hbm>>
      tpu.wait_dma2 semaphore(%arg15 : memref<!tpu.dma_semaphore, #tpu.memory_space<semaphore_mem>>) src(%dma_wait3A_220 : memref<120x128xf32, #tpu.memory_space<hbm>>) dst(%arg8 : memref<120x128xf32, #tpu.memory_space<vmem>>)
      %add3A_221 = arith.constant 3 : i32
      %add3A_222 = arith.addi %mul3A_204, %add3A_221 : i32
      %lt3A_223 = arith.constant 250 : i32
      %lt3A_224 = arith.cmpi slt, %add3A_222, %lt3A_223 : i32
      %convert_element_type3A_225 = arith.extui %lt3A_224 : i1 to i32
      %cond3A_226 = arith.constant 0 : i32
      %cond3A_227 = arith.cmpi ne, %convert_element_type3A_225, %cond3A_226 : i32
      scf.if %cond3A_227 {
        %add3A_330 = arith.constant 3 : i32
        %add3A_331 = arith.addi %mul3A_204, %add3A_330 : i32
        %add3A_332 = arith.constant 0 : i32
        %add3A_333 = arith.addi %add3A_332, %mul3A_2 : i32
        %mul3A_334 = arith.constant 40 : i32
        %mul3A_335 = arith.muli %add3A_331, %mul3A_334 : i32
        %add3A_336 = arith.addi %add3A_333, %mul3A_335 : i32
        %multiple_of3A_337 = tpu.assume_multiple %add3A_336, 8 : i32
        %dma_start3A_338 = arith.constant 0 : i32
        %dma_start3A_339 = tpu.memref_slice %arg5[%dma_start3A_338] : memref<120xi32, #tpu.memory_space<vmem>> -> memref<40xi32, #tpu.memory_space<vmem>>
        %dma_start3A_340 = tpu.memref_slice %arg3[%multiple_of3A_337] : memref<960000xi32, #tpu.memory_space<hbm>> -> memref<40xi32, #tpu.memory_space<hbm>>
        %dma_start3A_341 = arith.constant 0 : i32
        %dma_start3A_342 = tpu.memref_slice %arg5[%dma_start3A_341] : memref<120xi32, #tpu.memory_space<vmem>> -> memref<40xi32, #tpu.memory_space<vmem>>
        %dma_start3A_343 = tpu.memref_slice %arg3[%multiple_of3A_337] : memref<960000xi32, #tpu.memory_space<hbm>> -> memref<40xi32, #tpu.memory_space<hbm>>
        tpu.enqueue_dma source(%dma_start3A_343 : memref<40xi32, #tpu.memory_space<hbm>>) target(%dma_start3A_342 : memref<40xi32, #tpu.memory_space<vmem>>) target_semaphore(%arg12 : memref<!tpu.dma_semaphore, #tpu.memory_space<semaphore_mem>>)
        %add3A_344 = arith.constant 320000 : i32
        %add3A_345 = arith.addi %add3A_344, %mul3A_2 : i32
        %mul3A_346 = arith.constant 40 : i32
        %mul3A_347 = arith.muli %add3A_331, %mul3A_346 : i32
        %add3A_348 = arith.addi %add3A_345, %mul3A_347 : i32
        %multiple_of3A_349 = tpu.assume_multiple %add3A_348, 8 : i32
        %dma_start3A_350 = arith.constant 40 : i32
        %dma_start3A_351 = tpu.memref_slice %arg5[%dma_start3A_350] : memref<120xi32, #tpu.memory_space<vmem>> -> memref<40xi32, #tpu.memory_space<vmem>>
        %dma_start3A_352 = tpu.memref_slice %arg3[%multiple_of3A_349] : memref<960000xi32, #tpu.memory_space<hbm>> -> memref<40xi32, #tpu.memory_space<hbm>>
        %dma_start3A_353 = arith.constant 40 : i32
        %dma_start3A_354 = tpu.memref_slice %arg5[%dma_start3A_353] : memref<120xi32, #tpu.memory_space<vmem>> -> memref<40xi32, #tpu.memory_space<vmem>>
        %dma_start3A_355 = tpu.memref_slice %arg3[%multiple_of3A_349] : memref<960000xi32, #tpu.memory_space<hbm>> -> memref<40xi32, #tpu.memory_space<hbm>>
        tpu.enqueue_dma source(%dma_start3A_355 : memref<40xi32, #tpu.memory_space<hbm>>) target(%dma_start3A_354 : memref<40xi32, #tpu.memory_space<vmem>>) target_semaphore(%arg12 : memref<!tpu.dma_semaphore, #tpu.memory_space<semaphore_mem>>)
        %add3A_356 = arith.constant 640000 : i32
        %add3A_357 = arith.addi %add3A_356, %mul3A_2 : i32
        %mul3A_358 = arith.constant 40 : i32
        %mul3A_359 = arith.muli %add3A_331, %mul3A_358 : i32
        %add3A_360 = arith.addi %add3A_357, %mul3A_359 : i32
        %multiple_of3A_361 = tpu.assume_multiple %add3A_360, 8 : i32
        %dma_start3A_362 = arith.constant 80 : i32
        %dma_start3A_363 = tpu.memref_slice %arg5[%dma_start3A_362] : memref<120xi32, #tpu.memory_space<vmem>> -> memref<40xi32, #tpu.memory_space<vmem>>
        %dma_start3A_364 = tpu.memref_slice %arg3[%multiple_of3A_361] : memref<960000xi32, #tpu.memory_space<hbm>> -> memref<40xi32, #tpu.memory_space<hbm>>
        %dma_start3A_365 = arith.constant 80 : i32
        %dma_start3A_366 = tpu.memref_slice %arg5[%dma_start3A_365] : memref<120xi32, #tpu.memory_space<vmem>> -> memref<40xi32, #tpu.memory_space<vmem>>
        %dma_start3A_367 = tpu.memref_slice %arg3[%multiple_of3A_361] : memref<960000xi32, #tpu.memory_space<hbm>> -> memref<40xi32, #tpu.memory_space<hbm>>
        tpu.enqueue_dma source(%dma_start3A_367 : memref<40xi32, #tpu.memory_space<hbm>>) target(%dma_start3A_366 : memref<40xi32, #tpu.memory_space<vmem>>) target_semaphore(%arg12 : memref<!tpu.dma_semaphore, #tpu.memory_space<semaphore_mem>>)
      } else {
      }
      %parallel_loop3A_228 = arith.constant 0 : i32
      %parallel_loop3A_229 = arith.constant 40 : i32
      %parallel_loop3A_230 = arith.constant 1 : i32
      scf.for %parallel_loop3A_330 = %parallel_loop3A_228 to %parallel_loop3A_229 step %parallel_loop3A_230  : i32 {
        %parallel_loop3A_331 = arith.index_cast %parallel_loop3A_330 : i32 to index
        %parallel_loop3A_332 = arith.constant 0 : index
        %parallel_loop3A_333 = tpu.vector_load %arg8[%parallel_loop3A_331, %parallel_loop3A_332] {strides = array<i32>} : memref<120x128xf32, #tpu.memory_space<vmem>>, vector<1x16xf32>,
        %parallel_loop3A_334 = vector.shape_cast %parallel_loop3A_333 : vector<1x16xf32> to vector<16xf32>
        %parallel_loop3A_335 = arith.constant 40 : i32
        %parallel_loop3A_336 = arith.addi %parallel_loop3A_335, %parallel_loop3A_330 : i32
        %parallel_loop3A_337 = arith.index_cast %parallel_loop3A_336 : i32 to index
        %parallel_loop3A_338 = arith.constant 0 : index
        %parallel_loop3A_339 = tpu.vector_load %arg8[%parallel_loop3A_337, %parallel_loop3A_338] {strides = array<i32>} : memref<120x128xf32, #tpu.memory_space<vmem>>, vector<1x16xf32>,
        %parallel_loop3A_340 = vector.shape_cast %parallel_loop3A_339 : vector<1x16xf32> to vector<16xf32>
        %parallel_loop3A_341 = arith.mulf %parallel_loop3A_334, %parallel_loop3A_340 : vector<16xf32>
        %parallel_loop3A_342 = arith.constant 80 : i32
        %parallel_loop3A_343 = arith.addi %parallel_loop3A_342, %parallel_loop3A_330 : i32
        %parallel_loop3A_344 = arith.index_cast %parallel_loop3A_343 : i32 to index
        %parallel_loop3A_345 = arith.constant 0 : index
        %parallel_loop3A_346 = tpu.vector_load %arg8[%parallel_loop3A_344, %parallel_loop3A_345] {strides = array<i32>} : memref<120x128xf32, #tpu.memory_space<vmem>>, vector<1x16xf32>,
        %parallel_loop3A_347 = vector.shape_cast %parallel_loop3A_346 : vector<1x16xf32> to vector<16xf32>
        %parallel_loop3A_348 = arith.mulf %parallel_loop3A_341, %parallel_loop3A_347 : vector<16xf32>
        %parallel_loop3A_349 = arith.index_cast %parallel_loop3A_330 : i32 to index
        %parallel_loop3A_350 = arith.constant 0 : index
        %parallel_loop3A_351 = tpu.vector_load %arg8[%parallel_loop3A_349, %parallel_loop3A_350] {strides = array<i32>} : memref<120x128xf32, #tpu.memory_space<vmem>>, vector<1x16xf32>,
        %parallel_loop3A_352 = vector.shape_cast %parallel_loop3A_351 : vector<1x16xf32> to vector<16xf32>
        %parallel_loop3A_353 = vector.shape_cast %parallel_loop3A_348 : vector<16xf32> to vector<1x16xf32>
        tpu.vector_store %arg8[%parallel_loop3A_349, %parallel_loop3A_350], %parallel_loop3A_353 {strides = array<i32>} : memref<120x128xf32, #tpu.memory_space<vmem>>, vector<1x16xf32>,
        %parallel_loop3A_354 = arith.index_cast %parallel_loop3A_330 : i32 to index
        %parallel_loop3A_355 = arith.constant 16 : index
        %parallel_loop3A_356 = tpu.vector_load %arg8[%parallel_loop3A_354, %parallel_loop3A_355] {strides = array<i32>} : memref<120x128xf32, #tpu.memory_space<vmem>>, vector<1x16xf32>,
        %parallel_loop3A_357 = vector.shape_cast %parallel_loop3A_356 : vector<1x16xf32> to vector<16xf32>
        %parallel_loop3A_358 = arith.constant 40 : i32
        %parallel_loop3A_359 = arith.addi %parallel_loop3A_358, %parallel_loop3A_330 : i32
        %parallel_loop3A_360 = arith.index_cast %parallel_loop3A_359 : i32 to index
        %parallel_loop3A_361 = arith.constant 16 : index
        %parallel_loop3A_362 = tpu.vector_load %arg8[%parallel_loop3A_360, %parallel_loop3A_361] {strides = array<i32>} : memref<120x128xf32, #tpu.memory_space<vmem>>, vector<1x16xf32>,
        %parallel_loop3A_363 = vector.shape_cast %parallel_loop3A_362 : vector<1x16xf32> to vector<16xf32>
        %parallel_loop3A_364 = arith.mulf %parallel_loop3A_357, %parallel_loop3A_363 : vector<16xf32>
        %parallel_loop3A_365 = arith.constant 80 : i32
        %parallel_loop3A_366 = arith.addi %parallel_loop3A_365, %parallel_loop3A_330 : i32
        %parallel_loop3A_367 = arith.index_cast %parallel_loop3A_366 : i32 to index
        %parallel_loop3A_368 = arith.constant 16 : index
        %parallel_loop3A_369 = tpu.vector_load %arg8[%parallel_loop3A_367, %parallel_loop3A_368] {strides = array<i32>} : memref<120x128xf32, #tpu.memory_space<vmem>>, vector<1x16xf32>,
        %parallel_loop3A_370 = vector.shape_cast %parallel_loop3A_369 : vector<1x16xf32> to vector<16xf32>
        %parallel_loop3A_371 = arith.mulf %parallel_loop3A_364, %parallel_loop3A_370 : vector<16xf32>
        %parallel_loop3A_372 = arith.index_cast %parallel_loop3A_330 : i32 to index
        %parallel_loop3A_373 = arith.constant 16 : index
        %parallel_loop3A_374 = tpu.vector_load %arg8[%parallel_loop3A_372, %parallel_loop3A_373] {strides = array<i32>} : memref<120x128xf32, #tpu.memory_space<vmem>>, vector<1x16xf32>,
        %parallel_loop3A_375 = vector.shape_cast %parallel_loop3A_374 : vector<1x16xf32> to vector<16xf32>
        %parallel_loop3A_376 = vector.shape_cast %parallel_loop3A_371 : vector<16xf32> to vector<1x16xf32>
        tpu.vector_store %arg8[%parallel_loop3A_372, %parallel_loop3A_373], %parallel_loop3A_376 {strides = array<i32>} : memref<120x128xf32, #tpu.memory_space<vmem>>, vector<1x16xf32>,
        %parallel_loop3A_377 = arith.index_cast %parallel_loop3A_330 : i32 to index
        %parallel_loop3A_378 = arith.constant 32 : index
        %parallel_loop3A_379 = tpu.vector_load %arg8[%parallel_loop3A_377, %parallel_loop3A_378] {strides = array<i32>} : memref<120x128xf32, #tpu.memory_space<vmem>>, vector<1x16xf32>,
        %parallel_loop3A_380 = vector.shape_cast %parallel_loop3A_379 : vector<1x16xf32> to vector<16xf32>
        %parallel_loop3A_381 = arith.constant 40 : i32
        %parallel_loop3A_382 = arith.addi %parallel_loop3A_381, %parallel_loop3A_330 : i32
        %parallel_loop3A_383 = arith.index_cast %parallel_loop3A_382 : i32 to index
        %parallel_loop3A_384 = arith.constant 32 : index
        %parallel_loop3A_385 = tpu.vector_load %arg8[%parallel_loop3A_383, %parallel_loop3A_384] {strides = array<i32>} : memref<120x128xf32, #tpu.memory_space<vmem>>, vector<1x16xf32>,
        %parallel_loop3A_386 = vector.shape_cast %parallel_loop3A_385 : vector<1x16xf32> to vector<16xf32>
        %parallel_loop3A_387 = arith.mulf %parallel_loop3A_380, %parallel_loop3A_386 : vector<16xf32>
        %parallel_loop3A_388 = arith.constant 80 : i32
        %parallel_loop3A_389 = arith.addi %parallel_loop3A_388, %parallel_loop3A_330 : i32
        %parallel_loop3A_390 = arith.index_cast %parallel_loop3A_389 : i32 to index
        %parallel_loop3A_391 = arith.constant 32 : index
        %parallel_loop3A_392 = tpu.vector_load %arg8[%parallel_loop3A_390, %parallel_loop3A_391] {strides = array<i32>} : memref<120x128xf32, #tpu.memory_space<vmem>>, vector<1x16xf32>,
        %parallel_loop3A_393 = vector.shape_cast %parallel_loop3A_392 : vector<1x16xf32> to vector<16xf32>
        %parallel_loop3A_394 = arith.mulf %parallel_loop3A_387, %parallel_loop3A_393 : vector<16xf32>
        %parallel_loop3A_395 = arith.index_cast %parallel_loop3A_330 : i32 to index
        %parallel_loop3A_396 = arith.constant 32 : index
        %parallel_loop3A_397 = tpu.vector_load %arg8[%parallel_loop3A_395, %parallel_loop3A_396] {strides = array<i32>} : memref<120x128xf32, #tpu.memory_space<vmem>>, vector<1x16xf32>,
        %parallel_loop3A_398 = vector.shape_cast %parallel_loop3A_397 : vector<1x16xf32> to vector<16xf32>
        %parallel_loop3A_399 = vector.shape_cast %parallel_loop3A_394 : vector<16xf32> to vector<1x16xf32>
        tpu.vector_store %arg8[%parallel_loop3A_395, %parallel_loop3A_396], %parallel_loop3A_399 {strides = array<i32>} : memref<120x128xf32, #tpu.memory_space<vmem>>, vector<1x16xf32>,
        %parallel_loop3A_400 = arith.index_cast %parallel_loop3A_330 : i32 to index
        %parallel_loop3A_401 = arith.constant 48 : index
        %parallel_loop3A_402 = tpu.vector_load %arg8[%parallel_loop3A_400, %parallel_loop3A_401] {strides = array<i32>} : memref<120x128xf32, #tpu.memory_space<vmem>>, vector<1x16xf32>,
        %parallel_loop3A_403 = vector.shape_cast %parallel_loop3A_402 : vector<1x16xf32> to vector<16xf32>
        %parallel_loop3A_404 = arith.constant 40 : i32
        %parallel_loop3A_405 = arith.addi %parallel_loop3A_404, %parallel_loop3A_330 : i32
        %parallel_loop3A_406 = arith.index_cast %parallel_loop3A_405 : i32 to index
        %parallel_loop3A_407 = arith.constant 48 : index
        %parallel_loop3A_408 = tpu.vector_load %arg8[%parallel_loop3A_406, %parallel_loop3A_407] {strides = array<i32>} : memref<120x128xf32, #tpu.memory_space<vmem>>, vector<1x16xf32>,
        %parallel_loop3A_409 = vector.shape_cast %parallel_loop3A_408 : vector<1x16xf32> to vector<16xf32>
        %parallel_loop3A_410 = arith.mulf %parallel_loop3A_403, %parallel_loop3A_409 : vector<16xf32>
        %parallel_loop3A_411 = arith.constant 80 : i32
        %parallel_loop3A_412 = arith.addi %parallel_loop3A_411, %parallel_loop3A_330 : i32
        %parallel_loop3A_413 = arith.index_cast %parallel_loop3A_412 : i32 to index
        %parallel_loop3A_414 = arith.constant 48 : index
        %parallel_loop3A_415 = tpu.vector_load %arg8[%parallel_loop3A_413, %parallel_loop3A_414] {strides = array<i32>} : memref<120x128xf32, #tpu.memory_space<vmem>>, vector<1x16xf32>,
        %parallel_loop3A_416 = vector.shape_cast %parallel_loop3A_415 : vector<1x16xf32> to vector<16xf32>
        %parallel_loop3A_417 = arith.mulf %parallel_loop3A_410, %parallel_loop3A_416 : vector<16xf32>
        %parallel_loop3A_418 = arith.index_cast %parallel_loop3A_330 : i32 to index
        %parallel_loop3A_419 = arith.constant 48 : index
        %parallel_loop3A_420 = tpu.vector_load %arg8[%parallel_loop3A_418, %parallel_loop3A_419] {strides = array<i32>} : memref<120x128xf32, #tpu.memory_space<vmem>>, vector<1x16xf32>,
        %parallel_loop3A_421 = vector.shape_cast %parallel_loop3A_420 : vector<1x16xf32> to vector<16xf32>
        %parallel_loop3A_422 = vector.shape_cast %parallel_loop3A_417 : vector<16xf32> to vector<1x16xf32>
        tpu.vector_store %arg8[%parallel_loop3A_418, %parallel_loop3A_419], %parallel_loop3A_422 {strides = array<i32>} : memref<120x128xf32, #tpu.memory_space<vmem>>, vector<1x16xf32>,
        %parallel_loop3A_423 = arith.index_cast %parallel_loop3A_330 : i32 to index
        %parallel_loop3A_424 = arith.constant 64 : index
        %parallel_loop3A_425 = tpu.vector_load %arg8[%parallel_loop3A_423, %parallel_loop3A_424] {strides = array<i32>} : memref<120x128xf32, #tpu.memory_space<vmem>>, vector<1x16xf32>,
        %parallel_loop3A_426 = vector.shape_cast %parallel_loop3A_425 : vector<1x16xf32> to vector<16xf32>
        %parallel_loop3A_427 = arith.constant 40 : i32
        %parallel_loop3A_428 = arith.addi %parallel_loop3A_427, %parallel_loop3A_330 : i32
        %parallel_loop3A_429 = arith.index_cast %parallel_loop3A_428 : i32 to index
        %parallel_loop3A_430 = arith.constant 64 : index
        %parallel_loop3A_431 = tpu.vector_load %arg8[%parallel_loop3A_429, %parallel_loop3A_430] {strides = array<i32>} : memref<120x128xf32, #tpu.memory_space<vmem>>, vector<1x16xf32>,
        %parallel_loop3A_432 = vector.shape_cast %parallel_loop3A_431 : vector<1x16xf32> to vector<16xf32>
        %parallel_loop3A_433 = arith.mulf %parallel_loop3A_426, %parallel_loop3A_432 : vector<16xf32>
        %parallel_loop3A_434 = arith.constant 80 : i32
        %parallel_loop3A_435 = arith.addi %parallel_loop3A_434, %parallel_loop3A_330 : i32
        %parallel_loop3A_436 = arith.index_cast %parallel_loop3A_435 : i32 to index
        %parallel_loop3A_437 = arith.constant 64 : index
        %parallel_loop3A_438 = tpu.vector_load %arg8[%parallel_loop3A_436, %parallel_loop3A_437] {strides = array<i32>} : memref<120x128xf32, #tpu.memory_space<vmem>>, vector<1x16xf32>,
        %parallel_loop3A_439 = vector.shape_cast %parallel_loop3A_438 : vector<1x16xf32> to vector<16xf32>
        %parallel_loop3A_440 = arith.mulf %parallel_loop3A_433, %parallel_loop3A_439 : vector<16xf32>
        %parallel_loop3A_441 = arith.index_cast %parallel_loop3A_330 : i32 to index
        %parallel_loop3A_442 = arith.constant 64 : index
        %parallel_loop3A_443 = tpu.vector_load %arg8[%parallel_loop3A_441, %parallel_loop3A_442] {strides = array<i32>} : memref<120x128xf32, #tpu.memory_space<vmem>>, vector<1x16xf32>,
        %parallel_loop3A_444 = vector.shape_cast %parallel_loop3A_443 : vector<1x16xf32> to vector<16xf32>
        %parallel_loop3A_445 = vector.shape_cast %parallel_loop3A_440 : vector<16xf32> to vector<1x16xf32>
        tpu.vector_store %arg8[%parallel_loop3A_441, %parallel_loop3A_442], %parallel_loop3A_445 {strides = array<i32>} : memref<120x128xf32, #tpu.memory_space<vmem>>, vector<1x16xf32>,
        %parallel_loop3A_446 = arith.index_cast %parallel_loop3A_330 : i32 to index
        %parallel_loop3A_447 = arith.constant 80 : index
        %parallel_loop3A_448 = tpu.vector_load %arg8[%parallel_loop3A_446, %parallel_loop3A_447] {strides = array<i32>} : memref<120x128xf32, #tpu.memory_space<vmem>>, vector<1x16xf32>,
        %parallel_loop3A_449 = vector.shape_cast %parallel_loop3A_448 : vector<1x16xf32> to vector<16xf32>
        %parallel_loop3A_450 = arith.constant 40 : i32
        %parallel_loop3A_451 = arith.addi %parallel_loop3A_450, %parallel_loop3A_330 : i32
        %parallel_loop3A_452 = arith.index_cast %parallel_loop3A_451 : i32 to index
        %parallel_loop3A_453 = arith.constant 80 : index
        %parallel_loop3A_454 = tpu.vector_load %arg8[%parallel_loop3A_452, %parallel_loop3A_453] {strides = array<i32>} : memref<120x128xf32, #tpu.memory_space<vmem>>, vector<1x16xf32>,
        %parallel_loop3A_455 = vector.shape_cast %parallel_loop3A_454 : vector<1x16xf32> to vector<16xf32>
        %parallel_loop3A_456 = arith.mulf %parallel_loop3A_449, %parallel_loop3A_455 : vector<16xf32>
        %parallel_loop3A_457 = arith.constant 80 : i32
        %parallel_loop3A_458 = arith.addi %parallel_loop3A_457, %parallel_loop3A_330 : i32
        %parallel_loop3A_459 = arith.index_cast %parallel_loop3A_458 : i32 to index
        %parallel_loop3A_460 = arith.constant 80 : index
        %parallel_loop3A_461 = tpu.vector_load %arg8[%parallel_loop3A_459, %parallel_loop3A_460] {strides = array<i32>} : memref<120x128xf32, #tpu.memory_space<vmem>>, vector<1x16xf32>,
        %parallel_loop3A_462 = vector.shape_cast %parallel_loop3A_461 : vector<1x16xf32> to vector<16xf32>
        %parallel_loop3A_463 = arith.mulf %parallel_loop3A_456, %parallel_loop3A_462 : vector<16xf32>
        %parallel_loop3A_464 = arith.index_cast %parallel_loop3A_330 : i32 to index
        %parallel_loop3A_465 = arith.constant 80 : index
        %parallel_loop3A_466 = tpu.vector_load %arg8[%parallel_loop3A_464, %parallel_loop3A_465] {strides = array<i32>} : memref<120x128xf32, #tpu.memory_space<vmem>>, vector<1x16xf32>,
        %parallel_loop3A_467 = vector.shape_cast %parallel_loop3A_466 : vector<1x16xf32> to vector<16xf32>
        %parallel_loop3A_468 = vector.shape_cast %parallel_loop3A_463 : vector<16xf32> to vector<1x16xf32>
        tpu.vector_store %arg8[%parallel_loop3A_464, %parallel_loop3A_465], %parallel_loop3A_468 {strides = array<i32>} : memref<120x128xf32, #tpu.memory_space<vmem>>, vector<1x16xf32>,
        %parallel_loop3A_469 = arith.index_cast %parallel_loop3A_330 : i32 to index
        %parallel_loop3A_470 = arith.constant 96 : index
        %parallel_loop3A_471 = tpu.vector_load %arg8[%parallel_loop3A_469, %parallel_loop3A_470] {strides = array<i32>} : memref<120x128xf32, #tpu.memory_space<vmem>>, vector<1x16xf32>,
        %parallel_loop3A_472 = vector.shape_cast %parallel_loop3A_471 : vector<1x16xf32> to vector<16xf32>
        %parallel_loop3A_473 = arith.constant 40 : i32
        %parallel_loop3A_474 = arith.addi %parallel_loop3A_473, %parallel_loop3A_330 : i32
        %parallel_loop3A_475 = arith.index_cast %parallel_loop3A_474 : i32 to index
        %parallel_loop3A_476 = arith.constant 96 : index
        %parallel_loop3A_477 = tpu.vector_load %arg8[%parallel_loop3A_475, %parallel_loop3A_476] {strides = array<i32>} : memref<120x128xf32, #tpu.memory_space<vmem>>, vector<1x16xf32>,
        %parallel_loop3A_478 = vector.shape_cast %parallel_loop3A_477 : vector<1x16xf32> to vector<16xf32>
        %parallel_loop3A_479 = arith.mulf %parallel_loop3A_472, %parallel_loop3A_478 : vector<16xf32>
        %parallel_loop3A_480 = arith.constant 80 : i32
        %parallel_loop3A_481 = arith.addi %parallel_loop3A_480, %parallel_loop3A_330 : i32
        %parallel_loop3A_482 = arith.index_cast %parallel_loop3A_481 : i32 to index
        %parallel_loop3A_483 = arith.constant 96 : index
        %parallel_loop3A_484 = tpu.vector_load %arg8[%parallel_loop3A_482, %parallel_loop3A_483] {strides = array<i32>} : memref<120x128xf32, #tpu.memory_space<vmem>>, vector<1x16xf32>,
        %parallel_loop3A_485 = vector.shape_cast %parallel_loop3A_484 : vector<1x16xf32> to vector<16xf32>
        %parallel_loop3A_486 = arith.mulf %parallel_loop3A_479, %parallel_loop3A_485 : vector<16xf32>
        %parallel_loop3A_487 = arith.index_cast %parallel_loop3A_330 : i32 to index
        %parallel_loop3A_488 = arith.constant 96 : index
        %parallel_loop3A_489 = tpu.vector_load %arg8[%parallel_loop3A_487, %parallel_loop3A_488] {strides = array<i32>} : memref<120x128xf32, #tpu.memory_space<vmem>>, vector<1x16xf32>,
        %parallel_loop3A_490 = vector.shape_cast %parallel_loop3A_489 : vector<1x16xf32> to vector<16xf32>
        %parallel_loop3A_491 = vector.shape_cast %parallel_loop3A_486 : vector<16xf32> to vector<1x16xf32>
        tpu.vector_store %arg8[%parallel_loop3A_487, %parallel_loop3A_488], %parallel_loop3A_491 {strides = array<i32>} : memref<120x128xf32, #tpu.memory_space<vmem>>, vector<1x16xf32>,
        %parallel_loop3A_492 = arith.index_cast %parallel_loop3A_330 : i32 to index
        %parallel_loop3A_493 = arith.constant 112 : index
        %parallel_loop3A_494 = tpu.vector_load %arg8[%parallel_loop3A_492, %parallel_loop3A_493] {strides = array<i32>} : memref<120x128xf32, #tpu.memory_space<vmem>>, vector<1x16xf32>,
        %parallel_loop3A_495 = vector.shape_cast %parallel_loop3A_494 : vector<1x16xf32> to vector<16xf32>
        %parallel_loop3A_496 = arith.constant 40 : i32
        %parallel_loop3A_497 = arith.addi %parallel_loop3A_496, %parallel_loop3A_330 : i32
        %parallel_loop3A_498 = arith.index_cast %parallel_loop3A_497 : i32 to index
        %parallel_loop3A_499 = arith.constant 112 : index
        %parallel_loop3A_500 = tpu.vector_load %arg8[%parallel_loop3A_498, %parallel_loop3A_499] {strides = array<i32>} : memref<120x128xf32, #tpu.memory_space<vmem>>, vector<1x16xf32>,
        %parallel_loop3A_501 = vector.shape_cast %parallel_loop3A_500 : vector<1x16xf32> to vector<16xf32>
        %parallel_loop3A_502 = arith.mulf %parallel_loop3A_495, %parallel_loop3A_501 : vector<16xf32>
        %parallel_loop3A_503 = arith.constant 80 : i32
        %parallel_loop3A_504 = arith.addi %parallel_loop3A_503, %parallel_loop3A_330 : i32
        %parallel_loop3A_505 = arith.index_cast %parallel_loop3A_504 : i32 to index
        %parallel_loop3A_506 = arith.constant 112 : index
        %parallel_loop3A_507 = tpu.vector_load %arg8[%parallel_loop3A_505, %parallel_loop3A_506] {strides = array<i32>} : memref<120x128xf32, #tpu.memory_space<vmem>>, vector<1x16xf32>,
        %parallel_loop3A_508 = vector.shape_cast %parallel_loop3A_507 : vector<1x16xf32> to vector<16xf32>
        %parallel_loop3A_509 = arith.mulf %parallel_loop3A_502, %parallel_loop3A_508 : vector<16xf32>
        %parallel_loop3A_510 = arith.index_cast %parallel_loop3A_330 : i32 to index
        %parallel_loop3A_511 = arith.constant 112 : index
        %parallel_loop3A_512 = tpu.vector_load %arg8[%parallel_loop3A_510, %parallel_loop3A_511] {strides = array<i32>} : memref<120x128xf32, #tpu.memory_space<vmem>>, vector<1x16xf32>,
        %parallel_loop3A_513 = vector.shape_cast %parallel_loop3A_512 : vector<1x16xf32> to vector<16xf32>
        %parallel_loop3A_514 = vector.shape_cast %parallel_loop3A_509 : vector<16xf32> to vector<1x16xf32>
        tpu.vector_store %arg8[%parallel_loop3A_510, %parallel_loop3A_511], %parallel_loop3A_514 {strides = array<i32>} : memref<120x128xf32, #tpu.memory_space<vmem>>, vector<1x16xf32>,
      } {sc.loop_unroll_factor = 4 : i64, sc.parallel_access}
      %mul3A_231 = arith.constant 40 : i32
      %mul3A_232 = arith.muli %mul3A_204, %mul3A_231 : i32
      %add3A_233 = arith.addi %mul3A_2, %mul3A_232 : i32
      %dma_start3A_234 = arith.constant 0 : i32
      %dma_start3A_235 = arith.constant 0 : i32
      %dma_start3A_236 = tpu.memref_slice %arg8[%dma_start3A_234, %dma_start3A_235] : memref<120x128xf32, #tpu.memory_space<vmem>> -> memref<40x128xf32, #tpu.memory_space<vmem>>
      %dma_start3A_237 = arith.constant 0 : i32
      %dma_start3A_238 = tpu.memref_slice %arg4[%add3A_233, %dma_start3A_237] : memref<320000x128xf32, #tpu.memory_space<hbm>> -> memref<40x128xf32, #tpu.memory_space<hbm>>
      %dma_start3A_239 = arith.constant 0 : i32
      %dma_start3A_240 = tpu.memref_slice %arg4[%add3A_233, %dma_start3A_239] : memref<320000x128xf32, #tpu.memory_space<hbm>> -> memref<40x128xf32, #tpu.memory_space<hbm>>
      %dma_start3A_241 = arith.constant 0 : i32
      %dma_start3A_242 = arith.constant 0 : i32
      %dma_start3A_243 = tpu.memref_slice %arg8[%dma_start3A_241, %dma_start3A_242] : memref<120x128xf32, #tpu.memory_space<vmem>> -> memref<40x128xf32, #tpu.memory_space<vmem>>
      tpu.enqueue_dma source(%dma_start3A_243 : memref<40x128xf32, #tpu.memory_space<vmem>>) target(%dma_start3A_240 : memref<40x128xf32, #tpu.memory_space<hbm>>) target_semaphore(%arg18 : memref<!tpu.dma_semaphore, #tpu.memory_space<semaphore_mem>>)
      %add3A_244 = arith.constant 1 : i32
      %add3A_245 = arith.addi %mul3A_204, %add3A_244 : i32
      %gt3A_246 = arith.constant 0 : i32
      %gt3A_247 = arith.cmpi sgt, %add3A_245, %gt3A_246 : i32
      %convert_element_type3A_248 = arith.extui %gt3A_247 : i1 to i32
      %cond3A_249 = arith.constant 0 : i32
      %cond3A_250 = arith.cmpi ne, %convert_element_type3A_248, %cond3A_249 : i32
      scf.if %cond3A_250 {
        %dma_wait3A_330 = arith.constant 0 : i32
        %dma_wait3A_331 = arith.constant 0 : i32
        %dma_wait3A_332 = tpu.memref_slice %arg8[%dma_wait3A_330, %dma_wait3A_331] : memref<120x128xf32, #tpu.memory_space<vmem>> -> memref<40x128xf32, #tpu.memory_space<vmem>>
        %dma_wait3A_333 = arith.constant 0 : i32
        %dma_wait3A_334 = tpu.memref_slice %arg4[%mul3A_2, %dma_wait3A_333] : memref<320000x128xf32, #tpu.memory_space<hbm>> -> memref<40x128xf32, #tpu.memory_space<hbm>>
        %dma_wait3A_335 = arith.constant 0 : i32
        %dma_wait3A_336 = tpu.memref_slice %arg4[%mul3A_2, %dma_wait3A_335] : memref<320000x128xf32, #tpu.memory_space<hbm>> -> memref<40x128xf32, #tpu.memory_space<hbm>>
        %dma_wait3A_337 = arith.constant 0 : i32
        %dma_wait3A_338 = arith.constant 0 : i32
        %dma_wait3A_339 = tpu.memref_slice %arg8[%dma_wait3A_337, %dma_wait3A_338] : memref<120x128xf32, #tpu.memory_space<vmem>> -> memref<40x128xf32, #tpu.memory_space<vmem>>
        tpu.wait_dma2 semaphore(%arg18 : memref<!tpu.dma_semaphore, #tpu.memory_space<semaphore_mem>>) src(%dma_wait3A_339 : memref<40x128xf32, #tpu.memory_space<vmem>>) dst(%dma_wait3A_336 : memref<40x128xf32, #tpu.memory_space<hbm>>)
      } else {
      }
      %add3A_251 = arith.constant 2 : i32
      %add3A_252 = arith.addi %add3A_245, %add3A_251 : i32
      %lt3A_253 = arith.constant 250 : i32
      %lt3A_254 = arith.cmpi slt, %add3A_252, %lt3A_253 : i32
      %convert_element_type3A_255 = arith.extui %lt3A_254 : i1 to i32
      %cond3A_256 = arith.constant 0 : i32
      %cond3A_257 = arith.cmpi ne, %convert_element_type3A_255, %cond3A_256 : i32
      scf.if %cond3A_257 {
        %dma_wait3A_330 = arith.constant 0 : i32
        %dma_wait3A_331 = tpu.memref_slice %arg3[%dma_wait3A_330] : memref<960000xi32, #tpu.memory_space<hbm>> -> memref<120xi32, #tpu.memory_space<hbm>>
        %dma_wait3A_332 = arith.constant 0 : i32
        %dma_wait3A_333 = tpu.memref_slice %arg3[%dma_wait3A_332] : memref<960000xi32, #tpu.memory_space<hbm>> -> memref<120xi32, #tpu.memory_space<hbm>>
        tpu.wait_dma2 semaphore(%arg12 : memref<!tpu.dma_semaphore, #tpu.memory_space<semaphore_mem>>) src(%dma_wait3A_333 : memref<120xi32, #tpu.memory_space<hbm>>) dst(%arg5 : memref<120xi32, #tpu.memory_space<vmem>>)
        %dma_start3A_334 = arith.constant 0 : i32
        %dma_start3A_335 = arith.constant 0 : i32
        %dma_start3A_336 = tpu.memref_slice %arg8[%dma_start3A_334, %dma_start3A_335] : memref<120x128xf32, #tpu.memory_space<vmem>> -> memref<40x128xf32, #tpu.memory_space<vmem>>
        %dma_start3A_337 = arith.constant 0 : i32
        %dma_start3A_338 = tpu.memref_slice %arg5[%dma_start3A_337] : memref<120xi32, #tpu.memory_space<vmem>> -> memref<40xi32, #tpu.memory_space<vmem>>
        %dma_start3A_339 = arith.constant 0 : i32
        %dma_start3A_340 = arith.constant 0 : i32
        %dma_start3A_341 = tpu.memref_slice %arg11[%dma_start3A_339, %dma_start3A_340] : memref<10000x128xf32, #tpu.memory_space<vmem_shared>> -> memref<10000x128xf32, #tpu.memory_space<vmem_shared>>
        tpu.enqueue_indirect_dma source(%dma_start3A_341 : memref<10000x128xf32, #tpu.memory_space<vmem_shared>>) target(%dma_start3A_336 : memref<40x128xf32, #tpu.memory_space<vmem>>) offsets(%dma_start3A_338 : memref<40xi32, #tpu.memory_space<vmem>>) semaphore(%arg15 : memref<!tpu.dma_semaphore, #tpu.memory_space<semaphore_mem>>)
        %dma_start3A_342 = arith.constant 40 : i32
        %dma_start3A_343 = arith.constant 0 : i32
        %dma_start3A_344 = tpu.memref_slice %arg8[%dma_start3A_342, %dma_start3A_343] : memref<120x128xf32, #tpu.memory_space<vmem>> -> memref<40x128xf32, #tpu.memory_space<vmem>>
        %dma_start3A_345 = arith.constant 40 : i32
        %dma_start3A_346 = tpu.memref_slice %arg5[%dma_start3A_345] : memref<120xi32, #tpu.memory_space<vmem>> -> memref<40xi32, #tpu.memory_space<vmem>>
        %dma_start3A_347 = arith.constant 0 : i32
        %dma_start3A_348 = arith.constant 0 : i32
        %dma_start3A_349 = tpu.memref_slice %arg11[%dma_start3A_347, %dma_start3A_348] : memref<10000x128xf32, #tpu.memory_space<vmem_shared>> -> memref<10000x128xf32, #tpu.memory_space<vmem_shared>>
        tpu.enqueue_indirect_dma source(%dma_start3A_349 : memref<10000x128xf32, #tpu.memory_space<vmem_shared>>) target(%dma_start3A_344 : memref<40x128xf32, #tpu.memory_space<vmem>>) offsets(%dma_start3A_346 : memref<40xi32, #tpu.memory_space<vmem>>) semaphore(%arg15 : memref<!tpu.dma_semaphore, #tpu.memory_space<semaphore_mem>>)
        %dma_start3A_350 = arith.constant 80 : i32
        %dma_start3A_351 = arith.constant 0 : i32
        %dma_start3A_352 = tpu.memref_slice %arg8[%dma_start3A_350, %dma_start3A_351] : memref<120x128xf32, #tpu.memory_space<vmem>> -> memref<40x128xf32, #tpu.memory_space<vmem>>
        %dma_start3A_353 = arith.constant 80 : i32
        %dma_start3A_354 = tpu.memref_slice %arg5[%dma_start3A_353] : memref<120xi32, #tpu.memory_space<vmem>> -> memref<40xi32, #tpu.memory_space<vmem>>
        %dma_start3A_355 = arith.constant 0 : i32
        %dma_start3A_356 = arith.constant 0 : i32
        %dma_start3A_357 = tpu.memref_slice %arg11[%dma_start3A_355, %dma_start3A_356] : memref<10000x128xf32, #tpu.memory_space<vmem_shared>> -> memref<10000x128xf32, #tpu.memory_space<vmem_shared>>
        tpu.enqueue_indirect_dma source(%dma_start3A_357 : memref<10000x128xf32, #tpu.memory_space<vmem_shared>>) target(%dma_start3A_352 : memref<40x128xf32, #tpu.memory_space<vmem>>) offsets(%dma_start3A_354 : memref<40xi32, #tpu.memory_space<vmem>>) semaphore(%arg15 : memref<!tpu.dma_semaphore, #tpu.memory_space<semaphore_mem>>)
      } else {
      }
      %dma_wait3A_258 = arith.constant 0 : i32
      %dma_wait3A_259 = arith.constant 0 : i32
      %dma_wait3A_260 = tpu.memref_slice %arg2[%dma_wait3A_258, %dma_wait3A_259] : memref<10000x128xf32, #tpu.memory_space<hbm>> -> memref<120x128xf32, #tpu.memory_space<hbm>>
      %dma_wait3A_261 = arith.constant 0 : i32
      %dma_wait3A_262 = arith.constant 0 : i32
      %dma_wait3A_263 = tpu.memref_slice %arg2[%dma_wait3A_261, %dma_wait3A_262] : memref<10000x128xf32, #tpu.memory_space<hbm>> -> memref<120x128xf32, #tpu.memory_space<hbm>>
      tpu.wait_dma2 semaphore(%arg16 : memref<!tpu.dma_semaphore, #tpu.memory_space<semaphore_mem>>) src(%dma_wait3A_263 : memref<120x128xf32, #tpu.memory_space<hbm>>) dst(%arg9 : memref<120x128xf32, #tpu.memory_space<vmem>>)
      %add3A_264 = arith.constant 3 : i32
      %add3A_265 = arith.addi %add3A_245, %add3A_264 : i32
      %lt3A_266 = arith.constant 250 : i32
      %lt3A_267 = arith.cmpi slt, %add3A_265, %lt3A_266 : i32
      %convert_element_type3A_268 = arith.extui %lt3A_267 : i1 to i32
      %cond3A_269 = arith.constant 0 : i32
      %cond3A_270 = arith.cmpi ne, %convert_element_type3A_268, %cond3A_269 : i32
      scf.if %cond3A_270 {
        %add3A_330 = arith.constant 3 : i32
        %add3A_331 = arith.addi %add3A_245, %add3A_330 : i32
        %add3A_332 = arith.constant 0 : i32
        %add3A_333 = arith.addi %add3A_332, %mul3A_2 : i32
        %mul3A_334 = arith.constant 40 : i32
        %mul3A_335 = arith.muli %add3A_331, %mul3A_334 : i32
        %add3A_336 = arith.addi %add3A_333, %mul3A_335 : i32
        %multiple_of3A_337 = tpu.assume_multiple %add3A_336, 8 : i32
        %dma_start3A_338 = arith.constant 0 : i32
        %dma_start3A_339 = tpu.memref_slice %arg6[%dma_start3A_338] : memref<120xi32, #tpu.memory_space<vmem>> -> memref<40xi32, #tpu.memory_space<vmem>>
        %dma_start3A_340 = tpu.memref_slice %arg3[%multiple_of3A_337] : memref<960000xi32, #tpu.memory_space<hbm>> -> memref<40xi32, #tpu.memory_space<hbm>>
        %dma_start3A_341 = arith.constant 0 : i32
        %dma_start3A_342 = tpu.memref_slice %arg6[%dma_start3A_341] : memref<120xi32, #tpu.memory_space<vmem>> -> memref<40xi32, #tpu.memory_space<vmem>>
        %dma_start3A_343 = tpu.memref_slice %arg3[%multiple_of3A_337] : memref<960000xi32, #tpu.memory_space<hbm>> -> memref<40xi32, #tpu.memory_space<hbm>>
        tpu.enqueue_dma source(%dma_start3A_343 : memref<40xi32, #tpu.memory_space<hbm>>) target(%dma_start3A_342 : memref<40xi32, #tpu.memory_space<vmem>>) target_semaphore(%arg13 : memref<!tpu.dma_semaphore, #tpu.memory_space<semaphore_mem>>)
        %add3A_344 = arith.constant 320000 : i32
        %add3A_345 = arith.addi %add3A_344, %mul3A_2 : i32
        %mul3A_346 = arith.constant 40 : i32
        %mul3A_347 = arith.muli %add3A_331, %mul3A_346 : i32
        %add3A_348 = arith.addi %add3A_345, %mul3A_347 : i32
        %multiple_of3A_349 = tpu.assume_multiple %add3A_348, 8 : i32
        %dma_start3A_350 = arith.constant 40 : i32
        %dma_start3A_351 = tpu.memref_slice %arg6[%dma_start3A_350] : memref<120xi32, #tpu.memory_space<vmem>> -> memref<40xi32, #tpu.memory_space<vmem>>
        %dma_start3A_352 = tpu.memref_slice %arg3[%multiple_of3A_349] : memref<960000xi32, #tpu.memory_space<hbm>> -> memref<40xi32, #tpu.memory_space<hbm>>
        %dma_start3A_353 = arith.constant 40 : i32
        %dma_start3A_354 = tpu.memref_slice %arg6[%dma_start3A_353] : memref<120xi32, #tpu.memory_space<vmem>> -> memref<40xi32, #tpu.memory_space<vmem>>
        %dma_start3A_355 = tpu.memref_slice %arg3[%multiple_of3A_349] : memref<960000xi32, #tpu.memory_space<hbm>> -> memref<40xi32, #tpu.memory_space<hbm>>
        tpu.enqueue_dma source(%dma_start3A_355 : memref<40xi32, #tpu.memory_space<hbm>>) target(%dma_start3A_354 : memref<40xi32, #tpu.memory_space<vmem>>) target_semaphore(%arg13 : memref<!tpu.dma_semaphore, #tpu.memory_space<semaphore_mem>>)
        %add3A_356 = arith.constant 640000 : i32
        %add3A_357 = arith.addi %add3A_356, %mul3A_2 : i32
        %mul3A_358 = arith.constant 40 : i32
        %mul3A_359 = arith.muli %add3A_331, %mul3A_358 : i32
        %add3A_360 = arith.addi %add3A_357, %mul3A_359 : i32
        %multiple_of3A_361 = tpu.assume_multiple %add3A_360, 8 : i32
        %dma_start3A_362 = arith.constant 80 : i32
        %dma_start3A_363 = tpu.memref_slice %arg6[%dma_start3A_362] : memref<120xi32, #tpu.memory_space<vmem>> -> memref<40xi32, #tpu.memory_space<vmem>>
        %dma_start3A_364 = tpu.memref_slice %arg3[%multiple_of3A_361] : memref<960000xi32, #tpu.memory_space<hbm>> -> memref<40xi32, #tpu.memory_space<hbm>>
        %dma_start3A_365 = arith.constant 80 : i32
        %dma_start3A_366 = tpu.memref_slice %arg6[%dma_start3A_365] : memref<120xi32, #tpu.memory_space<vmem>> -> memref<40xi32, #tpu.memory_space<vmem>>
        %dma_start3A_367 = tpu.memref_slice %arg3[%multiple_of3A_361] : memref<960000xi32, #tpu.memory_space<hbm>> -> memref<40xi32, #tpu.memory_space<hbm>>
        tpu.enqueue_dma source(%dma_start3A_367 : memref<40xi32, #tpu.memory_space<hbm>>) target(%dma_start3A_366 : memref<40xi32, #tpu.memory_space<vmem>>) target_semaphore(%arg13 : memref<!tpu.dma_semaphore, #tpu.memory_space<semaphore_mem>>)
      } else {
      }
      %parallel_loop3A_271 = arith.constant 0 : i32
      %parallel_loop3A_272 = arith.constant 40 : i32
      %parallel_loop3A_273 = arith.constant 1 : i32
      scf.for %parallel_loop3A_330 = %parallel_loop3A_271 to %parallel_loop3A_272 step %parallel_loop3A_273  : i32 {
        %parallel_loop3A_331 = arith.index_cast %parallel_loop3A_330 : i32 to index
        %parallel_loop3A_332 = arith.constant 0 : index
        %parallel_loop3A_333 = tpu.vector_load %arg9[%parallel_loop3A_331, %parallel_loop3A_332] {strides = array<i32>} : memref<120x128xf32, #tpu.memory_space<vmem>>, vector<1x16xf32>,
        %parallel_loop3A_334 = vector.shape_cast %parallel_loop3A_333 : vector<1x16xf32> to vector<16xf32>
        %parallel_loop3A_335 = arith.constant 40 : i32
        %parallel_loop3A_336 = arith.addi %parallel_loop3A_335, %parallel_loop3A_330 : i32
        %parallel_loop3A_337 = arith.index_cast %parallel_loop3A_336 : i32 to index
        %parallel_loop3A_338 = arith.constant 0 : index
        %parallel_loop3A_339 = tpu.vector_load %arg9[%parallel_loop3A_337, %parallel_loop3A_338] {strides = array<i32>} : memref<120x128xf32, #tpu.memory_space<vmem>>, vector<1x16xf32>,
        %parallel_loop3A_340 = vector.shape_cast %parallel_loop3A_339 : vector<1x16xf32> to vector<16xf32>
        %parallel_loop3A_341 = arith.mulf %parallel_loop3A_334, %parallel_loop3A_340 : vector<16xf32>
        %parallel_loop3A_342 = arith.constant 80 : i32
        %parallel_loop3A_343 = arith.addi %parallel_loop3A_342, %parallel_loop3A_330 : i32
        %parallel_loop3A_344 = arith.index_cast %parallel_loop3A_343 : i32 to index
        %parallel_loop3A_345 = arith.constant 0 : index
        %parallel_loop3A_346 = tpu.vector_load %arg9[%parallel_loop3A_344, %parallel_loop3A_345] {strides = array<i32>} : memref<120x128xf32, #tpu.memory_space<vmem>>, vector<1x16xf32>,
        %parallel_loop3A_347 = vector.shape_cast %parallel_loop3A_346 : vector<1x16xf32> to vector<16xf32>
        %parallel_loop3A_348 = arith.mulf %parallel_loop3A_341, %parallel_loop3A_347 : vector<16xf32>
        %parallel_loop3A_349 = arith.index_cast %parallel_loop3A_330 : i32 to index
        %parallel_loop3A_350 = arith.constant 0 : index
        %parallel_loop3A_351 = tpu.vector_load %arg9[%parallel_loop3A_349, %parallel_loop3A_350] {strides = array<i32>} : memref<120x128xf32, #tpu.memory_space<vmem>>, vector<1x16xf32>,
        %parallel_loop3A_352 = vector.shape_cast %parallel_loop3A_351 : vector<1x16xf32> to vector<16xf32>
        %parallel_loop3A_353 = vector.shape_cast %parallel_loop3A_348 : vector<16xf32> to vector<1x16xf32>
        tpu.vector_store %arg9[%parallel_loop3A_349, %parallel_loop3A_350], %parallel_loop3A_353 {strides = array<i32>} : memref<120x128xf32, #tpu.memory_space<vmem>>, vector<1x16xf32>,
        %parallel_loop3A_354 = arith.index_cast %parallel_loop3A_330 : i32 to index
        %parallel_loop3A_355 = arith.constant 16 : index
        %parallel_loop3A_356 = tpu.vector_load %arg9[%parallel_loop3A_354, %parallel_loop3A_355] {strides = array<i32>} : memref<120x128xf32, #tpu.memory_space<vmem>>, vector<1x16xf32>,
        %parallel_loop3A_357 = vector.shape_cast %parallel_loop3A_356 : vector<1x16xf32> to vector<16xf32>
        %parallel_loop3A_358 = arith.constant 40 : i32
        %parallel_loop3A_359 = arith.addi %parallel_loop3A_358, %parallel_loop3A_330 : i32
        %parallel_loop3A_360 = arith.index_cast %parallel_loop3A_359 : i32 to index
        %parallel_loop3A_361 = arith.constant 16 : index
        %parallel_loop3A_362 = tpu.vector_load %arg9[%parallel_loop3A_360, %parallel_loop3A_361] {strides = array<i32>} : memref<120x128xf32, #tpu.memory_space<vmem>>, vector<1x16xf32>,
        %parallel_loop3A_363 = vector.shape_cast %parallel_loop3A_362 : vector<1x16xf32> to vector<16xf32>
        %parallel_loop3A_364 = arith.mulf %parallel_loop3A_357, %parallel_loop3A_363 : vector<16xf32>
        %parallel_loop3A_365 = arith.constant 80 : i32
        %parallel_loop3A_366 = arith.addi %parallel_loop3A_365, %parallel_loop3A_330 : i32
        %parallel_loop3A_367 = arith.index_cast %parallel_loop3A_366 : i32 to index
        %parallel_loop3A_368 = arith.constant 16 : index
        %parallel_loop3A_369 = tpu.vector_load %arg9[%parallel_loop3A_367, %parallel_loop3A_368] {strides = array<i32>} : memref<120x128xf32, #tpu.memory_space<vmem>>, vector<1x16xf32>,
        %parallel_loop3A_370 = vector.shape_cast %parallel_loop3A_369 : vector<1x16xf32> to vector<16xf32>
        %parallel_loop3A_371 = arith.mulf %parallel_loop3A_364, %parallel_loop3A_370 : vector<16xf32>
        %parallel_loop3A_372 = arith.index_cast %parallel_loop3A_330 : i32 to index
        %parallel_loop3A_373 = arith.constant 16 : index
        %parallel_loop3A_374 = tpu.vector_load %arg9[%parallel_loop3A_372, %parallel_loop3A_373] {strides = array<i32>} : memref<120x128xf32, #tpu.memory_space<vmem>>, vector<1x16xf32>,
        %parallel_loop3A_375 = vector.shape_cast %parallel_loop3A_374 : vector<1x16xf32> to vector<16xf32>
        %parallel_loop3A_376 = vector.shape_cast %parallel_loop3A_371 : vector<16xf32> to vector<1x16xf32>
        tpu.vector_store %arg9[%parallel_loop3A_372, %parallel_loop3A_373], %parallel_loop3A_376 {strides = array<i32>} : memref<120x128xf32, #tpu.memory_space<vmem>>, vector<1x16xf32>,
        %parallel_loop3A_377 = arith.index_cast %parallel_loop3A_330 : i32 to index
        %parallel_loop3A_378 = arith.constant 32 : index
        %parallel_loop3A_379 = tpu.vector_load %arg9[%parallel_loop3A_377, %parallel_loop3A_378] {strides = array<i32>} : memref<120x128xf32, #tpu.memory_space<vmem>>, vector<1x16xf32>,
        %parallel_loop3A_380 = vector.shape_cast %parallel_loop3A_379 : vector<1x16xf32> to vector<16xf32>
        %parallel_loop3A_381 = arith.constant 40 : i32
        %parallel_loop3A_382 = arith.addi %parallel_loop3A_381, %parallel_loop3A_330 : i32
        %parallel_loop3A_383 = arith.index_cast %parallel_loop3A_382 : i32 to index
        %parallel_loop3A_384 = arith.constant 32 : index
        %parallel_loop3A_385 = tpu.vector_load %arg9[%parallel_loop3A_383, %parallel_loop3A_384] {strides = array<i32>} : memref<120x128xf32, #tpu.memory_space<vmem>>, vector<1x16xf32>,
        %parallel_loop3A_386 = vector.shape_cast %parallel_loop3A_385 : vector<1x16xf32> to vector<16xf32>
        %parallel_loop3A_387 = arith.mulf %parallel_loop3A_380, %parallel_loop3A_386 : vector<16xf32>
        %parallel_loop3A_388 = arith.constant 80 : i32
        %parallel_loop3A_389 = arith.addi %parallel_loop3A_388, %parallel_loop3A_330 : i32
        %parallel_loop3A_390 = arith.index_cast %parallel_loop3A_389 : i32 to index
        %parallel_loop3A_391 = arith.constant 32 : index
        %parallel_loop3A_392 = tpu.vector_load %arg9[%parallel_loop3A_390, %parallel_loop3A_391] {strides = array<i32>} : memref<120x128xf32, #tpu.memory_space<vmem>>, vector<1x16xf32>,
        %parallel_loop3A_393 = vector.shape_cast %parallel_loop3A_392 : vector<1x16xf32> to vector<16xf32>
        %parallel_loop3A_394 = arith.mulf %parallel_loop3A_387, %parallel_loop3A_393 : vector<16xf32>
        %parallel_loop3A_395 = arith.index_cast %parallel_loop3A_330 : i32 to index
        %parallel_loop3A_396 = arith.constant 32 : index
        %parallel_loop3A_397 = tpu.vector_load %arg9[%parallel_loop3A_395, %parallel_loop3A_396] {strides = array<i32>} : memref<120x128xf32, #tpu.memory_space<vmem>>, vector<1x16xf32>,
        %parallel_loop3A_398 = vector.shape_cast %parallel_loop3A_397 : vector<1x16xf32> to vector<16xf32>
        %parallel_loop3A_399 = vector.shape_cast %parallel_loop3A_394 : vector<16xf32> to vector<1x16xf32>
        tpu.vector_store %arg9[%parallel_loop3A_395, %parallel_loop3A_396], %parallel_loop3A_399 {strides = array<i32>} : memref<120x128xf32, #tpu.memory_space<vmem>>, vector<1x16xf32>,
        %parallel_loop3A_400 = arith.index_cast %parallel_loop3A_330 : i32 to index
        %parallel_loop3A_401 = arith.constant 48 : index
        %parallel_loop3A_402 = tpu.vector_load %arg9[%parallel_loop3A_400, %parallel_loop3A_401] {strides = array<i32>} : memref<120x128xf32, #tpu.memory_space<vmem>>, vector<1x16xf32>,
        %parallel_loop3A_403 = vector.shape_cast %parallel_loop3A_402 : vector<1x16xf32> to vector<16xf32>
        %parallel_loop3A_404 = arith.constant 40 : i32
        %parallel_loop3A_405 = arith.addi %parallel_loop3A_404, %parallel_loop3A_330 : i32
        %parallel_loop3A_406 = arith.index_cast %parallel_loop3A_405 : i32 to index
        %parallel_loop3A_407 = arith.constant 48 : index
        %parallel_loop3A_408 = tpu.vector_load %arg9[%parallel_loop3A_406, %parallel_loop3A_407] {strides = array<i32>} : memref<120x128xf32, #tpu.memory_space<vmem>>, vector<1x16xf32>,
        %parallel_loop3A_409 = vector.shape_cast %parallel_loop3A_408 : vector<1x16xf32> to vector<16xf32>
        %parallel_loop3A_410 = arith.mulf %parallel_loop3A_403, %parallel_loop3A_409 : vector<16xf32>
        %parallel_loop3A_411 = arith.constant 80 : i32
        %parallel_loop3A_412 = arith.addi %parallel_loop3A_411, %parallel_loop3A_330 : i32
        %parallel_loop3A_413 = arith.index_cast %parallel_loop3A_412 : i32 to index
        %parallel_loop3A_414 = arith.constant 48 : index
        %parallel_loop3A_415 = tpu.vector_load %arg9[%parallel_loop3A_413, %parallel_loop3A_414] {strides = array<i32>} : memref<120x128xf32, #tpu.memory_space<vmem>>, vector<1x16xf32>,
        %parallel_loop3A_416 = vector.shape_cast %parallel_loop3A_415 : vector<1x16xf32> to vector<16xf32>
        %parallel_loop3A_417 = arith.mulf %parallel_loop3A_410, %parallel_loop3A_416 : vector<16xf32>
        %parallel_loop3A_418 = arith.index_cast %parallel_loop3A_330 : i32 to index
        %parallel_loop3A_419 = arith.constant 48 : index
        %parallel_loop3A_420 = tpu.vector_load %arg9[%parallel_loop3A_418, %parallel_loop3A_419] {strides = array<i32>} : memref<120x128xf32, #tpu.memory_space<vmem>>, vector<1x16xf32>,
        %parallel_loop3A_421 = vector.shape_cast %parallel_loop3A_420 : vector<1x16xf32> to vector<16xf32>
        %parallel_loop3A_422 = vector.shape_cast %parallel_loop3A_417 : vector<16xf32> to vector<1x16xf32>
        tpu.vector_store %arg9[%parallel_loop3A_418, %parallel_loop3A_419], %parallel_loop3A_422 {strides = array<i32>} : memref<120x128xf32, #tpu.memory_space<vmem>>, vector<1x16xf32>,
        %parallel_loop3A_423 = arith.index_cast %parallel_loop3A_330 : i32 to index
        %parallel_loop3A_424 = arith.constant 64 : index
        %parallel_loop3A_425 = tpu.vector_load %arg9[%parallel_loop3A_423, %parallel_loop3A_424] {strides = array<i32>} : memref<120x128xf32, #tpu.memory_space<vmem>>, vector<1x16xf32>,
        %parallel_loop3A_426 = vector.shape_cast %parallel_loop3A_425 : vector<1x16xf32> to vector<16xf32>
        %parallel_loop3A_427 = arith.constant 40 : i32
        %parallel_loop3A_428 = arith.addi %parallel_loop3A_427, %parallel_loop3A_330 : i32
        %parallel_loop3A_429 = arith.index_cast %parallel_loop3A_428 : i32 to index
        %parallel_loop3A_430 = arith.constant 64 : index
        %parallel_loop3A_431 = tpu.vector_load %arg9[%parallel_loop3A_429, %parallel_loop3A_430] {strides = array<i32>} : memref<120x128xf32, #tpu.memory_space<vmem>>, vector<1x16xf32>,
        %parallel_loop3A_432 = vector.shape_cast %parallel_loop3A_431 : vector<1x16xf32> to vector<16xf32>
        %parallel_loop3A_433 = arith.mulf %parallel_loop3A_426, %parallel_loop3A_432 : vector<16xf32>
        %parallel_loop3A_434 = arith.constant 80 : i32
        %parallel_loop3A_435 = arith.addi %parallel_loop3A_434, %parallel_loop3A_330 : i32
        %parallel_loop3A_436 = arith.index_cast %parallel_loop3A_435 : i32 to index
        %parallel_loop3A_437 = arith.constant 64 : index
        %parallel_loop3A_438 = tpu.vector_load %arg9[%parallel_loop3A_436, %parallel_loop3A_437] {strides = array<i32>} : memref<120x128xf32, #tpu.memory_space<vmem>>, vector<1x16xf32>,
        %parallel_loop3A_439 = vector.shape_cast %parallel_loop3A_438 : vector<1x16xf32> to vector<16xf32>
        %parallel_loop3A_440 = arith.mulf %parallel_loop3A_433, %parallel_loop3A_439 : vector<16xf32>
        %parallel_loop3A_441 = arith.index_cast %parallel_loop3A_330 : i32 to index
        %parallel_loop3A_442 = arith.constant 64 : index
        %parallel_loop3A_443 = tpu.vector_load %arg9[%parallel_loop3A_441, %parallel_loop3A_442] {strides = array<i32>} : memref<120x128xf32, #tpu.memory_space<vmem>>, vector<1x16xf32>,
        %parallel_loop3A_444 = vector.shape_cast %parallel_loop3A_443 : vector<1x16xf32> to vector<16xf32>
        %parallel_loop3A_445 = vector.shape_cast %parallel_loop3A_440 : vector<16xf32> to vector<1x16xf32>
        tpu.vector_store %arg9[%parallel_loop3A_441, %parallel_loop3A_442], %parallel_loop3A_445 {strides = array<i32>} : memref<120x128xf32, #tpu.memory_space<vmem>>, vector<1x16xf32>,
        %parallel_loop3A_446 = arith.index_cast %parallel_loop3A_330 : i32 to index
        %parallel_loop3A_447 = arith.constant 80 : index
        %parallel_loop3A_448 = tpu.vector_load %arg9[%parallel_loop3A_446, %parallel_loop3A_447] {strides = array<i32>} : memref<120x128xf32, #tpu.memory_space<vmem>>, vector<1x16xf32>,
        %parallel_loop3A_449 = vector.shape_cast %parallel_loop3A_448 : vector<1x16xf32> to vector<16xf32>
        %parallel_loop3A_450 = arith.constant 40 : i32
        %parallel_loop3A_451 = arith.addi %parallel_loop3A_450, %parallel_loop3A_330 : i32
        %parallel_loop3A_452 = arith.index_cast %parallel_loop3A_451 : i32 to index
        %parallel_loop3A_453 = arith.constant 80 : index
        %parallel_loop3A_454 = tpu.vector_load %arg9[%parallel_loop3A_452, %parallel_loop3A_453] {strides = array<i32>} : memref<120x128xf32, #tpu.memory_space<vmem>>, vector<1x16xf32>,
        %parallel_loop3A_455 = vector.shape_cast %parallel_loop3A_454 : vector<1x16xf32> to vector<16xf32>
        %parallel_loop3A_456 = arith.mulf %parallel_loop3A_449, %parallel_loop3A_455 : vector<16xf32>
        %parallel_loop3A_457 = arith.constant 80 : i32
        %parallel_loop3A_458 = arith.addi %parallel_loop3A_457, %parallel_loop3A_330 : i32
        %parallel_loop3A_459 = arith.index_cast %parallel_loop3A_458 : i32 to index
        %parallel_loop3A_460 = arith.constant 80 : index
        %parallel_loop3A_461 = tpu.vector_load %arg9[%parallel_loop3A_459, %parallel_loop3A_460] {strides = array<i32>} : memref<120x128xf32, #tpu.memory_space<vmem>>, vector<1x16xf32>,
        %parallel_loop3A_462 = vector.shape_cast %parallel_loop3A_461 : vector<1x16xf32> to vector<16xf32>
        %parallel_loop3A_463 = arith.mulf %parallel_loop3A_456, %parallel_loop3A_462 : vector<16xf32>
        %parallel_loop3A_464 = arith.index_cast %parallel_loop3A_330 : i32 to index
        %parallel_loop3A_465 = arith.constant 80 : index
        %parallel_loop3A_466 = tpu.vector_load %arg9[%parallel_loop3A_464, %parallel_loop3A_465] {strides = array<i32>} : memref<120x128xf32, #tpu.memory_space<vmem>>, vector<1x16xf32>,
        %parallel_loop3A_467 = vector.shape_cast %parallel_loop3A_466 : vector<1x16xf32> to vector<16xf32>
        %parallel_loop3A_468 = vector.shape_cast %parallel_loop3A_463 : vector<16xf32> to vector<1x16xf32>
        tpu.vector_store %arg9[%parallel_loop3A_464, %parallel_loop3A_465], %parallel_loop3A_468 {strides = array<i32>} : memref<120x128xf32, #tpu.memory_space<vmem>>, vector<1x16xf32>,
        %parallel_loop3A_469 = arith.index_cast %parallel_loop3A_330 : i32 to index
        %parallel_loop3A_470 = arith.constant 96 : index
        %parallel_loop3A_471 = tpu.vector_load %arg9[%parallel_loop3A_469, %parallel_loop3A_470] {strides = array<i32>} : memref<120x128xf32, #tpu.memory_space<vmem>>, vector<1x16xf32>,
        %parallel_loop3A_472 = vector.shape_cast %parallel_loop3A_471 : vector<1x16xf32> to vector<16xf32>
        %parallel_loop3A_473 = arith.constant 40 : i32
        %parallel_loop3A_474 = arith.addi %parallel_loop3A_473, %parallel_loop3A_330 : i32
        %parallel_loop3A_475 = arith.index_cast %parallel_loop3A_474 : i32 to index
        %parallel_loop3A_476 = arith.constant 96 : index
        %parallel_loop3A_477 = tpu.vector_load %arg9[%parallel_loop3A_475, %parallel_loop3A_476] {strides = array<i32>} : memref<120x128xf32, #tpu.memory_space<vmem>>, vector<1x16xf32>,
        %parallel_loop3A_478 = vector.shape_cast %parallel_loop3A_477 : vector<1x16xf32> to vector<16xf32>
        %parallel_loop3A_479 = arith.mulf %parallel_loop3A_472, %parallel_loop3A_478 : vector<16xf32>
        %parallel_loop3A_480 = arith.constant 80 : i32
        %parallel_loop3A_481 = arith.addi %parallel_loop3A_480, %parallel_loop3A_330 : i32
        %parallel_loop3A_482 = arith.index_cast %parallel_loop3A_481 : i32 to index
        %parallel_loop3A_483 = arith.constant 96 : index
        %parallel_loop3A_484 = tpu.vector_load %arg9[%parallel_loop3A_482, %parallel_loop3A_483] {strides = array<i32>} : memref<120x128xf32, #tpu.memory_space<vmem>>, vector<1x16xf32>,
        %parallel_loop3A_485 = vector.shape_cast %parallel_loop3A_484 : vector<1x16xf32> to vector<16xf32>
        %parallel_loop3A_486 = arith.mulf %parallel_loop3A_479, %parallel_loop3A_485 : vector<16xf32>
        %parallel_loop3A_487 = arith.index_cast %parallel_loop3A_330 : i32 to index
        %parallel_loop3A_488 = arith.constant 96 : index
        %parallel_loop3A_489 = tpu.vector_load %arg9[%parallel_loop3A_487, %parallel_loop3A_488] {strides = array<i32>} : memref<120x128xf32, #tpu.memory_space<vmem>>, vector<1x16xf32>,
        %parallel_loop3A_490 = vector.shape_cast %parallel_loop3A_489 : vector<1x16xf32> to vector<16xf32>
        %parallel_loop3A_491 = vector.shape_cast %parallel_loop3A_486 : vector<16xf32> to vector<1x16xf32>
        tpu.vector_store %arg9[%parallel_loop3A_487, %parallel_loop3A_488], %parallel_loop3A_491 {strides = array<i32>} : memref<120x128xf32, #tpu.memory_space<vmem>>, vector<1x16xf32>,
        %parallel_loop3A_492 = arith.index_cast %parallel_loop3A_330 : i32 to index
        %parallel_loop3A_493 = arith.constant 112 : index
        %parallel_loop3A_494 = tpu.vector_load %arg9[%parallel_loop3A_492, %parallel_loop3A_493] {strides = array<i32>} : memref<120x128xf32, #tpu.memory_space<vmem>>, vector<1x16xf32>,
        %parallel_loop3A_495 = vector.shape_cast %parallel_loop3A_494 : vector<1x16xf32> to vector<16xf32>
        %parallel_loop3A_496 = arith.constant 40 : i32
        %parallel_loop3A_497 = arith.addi %parallel_loop3A_496, %parallel_loop3A_330 : i32
        %parallel_loop3A_498 = arith.index_cast %parallel_loop3A_497 : i32 to index
        %parallel_loop3A_499 = arith.constant 112 : index
        %parallel_loop3A_500 = tpu.vector_load %arg9[%parallel_loop3A_498, %parallel_loop3A_499] {strides = array<i32>} : memref<120x128xf32, #tpu.memory_space<vmem>>, vector<1x16xf32>,
        %parallel_loop3A_501 = vector.shape_cast %parallel_loop3A_500 : vector<1x16xf32> to vector<16xf32>
        %parallel_loop3A_502 = arith.mulf %parallel_loop3A_495, %parallel_loop3A_501 : vector<16xf32>
        %parallel_loop3A_503 = arith.constant 80 : i32
        %parallel_loop3A_504 = arith.addi %parallel_loop3A_503, %parallel_loop3A_330 : i32
        %parallel_loop3A_505 = arith.index_cast %parallel_loop3A_504 : i32 to index
        %parallel_loop3A_506 = arith.constant 112 : index
        %parallel_loop3A_507 = tpu.vector_load %arg9[%parallel_loop3A_505, %parallel_loop3A_506] {strides = array<i32>} : memref<120x128xf32, #tpu.memory_space<vmem>>, vector<1x16xf32>,
        %parallel_loop3A_508 = vector.shape_cast %parallel_loop3A_507 : vector<1x16xf32> to vector<16xf32>
        %parallel_loop3A_509 = arith.mulf %parallel_loop3A_502, %parallel_loop3A_508 : vector<16xf32>
        %parallel_loop3A_510 = arith.index_cast %parallel_loop3A_330 : i32 to index
        %parallel_loop3A_511 = arith.constant 112 : index
        %parallel_loop3A_512 = tpu.vector_load %arg9[%parallel_loop3A_510, %parallel_loop3A_511] {strides = array<i32>} : memref<120x128xf32, #tpu.memory_space<vmem>>, vector<1x16xf32>,
        %parallel_loop3A_513 = vector.shape_cast %parallel_loop3A_512 : vector<1x16xf32> to vector<16xf32>
        %parallel_loop3A_514 = vector.shape_cast %parallel_loop3A_509 : vector<16xf32> to vector<1x16xf32>
        tpu.vector_store %arg9[%parallel_loop3A_510, %parallel_loop3A_511], %parallel_loop3A_514 {strides = array<i32>} : memref<120x128xf32, #tpu.memory_space<vmem>>, vector<1x16xf32>,
      } {sc.loop_unroll_factor = 4 : i64, sc.parallel_access}
      %mul3A_274 = arith.constant 40 : i32
      %mul3A_275 = arith.muli %add3A_245, %mul3A_274 : i32
      %add3A_276 = arith.addi %mul3A_2, %mul3A_275 : i32
      %dma_start3A_277 = arith.constant 0 : i32
      %dma_start3A_278 = arith.constant 0 : i32
      %dma_start3A_279 = tpu.memref_slice %arg9[%dma_start3A_277, %dma_start3A_278] : memref<120x128xf32, #tpu.memory_space<vmem>> -> memref<40x128xf32, #tpu.memory_space<vmem>>
      %dma_start3A_280 = arith.constant 0 : i32
      %dma_start3A_281 = tpu.memref_slice %arg4[%add3A_276, %dma_start3A_280] : memref<320000x128xf32, #tpu.memory_space<hbm>> -> memref<40x128xf32, #tpu.memory_space<hbm>>
      %dma_start3A_282 = arith.constant 0 : i32
      %dma_start3A_283 = tpu.memref_slice %arg4[%add3A_276, %dma_start3A_282] : memref<320000x128xf32, #tpu.memory_space<hbm>> -> memref<40x128xf32, #tpu.memory_space<hbm>>
      %dma_start3A_284 = arith.constant 0 : i32
      %dma_start3A_285 = arith.constant 0 : i32
      %dma_start3A_286 = tpu.memref_slice %arg9[%dma_start3A_284, %dma_start3A_285] : memref<120x128xf32, #tpu.memory_space<vmem>> -> memref<40x128xf32, #tpu.memory_space<vmem>>
      tpu.enqueue_dma source(%dma_start3A_286 : memref<40x128xf32, #tpu.memory_space<vmem>>) target(%dma_start3A_283 : memref<40x128xf32, #tpu.memory_space<hbm>>) target_semaphore(%arg19 : memref<!tpu.dma_semaphore, #tpu.memory_space<semaphore_mem>>)
      %add3A_287 = arith.constant 2 : i32
      %add3A_288 = arith.addi %mul3A_204, %add3A_287 : i32
      %gt3A_289 = arith.constant 0 : i32
      %gt3A_290 = arith.cmpi sgt, %add3A_288, %gt3A_289 : i32
      %convert_element_type3A_291 = arith.extui %gt3A_290 : i1 to i32
      %cond3A_292 = arith.constant 0 : i32
      %cond3A_293 = arith.cmpi ne, %convert_element_type3A_291, %cond3A_292 : i32
      scf.if %cond3A_293 {
        %dma_wait3A_330 = arith.constant 0 : i32
        %dma_wait3A_331 = arith.constant 0 : i32
        %dma_wait3A_332 = tpu.memref_slice %arg9[%dma_wait3A_330, %dma_wait3A_331] : memref<120x128xf32, #tpu.memory_space<vmem>> -> memref<40x128xf32, #tpu.memory_space<vmem>>
        %dma_wait3A_333 = arith.constant 0 : i32
        %dma_wait3A_334 = tpu.memref_slice %arg4[%mul3A_2, %dma_wait3A_333] : memref<320000x128xf32, #tpu.memory_space<hbm>> -> memref<40x128xf32, #tpu.memory_space<hbm>>
        %dma_wait3A_335 = arith.constant 0 : i32
        %dma_wait3A_336 = tpu.memref_slice %arg4[%mul3A_2, %dma_wait3A_335] : memref<320000x128xf32, #tpu.memory_space<hbm>> -> memref<40x128xf32, #tpu.memory_space<hbm>>
        %dma_wait3A_337 = arith.constant 0 : i32
        %dma_wait3A_338 = arith.constant 0 : i32
        %dma_wait3A_339 = tpu.memref_slice %arg9[%dma_wait3A_337, %dma_wait3A_338] : memref<120x128xf32, #tpu.memory_space<vmem>> -> memref<40x128xf32, #tpu.memory_space<vmem>>
        tpu.wait_dma2 semaphore(%arg19 : memref<!tpu.dma_semaphore, #tpu.memory_space<semaphore_mem>>) src(%dma_wait3A_339 : memref<40x128xf32, #tpu.memory_space<vmem>>) dst(%dma_wait3A_336 : memref<40x128xf32, #tpu.memory_space<hbm>>)
      } else {
      }
      %add3A_294 = arith.constant 2 : i32
      %add3A_295 = arith.addi %add3A_288, %add3A_294 : i32
      %lt3A_296 = arith.constant 250 : i32
      %lt3A_297 = arith.cmpi slt, %add3A_295, %lt3A_296 : i32
      %convert_element_type3A_298 = arith.extui %lt3A_297 : i1 to i32
      %cond3A_299 = arith.constant 0 : i32
      %cond3A_300 = arith.cmpi ne, %convert_element_type3A_298, %cond3A_299 : i32
      scf.if %cond3A_300 {
        %dma_wait3A_330 = arith.constant 0 : i32
        %dma_wait3A_331 = tpu.memref_slice %arg3[%dma_wait3A_330] : memref<960000xi32, #tpu.memory_space<hbm>> -> memref<120xi32, #tpu.memory_space<hbm>>
        %dma_wait3A_332 = arith.constant 0 : i32
        %dma_wait3A_333 = tpu.memref_slice %arg3[%dma_wait3A_332] : memref<960000xi32, #tpu.memory_space<hbm>> -> memref<120xi32, #tpu.memory_space<hbm>>
        tpu.wait_dma2 semaphore(%arg13 : memref<!tpu.dma_semaphore, #tpu.memory_space<semaphore_mem>>) src(%dma_wait3A_333 : memref<120xi32, #tpu.memory_space<hbm>>) dst(%arg6 : memref<120xi32, #tpu.memory_space<vmem>>)
        %dma_start3A_334 = arith.constant 0 : i32
        %dma_start3A_335 = arith.constant 0 : i32
        %dma_start3A_336 = tpu.memref_slice %arg9[%dma_start3A_334, %dma_start3A_335] : memref<120x128xf32, #tpu.memory_space<vmem>> -> memref<40x128xf32, #tpu.memory_space<vmem>>
        %dma_start3A_337 = arith.constant 0 : i32
        %dma_start3A_338 = tpu.memref_slice %arg6[%dma_start3A_337] : memref<120xi32, #tpu.memory_space<vmem>> -> memref<40xi32, #tpu.memory_space<vmem>>
        %dma_start3A_339 = arith.constant 0 : i32
        %dma_start3A_340 = arith.constant 0 : i32
        %dma_start3A_341 = tpu.memref_slice %arg11[%dma_start3A_339, %dma_start3A_340] : memref<10000x128xf32, #tpu.memory_space<vmem_shared>> -> memref<10000x128xf32, #tpu.memory_space<vmem_shared>>
        tpu.enqueue_indirect_dma source(%dma_start3A_341 : memref<10000x128xf32, #tpu.memory_space<vmem_shared>>) target(%dma_start3A_336 : memref<40x128xf32, #tpu.memory_space<vmem>>) offsets(%dma_start3A_338 : memref<40xi32, #tpu.memory_space<vmem>>) semaphore(%arg16 : memref<!tpu.dma_semaphore, #tpu.memory_space<semaphore_mem>>)
        %dma_start3A_342 = arith.constant 40 : i32
        %dma_start3A_343 = arith.constant 0 : i32
        %dma_start3A_344 = tpu.memref_slice %arg9[%dma_start3A_342, %dma_start3A_343] : memref<120x128xf32, #tpu.memory_space<vmem>> -> memref<40x128xf32, #tpu.memory_space<vmem>>
        %dma_start3A_345 = arith.constant 40 : i32
        %dma_start3A_346 = tpu.memref_slice %arg6[%dma_start3A_345] : memref<120xi32, #tpu.memory_space<vmem>> -> memref<40xi32, #tpu.memory_space<vmem>>
        %dma_start3A_347 = arith.constant 0 : i32
        %dma_start3A_348 = arith.constant 0 : i32
        %dma_start3A_349 = tpu.memref_slice %arg11[%dma_start3A_347, %dma_start3A_348] : memref<10000x128xf32, #tpu.memory_space<vmem_shared>> -> memref<10000x128xf32, #tpu.memory_space<vmem_shared>>
        tpu.enqueue_indirect_dma source(%dma_start3A_349 : memref<10000x128xf32, #tpu.memory_space<vmem_shared>>) target(%dma_start3A_344 : memref<40x128xf32, #tpu.memory_space<vmem>>) offsets(%dma_start3A_346 : memref<40xi32, #tpu.memory_space<vmem>>) semaphore(%arg16 : memref<!tpu.dma_semaphore, #tpu.memory_space<semaphore_mem>>)
        %dma_start3A_350 = arith.constant 80 : i32
        %dma_start3A_351 = arith.constant 0 : i32
        %dma_start3A_352 = tpu.memref_slice %arg9[%dma_start3A_350, %dma_start3A_351] : memref<120x128xf32, #tpu.memory_space<vmem>> -> memref<40x128xf32, #tpu.memory_space<vmem>>
        %dma_start3A_353 = arith.constant 80 : i32
        %dma_start3A_354 = tpu.memref_slice %arg6[%dma_start3A_353] : memref<120xi32, #tpu.memory_space<vmem>> -> memref<40xi32, #tpu.memory_space<vmem>>
        %dma_start3A_355 = arith.constant 0 : i32
        %dma_start3A_356 = arith.constant 0 : i32
        %dma_start3A_357 = tpu.memref_slice %arg11[%dma_start3A_355, %dma_start3A_356] : memref<10000x128xf32, #tpu.memory_space<vmem_shared>> -> memref<10000x128xf32, #tpu.memory_space<vmem_shared>>
        tpu.enqueue_indirect_dma source(%dma_start3A_357 : memref<10000x128xf32, #tpu.memory_space<vmem_shared>>) target(%dma_start3A_352 : memref<40x128xf32, #tpu.memory_space<vmem>>) offsets(%dma_start3A_354 : memref<40xi32, #tpu.memory_space<vmem>>) semaphore(%arg16 : memref<!tpu.dma_semaphore, #tpu.memory_space<semaphore_mem>>)
      } else {
      }
      %dma_wait3A_301 = arith.constant 0 : i32
      %dma_wait3A_302 = arith.constant 0 : i32
      %dma_wait3A_303 = tpu.memref_slice %arg2[%dma_wait3A_301, %dma_wait3A_302] : memref<10000x128xf32, #tpu.memory_space<hbm>> -> memref<120x128xf32, #tpu.memory_space<hbm>>
      %dma_wait3A_304 = arith.constant 0 : i32
      %dma_wait3A_305 = arith.constant 0 : i32
      %dma_wait3A_306 = tpu.memref_slice %arg2[%dma_wait3A_304, %dma_wait3A_305] : memref<10000x128xf32, #tpu.memory_space<hbm>> -> memref<120x128xf32, #tpu.memory_space<hbm>>
      tpu.wait_dma2 semaphore(%arg17 : memref<!tpu.dma_semaphore, #tpu.memory_space<semaphore_mem>>) src(%dma_wait3A_306 : memref<120x128xf32, #tpu.memory_space<hbm>>) dst(%arg10 : memref<120x128xf32, #tpu.memory_space<vmem>>)
      %add3A_307 = arith.constant 3 : i32
      %add3A_308 = arith.addi %add3A_288, %add3A_307 : i32
      %lt3A_309 = arith.constant 250 : i32
      %lt3A_310 = arith.cmpi slt, %add3A_308, %lt3A_309 : i32
      %convert_element_type3A_311 = arith.extui %lt3A_310 : i1 to i32
      %cond3A_312 = arith.constant 0 : i32
      %cond3A_313 = arith.cmpi ne, %convert_element_type3A_311, %cond3A_312 : i32
      scf.if %cond3A_313 {
        %add3A_330 = arith.constant 3 : i32
        %add3A_331 = arith.addi %add3A_288, %add3A_330 : i32
        %add3A_332 = arith.constant 0 : i32
        %add3A_333 = arith.addi %add3A_332, %mul3A_2 : i32
        %mul3A_334 = arith.constant 40 : i32
        %mul3A_335 = arith.muli %add3A_331, %mul3A_334 : i32
        %add3A_336 = arith.addi %add3A_333, %mul3A_335 : i32
        %multiple_of3A_337 = tpu.assume_multiple %add3A_336, 8 : i32
        %dma_start3A_338 = arith.constant 0 : i32
        %dma_start3A_339 = tpu.memref_slice %arg7[%dma_start3A_338] : memref<120xi32, #tpu.memory_space<vmem>> -> memref<40xi32, #tpu.memory_space<vmem>>
        %dma_start3A_340 = tpu.memref_slice %arg3[%multiple_of3A_337] : memref<960000xi32, #tpu.memory_space<hbm>> -> memref<40xi32, #tpu.memory_space<hbm>>
        %dma_start3A_341 = arith.constant 0 : i32
        %dma_start3A_342 = tpu.memref_slice %arg7[%dma_start3A_341] : memref<120xi32, #tpu.memory_space<vmem>> -> memref<40xi32, #tpu.memory_space<vmem>>
        %dma_start3A_343 = tpu.memref_slice %arg3[%multiple_of3A_337] : memref<960000xi32, #tpu.memory_space<hbm>> -> memref<40xi32, #tpu.memory_space<hbm>>
        tpu.enqueue_dma source(%dma_start3A_343 : memref<40xi32, #tpu.memory_space<hbm>>) target(%dma_start3A_342 : memref<40xi32, #tpu.memory_space<vmem>>) target_semaphore(%arg14 : memref<!tpu.dma_semaphore, #tpu.memory_space<semaphore_mem>>)
        %add3A_344 = arith.constant 320000 : i32
        %add3A_345 = arith.addi %add3A_344, %mul3A_2 : i32
        %mul3A_346 = arith.constant 40 : i32
        %mul3A_347 = arith.muli %add3A_331, %mul3A_346 : i32
        %add3A_348 = arith.addi %add3A_345, %mul3A_347 : i32
        %multiple_of3A_349 = tpu.assume_multiple %add3A_348, 8 : i32
        %dma_start3A_350 = arith.constant 40 : i32
        %dma_start3A_351 = tpu.memref_slice %arg7[%dma_start3A_350] : memref<120xi32, #tpu.memory_space<vmem>> -> memref<40xi32, #tpu.memory_space<vmem>>
        %dma_start3A_352 = tpu.memref_slice %arg3[%multiple_of3A_349] : memref<960000xi32, #tpu.memory_space<hbm>> -> memref<40xi32, #tpu.memory_space<hbm>>
        %dma_start3A_353 = arith.constant 40 : i32
        %dma_start3A_354 = tpu.memref_slice %arg7[%dma_start3A_353] : memref<120xi32, #tpu.memory_space<vmem>> -> memref<40xi32, #tpu.memory_space<vmem>>
        %dma_start3A_355 = tpu.memref_slice %arg3[%multiple_of3A_349] : memref<960000xi32, #tpu.memory_space<hbm>> -> memref<40xi32, #tpu.memory_space<hbm>>
        tpu.enqueue_dma source(%dma_start3A_355 : memref<40xi32, #tpu.memory_space<hbm>>) target(%dma_start3A_354 : memref<40xi32, #tpu.memory_space<vmem>>) target_semaphore(%arg14 : memref<!tpu.dma_semaphore, #tpu.memory_space<semaphore_mem>>)
        %add3A_356 = arith.constant 640000 : i32
        %add3A_357 = arith.addi %add3A_356, %mul3A_2 : i32
        %mul3A_358 = arith.constant 40 : i32
        %mul3A_359 = arith.muli %add3A_331, %mul3A_358 : i32
        %add3A_360 = arith.addi %add3A_357, %mul3A_359 : i32
        %multiple_of3A_361 = tpu.assume_multiple %add3A_360, 8 : i32
        %dma_start3A_362 = arith.constant 80 : i32
        %dma_start3A_363 = tpu.memref_slice %arg7[%dma_start3A_362] : memref<120xi32, #tpu.memory_space<vmem>> -> memref<40xi32, #tpu.memory_space<vmem>>
        %dma_start3A_364 = tpu.memref_slice %arg3[%multiple_of3A_361] : memref<960000xi32, #tpu.memory_space<hbm>> -> memref<40xi32, #tpu.memory_space<hbm>>
        %dma_start3A_365 = arith.constant 80 : i32
        %dma_start3A_366 = tpu.memref_slice %arg7[%dma_start3A_365] : memref<120xi32, #tpu.memory_space<vmem>> -> memref<40xi32, #tpu.memory_space<vmem>>
        %dma_start3A_367 = tpu.memref_slice %arg3[%multiple_of3A_361] : memref<960000xi32, #tpu.memory_space<hbm>> -> memref<40xi32, #tpu.memory_space<hbm>>
        tpu.enqueue_dma source(%dma_start3A_367 : memref<40xi32, #tpu.memory_space<hbm>>) target(%dma_start3A_366 : memref<40xi32, #tpu.memory_space<vmem>>) target_semaphore(%arg14 : memref<!tpu.dma_semaphore, #tpu.memory_space<semaphore_mem>>)
      } else {
      }
      %parallel_loop3A_314 = arith.constant 0 : i32
      %parallel_loop3A_315 = arith.constant 40 : i32
      %parallel_loop3A_316 = arith.constant 1 : i32
      scf.for %parallel_loop3A_330 = %parallel_loop3A_314 to %parallel_loop3A_315 step %parallel_loop3A_316  : i32 {
        %parallel_loop3A_331 = arith.index_cast %parallel_loop3A_330 : i32 to index
        %parallel_loop3A_332 = arith.constant 0 : index
        %parallel_loop3A_333 = tpu.vector_load %arg10[%parallel_loop3A_331, %parallel_loop3A_332] {strides = array<i32>} : memref<120x128xf32, #tpu.memory_space<vmem>>, vector<1x16xf32>,
        %parallel_loop3A_334 = vector.shape_cast %parallel_loop3A_333 : vector<1x16xf32> to vector<16xf32>
        %parallel_loop3A_335 = arith.constant 40 : i32
        %parallel_loop3A_336 = arith.addi %parallel_loop3A_335, %parallel_loop3A_330 : i32
        %parallel_loop3A_337 = arith.index_cast %parallel_loop3A_336 : i32 to index
        %parallel_loop3A_338 = arith.constant 0 : index
        %parallel_loop3A_339 = tpu.vector_load %arg10[%parallel_loop3A_337, %parallel_loop3A_338] {strides = array<i32>} : memref<120x128xf32, #tpu.memory_space<vmem>>, vector<1x16xf32>,
        %parallel_loop3A_340 = vector.shape_cast %parallel_loop3A_339 : vector<1x16xf32> to vector<16xf32>
        %parallel_loop3A_341 = arith.mulf %parallel_loop3A_334, %parallel_loop3A_340 : vector<16xf32>
        %parallel_loop3A_342 = arith.constant 80 : i32
        %parallel_loop3A_343 = arith.addi %parallel_loop3A_342, %parallel_loop3A_330 : i32
        %parallel_loop3A_344 = arith.index_cast %parallel_loop3A_343 : i32 to index
        %parallel_loop3A_345 = arith.constant 0 : index
        %parallel_loop3A_346 = tpu.vector_load %arg10[%parallel_loop3A_344, %parallel_loop3A_345] {strides = array<i32>} : memref<120x128xf32, #tpu.memory_space<vmem>>, vector<1x16xf32>,
        %parallel_loop3A_347 = vector.shape_cast %parallel_loop3A_346 : vector<1x16xf32> to vector<16xf32>
        %parallel_loop3A_348 = arith.mulf %parallel_loop3A_341, %parallel_loop3A_347 : vector<16xf32>
        %parallel_loop3A_349 = arith.index_cast %parallel_loop3A_330 : i32 to index
        %parallel_loop3A_350 = arith.constant 0 : index
        %parallel_loop3A_351 = tpu.vector_load %arg10[%parallel_loop3A_349, %parallel_loop3A_350] {strides = array<i32>} : memref<120x128xf32, #tpu.memory_space<vmem>>, vector<1x16xf32>,
        %parallel_loop3A_352 = vector.shape_cast %parallel_loop3A_351 : vector<1x16xf32> to vector<16xf32>
        %parallel_loop3A_353 = vector.shape_cast %parallel_loop3A_348 : vector<16xf32> to vector<1x16xf32>
        tpu.vector_store %arg10[%parallel_loop3A_349, %parallel_loop3A_350], %parallel_loop3A_353 {strides = array<i32>} : memref<120x128xf32, #tpu.memory_space<vmem>>, vector<1x16xf32>,
        %parallel_loop3A_354 = arith.index_cast %parallel_loop3A_330 : i32 to index
        %parallel_loop3A_355 = arith.constant 16 : index
        %parallel_loop3A_356 = tpu.vector_load %arg10[%parallel_loop3A_354, %parallel_loop3A_355] {strides = array<i32>} : memref<120x128xf32, #tpu.memory_space<vmem>>, vector<1x16xf32>,
        %parallel_loop3A_357 = vector.shape_cast %parallel_loop3A_356 : vector<1x16xf32> to vector<16xf32>
        %parallel_loop3A_358 = arith.constant 40 : i32
        %parallel_loop3A_359 = arith.addi %parallel_loop3A_358, %parallel_loop3A_330 : i32
        %parallel_loop3A_360 = arith.index_cast %parallel_loop3A_359 : i32 to index
        %parallel_loop3A_361 = arith.constant 16 : index
        %parallel_loop3A_362 = tpu.vector_load %arg10[%parallel_loop3A_360, %parallel_loop3A_361] {strides = array<i32>} : memref<120x128xf32, #tpu.memory_space<vmem>>, vector<1x16xf32>,
        %parallel_loop3A_363 = vector.shape_cast %parallel_loop3A_362 : vector<1x16xf32> to vector<16xf32>
        %parallel_loop3A_364 = arith.mulf %parallel_loop3A_357, %parallel_loop3A_363 : vector<16xf32>
        %parallel_loop3A_365 = arith.constant 80 : i32
        %parallel_loop3A_366 = arith.addi %parallel_loop3A_365, %parallel_loop3A_330 : i32
        %parallel_loop3A_367 = arith.index_cast %parallel_loop3A_366 : i32 to index
        %parallel_loop3A_368 = arith.constant 16 : index
        %parallel_loop3A_369 = tpu.vector_load %arg10[%parallel_loop3A_367, %parallel_loop3A_368] {strides = array<i32>} : memref<120x128xf32, #tpu.memory_space<vmem>>, vector<1x16xf32>,
        %parallel_loop3A_370 = vector.shape_cast %parallel_loop3A_369 : vector<1x16xf32> to vector<16xf32>
        %parallel_loop3A_371 = arith.mulf %parallel_loop3A_364, %parallel_loop3A_370 : vector<16xf32>
        %parallel_loop3A_372 = arith.index_cast %parallel_loop3A_330 : i32 to index
        %parallel_loop3A_373 = arith.constant 16 : index
        %parallel_loop3A_374 = tpu.vector_load %arg10[%parallel_loop3A_372, %parallel_loop3A_373] {strides = array<i32>} : memref<120x128xf32, #tpu.memory_space<vmem>>, vector<1x16xf32>,
        %parallel_loop3A_375 = vector.shape_cast %parallel_loop3A_374 : vector<1x16xf32> to vector<16xf32>
        %parallel_loop3A_376 = vector.shape_cast %parallel_loop3A_371 : vector<16xf32> to vector<1x16xf32>
        tpu.vector_store %arg10[%parallel_loop3A_372, %parallel_loop3A_373], %parallel_loop3A_376 {strides = array<i32>} : memref<120x128xf32, #tpu.memory_space<vmem>>, vector<1x16xf32>,
        %parallel_loop3A_377 = arith.index_cast %parallel_loop3A_330 : i32 to index
        %parallel_loop3A_378 = arith.constant 32 : index
        %parallel_loop3A_379 = tpu.vector_load %arg10[%parallel_loop3A_377, %parallel_loop3A_378] {strides = array<i32>} : memref<120x128xf32, #tpu.memory_space<vmem>>, vector<1x16xf32>,
        %parallel_loop3A_380 = vector.shape_cast %parallel_loop3A_379 : vector<1x16xf32> to vector<16xf32>
        %parallel_loop3A_381 = arith.constant 40 : i32
        %parallel_loop3A_382 = arith.addi %parallel_loop3A_381, %parallel_loop3A_330 : i32
        %parallel_loop3A_383 = arith.index_cast %parallel_loop3A_382 : i32 to index
        %parallel_loop3A_384 = arith.constant 32 : index
        %parallel_loop3A_385 = tpu.vector_load %arg10[%parallel_loop3A_383, %parallel_loop3A_384] {strides = array<i32>} : memref<120x128xf32, #tpu.memory_space<vmem>>, vector<1x16xf32>,
        %parallel_loop3A_386 = vector.shape_cast %parallel_loop3A_385 : vector<1x16xf32> to vector<16xf32>
        %parallel_loop3A_387 = arith.mulf %parallel_loop3A_380, %parallel_loop3A_386 : vector<16xf32>
        %parallel_loop3A_388 = arith.constant 80 : i32
        %parallel_loop3A_389 = arith.addi %parallel_loop3A_388, %parallel_loop3A_330 : i32
        %parallel_loop3A_390 = arith.index_cast %parallel_loop3A_389 : i32 to index
        %parallel_loop3A_391 = arith.constant 32 : index
        %parallel_loop3A_392 = tpu.vector_load %arg10[%parallel_loop3A_390, %parallel_loop3A_391] {strides = array<i32>} : memref<120x128xf32, #tpu.memory_space<vmem>>, vector<1x16xf32>,
        %parallel_loop3A_393 = vector.shape_cast %parallel_loop3A_392 : vector<1x16xf32> to vector<16xf32>
        %parallel_loop3A_394 = arith.mulf %parallel_loop3A_387, %parallel_loop3A_393 : vector<16xf32>
        %parallel_loop3A_395 = arith.index_cast %parallel_loop3A_330 : i32 to index
        %parallel_loop3A_396 = arith.constant 32 : index
        %parallel_loop3A_397 = tpu.vector_load %arg10[%parallel_loop3A_395, %parallel_loop3A_396] {strides = array<i32>} : memref<120x128xf32, #tpu.memory_space<vmem>>, vector<1x16xf32>,
        %parallel_loop3A_398 = vector.shape_cast %parallel_loop3A_397 : vector<1x16xf32> to vector<16xf32>
        %parallel_loop3A_399 = vector.shape_cast %parallel_loop3A_394 : vector<16xf32> to vector<1x16xf32>
        tpu.vector_store %arg10[%parallel_loop3A_395, %parallel_loop3A_396], %parallel_loop3A_399 {strides = array<i32>} : memref<120x128xf32, #tpu.memory_space<vmem>>, vector<1x16xf32>,
        %parallel_loop3A_400 = arith.index_cast %parallel_loop3A_330 : i32 to index
        %parallel_loop3A_401 = arith.constant 48 : index
        %parallel_loop3A_402 = tpu.vector_load %arg10[%parallel_loop3A_400, %parallel_loop3A_401] {strides = array<i32>} : memref<120x128xf32, #tpu.memory_space<vmem>>, vector<1x16xf32>,
        %parallel_loop3A_403 = vector.shape_cast %parallel_loop3A_402 : vector<1x16xf32> to vector<16xf32>
        %parallel_loop3A_404 = arith.constant 40 : i32
        %parallel_loop3A_405 = arith.addi %parallel_loop3A_404, %parallel_loop3A_330 : i32
        %parallel_loop3A_406 = arith.index_cast %parallel_loop3A_405 : i32 to index
        %parallel_loop3A_407 = arith.constant 48 : index
        %parallel_loop3A_408 = tpu.vector_load %arg10[%parallel_loop3A_406, %parallel_loop3A_407] {strides = array<i32>} : memref<120x128xf32, #tpu.memory_space<vmem>>, vector<1x16xf32>,
        %parallel_loop3A_409 = vector.shape_cast %parallel_loop3A_408 : vector<1x16xf32> to vector<16xf32>
        %parallel_loop3A_410 = arith.mulf %parallel_loop3A_403, %parallel_loop3A_409 : vector<16xf32>
        %parallel_loop3A_411 = arith.constant 80 : i32
        %parallel_loop3A_412 = arith.addi %parallel_loop3A_411, %parallel_loop3A_330 : i32
        %parallel_loop3A_413 = arith.index_cast %parallel_loop3A_412 : i32 to index
        %parallel_loop3A_414 = arith.constant 48 : index
        %parallel_loop3A_415 = tpu.vector_load %arg10[%parallel_loop3A_413, %parallel_loop3A_414] {strides = array<i32>} : memref<120x128xf32, #tpu.memory_space<vmem>>, vector<1x16xf32>,
        %parallel_loop3A_416 = vector.shape_cast %parallel_loop3A_415 : vector<1x16xf32> to vector<16xf32>
        %parallel_loop3A_417 = arith.mulf %parallel_loop3A_410, %parallel_loop3A_416 : vector<16xf32>
        %parallel_loop3A_418 = arith.index_cast %parallel_loop3A_330 : i32 to index
        %parallel_loop3A_419 = arith.constant 48 : index
        %parallel_loop3A_420 = tpu.vector_load %arg10[%parallel_loop3A_418, %parallel_loop3A_419] {strides = array<i32>} : memref<120x128xf32, #tpu.memory_space<vmem>>, vector<1x16xf32>,
        %parallel_loop3A_421 = vector.shape_cast %parallel_loop3A_420 : vector<1x16xf32> to vector<16xf32>
        %parallel_loop3A_422 = vector.shape_cast %parallel_loop3A_417 : vector<16xf32> to vector<1x16xf32>
        tpu.vector_store %arg10[%parallel_loop3A_418, %parallel_loop3A_419], %parallel_loop3A_422 {strides = array<i32>} : memref<120x128xf32, #tpu.memory_space<vmem>>, vector<1x16xf32>,
        %parallel_loop3A_423 = arith.index_cast %parallel_loop3A_330 : i32 to index
        %parallel_loop3A_424 = arith.constant 64 : index
        %parallel_loop3A_425 = tpu.vector_load %arg10[%parallel_loop3A_423, %parallel_loop3A_424] {strides = array<i32>} : memref<120x128xf32, #tpu.memory_space<vmem>>, vector<1x16xf32>,
        %parallel_loop3A_426 = vector.shape_cast %parallel_loop3A_425 : vector<1x16xf32> to vector<16xf32>
        %parallel_loop3A_427 = arith.constant 40 : i32
        %parallel_loop3A_428 = arith.addi %parallel_loop3A_427, %parallel_loop3A_330 : i32
        %parallel_loop3A_429 = arith.index_cast %parallel_loop3A_428 : i32 to index
        %parallel_loop3A_430 = arith.constant 64 : index
        %parallel_loop3A_431 = tpu.vector_load %arg10[%parallel_loop3A_429, %parallel_loop3A_430] {strides = array<i32>} : memref<120x128xf32, #tpu.memory_space<vmem>>, vector<1x16xf32>,
        %parallel_loop3A_432 = vector.shape_cast %parallel_loop3A_431 : vector<1x16xf32> to vector<16xf32>
        %parallel_loop3A_433 = arith.mulf %parallel_loop3A_426, %parallel_loop3A_432 : vector<16xf32>
        %parallel_loop3A_434 = arith.constant 80 : i32
        %parallel_loop3A_435 = arith.addi %parallel_loop3A_434, %parallel_loop3A_330 : i32
        %parallel_loop3A_436 = arith.index_cast %parallel_loop3A_435 : i32 to index
        %parallel_loop3A_437 = arith.constant 64 : index
        %parallel_loop3A_438 = tpu.vector_load %arg10[%parallel_loop3A_436, %parallel_loop3A_437] {strides = array<i32>} : memref<120x128xf32, #tpu.memory_space<vmem>>, vector<1x16xf32>,
        %parallel_loop3A_439 = vector.shape_cast %parallel_loop3A_438 : vector<1x16xf32> to vector<16xf32>
        %parallel_loop3A_440 = arith.mulf %parallel_loop3A_433, %parallel_loop3A_439 : vector<16xf32>
        %parallel_loop3A_441 = arith.index_cast %parallel_loop3A_330 : i32 to index
        %parallel_loop3A_442 = arith.constant 64 : index
        %parallel_loop3A_443 = tpu.vector_load %arg10[%parallel_loop3A_441, %parallel_loop3A_442] {strides = array<i32>} : memref<120x128xf32, #tpu.memory_space<vmem>>, vector<1x16xf32>,
        %parallel_loop3A_444 = vector.shape_cast %parallel_loop3A_443 : vector<1x16xf32> to vector<16xf32>
        %parallel_loop3A_445 = vector.shape_cast %parallel_loop3A_440 : vector<16xf32> to vector<1x16xf32>
        tpu.vector_store %arg10[%parallel_loop3A_441, %parallel_loop3A_442], %parallel_loop3A_445 {strides = array<i32>} : memref<120x128xf32, #tpu.memory_space<vmem>>, vector<1x16xf32>,
        %parallel_loop3A_446 = arith.index_cast %parallel_loop3A_330 : i32 to index
        %parallel_loop3A_447 = arith.constant 80 : index
        %parallel_loop3A_448 = tpu.vector_load %arg10[%parallel_loop3A_446, %parallel_loop3A_447] {strides = array<i32>} : memref<120x128xf32, #tpu.memory_space<vmem>>, vector<1x16xf32>,
        %parallel_loop3A_449 = vector.shape_cast %parallel_loop3A_448 : vector<1x16xf32> to vector<16xf32>
        %parallel_loop3A_450 = arith.constant 40 : i32
        %parallel_loop3A_451 = arith.addi %parallel_loop3A_450, %parallel_loop3A_330 : i32
        %parallel_loop3A_452 = arith.index_cast %parallel_loop3A_451 : i32 to index
        %parallel_loop3A_453 = arith.constant 80 : index
        %parallel_loop3A_454 = tpu.vector_load %arg10[%parallel_loop3A_452, %parallel_loop3A_453] {strides = array<i32>} : memref<120x128xf32, #tpu.memory_space<vmem>>, vector<1x16xf32>,
        %parallel_loop3A_455 = vector.shape_cast %parallel_loop3A_454 : vector<1x16xf32> to vector<16xf32>
        %parallel_loop3A_456 = arith.mulf %parallel_loop3A_449, %parallel_loop3A_455 : vector<16xf32>
        %parallel_loop3A_457 = arith.constant 80 : i32
        %parallel_loop3A_458 = arith.addi %parallel_loop3A_457, %parallel_loop3A_330 : i32
        %parallel_loop3A_459 = arith.index_cast %parallel_loop3A_458 : i32 to index
        %parallel_loop3A_460 = arith.constant 80 : index
        %parallel_loop3A_461 = tpu.vector_load %arg10[%parallel_loop3A_459, %parallel_loop3A_460] {strides = array<i32>} : memref<120x128xf32, #tpu.memory_space<vmem>>, vector<1x16xf32>,
        %parallel_loop3A_462 = vector.shape_cast %parallel_loop3A_461 : vector<1x16xf32> to vector<16xf32>
        %parallel_loop3A_463 = arith.mulf %parallel_loop3A_456, %parallel_loop3A_462 : vector<16xf32>
        %parallel_loop3A_464 = arith.index_cast %parallel_loop3A_330 : i32 to index
        %parallel_loop3A_465 = arith.constant 80 : index
        %parallel_loop3A_466 = tpu.vector_load %arg10[%parallel_loop3A_464, %parallel_loop3A_465] {strides = array<i32>} : memref<120x128xf32, #tpu.memory_space<vmem>>, vector<1x16xf32>,
        %parallel_loop3A_467 = vector.shape_cast %parallel_loop3A_466 : vector<1x16xf32> to vector<16xf32>
        %parallel_loop3A_468 = vector.shape_cast %parallel_loop3A_463 : vector<16xf32> to vector<1x16xf32>
        tpu.vector_store %arg10[%parallel_loop3A_464, %parallel_loop3A_465], %parallel_loop3A_468 {strides = array<i32>} : memref<120x128xf32, #tpu.memory_space<vmem>>, vector<1x16xf32>,
        %parallel_loop3A_469 = arith.index_cast %parallel_loop3A_330 : i32 to index
        %parallel_loop3A_470 = arith.constant 96 : index
        %parallel_loop3A_471 = tpu.vector_load %arg10[%parallel_loop3A_469, %parallel_loop3A_470] {strides = array<i32>} : memref<120x128xf32, #tpu.memory_space<vmem>>, vector<1x16xf32>,
        %parallel_loop3A_472 = vector.shape_cast %parallel_loop3A_471 : vector<1x16xf32> to vector<16xf32>
        %parallel_loop3A_473 = arith.constant 40 : i32
        %parallel_loop3A_474 = arith.addi %parallel_loop3A_473, %parallel_loop3A_330 : i32
        %parallel_loop3A_475 = arith.index_cast %parallel_loop3A_474 : i32 to index
        %parallel_loop3A_476 = arith.constant 96 : index
        %parallel_loop3A_477 = tpu.vector_load %arg10[%parallel_loop3A_475, %parallel_loop3A_476] {strides = array<i32>} : memref<120x128xf32, #tpu.memory_space<vmem>>, vector<1x16xf32>,
        %parallel_loop3A_478 = vector.shape_cast %parallel_loop3A_477 : vector<1x16xf32> to vector<16xf32>
        %parallel_loop3A_479 = arith.mulf %parallel_loop3A_472, %parallel_loop3A_478 : vector<16xf32>
        %parallel_loop3A_480 = arith.constant 80 : i32
        %parallel_loop3A_481 = arith.addi %parallel_loop3A_480, %parallel_loop3A_330 : i32
        %parallel_loop3A_482 = arith.index_cast %parallel_loop3A_481 : i32 to index
        %parallel_loop3A_483 = arith.constant 96 : index
        %parallel_loop3A_484 = tpu.vector_load %arg10[%parallel_loop3A_482, %parallel_loop3A_483] {strides = array<i32>} : memref<120x128xf32, #tpu.memory_space<vmem>>, vector<1x16xf32>,
        %parallel_loop3A_485 = vector.shape_cast %parallel_loop3A_484 : vector<1x16xf32> to vector<16xf32>
        %parallel_loop3A_486 = arith.mulf %parallel_loop3A_479, %parallel_loop3A_485 : vector<16xf32>
        %parallel_loop3A_487 = arith.index_cast %parallel_loop3A_330 : i32 to index
        %parallel_loop3A_488 = arith.constant 96 : index
        %parallel_loop3A_489 = tpu.vector_load %arg10[%parallel_loop3A_487, %parallel_loop3A_488] {strides = array<i32>} : memref<120x128xf32, #tpu.memory_space<vmem>>, vector<1x16xf32>,
        %parallel_loop3A_490 = vector.shape_cast %parallel_loop3A_489 : vector<1x16xf32> to vector<16xf32>
        %parallel_loop3A_491 = vector.shape_cast %parallel_loop3A_486 : vector<16xf32> to vector<1x16xf32>
        tpu.vector_store %arg10[%parallel_loop3A_487, %parallel_loop3A_488], %parallel_loop3A_491 {strides = array<i32>} : memref<120x128xf32, #tpu.memory_space<vmem>>, vector<1x16xf32>,
        %parallel_loop3A_492 = arith.index_cast %parallel_loop3A_330 : i32 to index
        %parallel_loop3A_493 = arith.constant 112 : index
        %parallel_loop3A_494 = tpu.vector_load %arg10[%parallel_loop3A_492, %parallel_loop3A_493] {strides = array<i32>} : memref<120x128xf32, #tpu.memory_space<vmem>>, vector<1x16xf32>,
        %parallel_loop3A_495 = vector.shape_cast %parallel_loop3A_494 : vector<1x16xf32> to vector<16xf32>
        %parallel_loop3A_496 = arith.constant 40 : i32
        %parallel_loop3A_497 = arith.addi %parallel_loop3A_496, %parallel_loop3A_330 : i32
        %parallel_loop3A_498 = arith.index_cast %parallel_loop3A_497 : i32 to index
        %parallel_loop3A_499 = arith.constant 112 : index
        %parallel_loop3A_500 = tpu.vector_load %arg10[%parallel_loop3A_498, %parallel_loop3A_499] {strides = array<i32>} : memref<120x128xf32, #tpu.memory_space<vmem>>, vector<1x16xf32>,
        %parallel_loop3A_501 = vector.shape_cast %parallel_loop3A_500 : vector<1x16xf32> to vector<16xf32>
        %parallel_loop3A_502 = arith.mulf %parallel_loop3A_495, %parallel_loop3A_501 : vector<16xf32>
        %parallel_loop3A_503 = arith.constant 80 : i32
        %parallel_loop3A_504 = arith.addi %parallel_loop3A_503, %parallel_loop3A_330 : i32
        %parallel_loop3A_505 = arith.index_cast %parallel_loop3A_504 : i32 to index
        %parallel_loop3A_506 = arith.constant 112 : index
        %parallel_loop3A_507 = tpu.vector_load %arg10[%parallel_loop3A_505, %parallel_loop3A_506] {strides = array<i32>} : memref<120x128xf32, #tpu.memory_space<vmem>>, vector<1x16xf32>,
        %parallel_loop3A_508 = vector.shape_cast %parallel_loop3A_507 : vector<1x16xf32> to vector<16xf32>
        %parallel_loop3A_509 = arith.mulf %parallel_loop3A_502, %parallel_loop3A_508 : vector<16xf32>
        %parallel_loop3A_510 = arith.index_cast %parallel_loop3A_330 : i32 to index
        %parallel_loop3A_511 = arith.constant 112 : index
        %parallel_loop3A_512 = tpu.vector_load %arg10[%parallel_loop3A_510, %parallel_loop3A_511] {strides = array<i32>} : memref<120x128xf32, #tpu.memory_space<vmem>>, vector<1x16xf32>,
        %parallel_loop3A_513 = vector.shape_cast %parallel_loop3A_512 : vector<1x16xf32> to vector<16xf32>
        %parallel_loop3A_514 = vector.shape_cast %parallel_loop3A_509 : vector<16xf32> to vector<1x16xf32>
        tpu.vector_store %arg10[%parallel_loop3A_510, %parallel_loop3A_511], %parallel_loop3A_514 {strides = array<i32>} : memref<120x128xf32, #tpu.memory_space<vmem>>, vector<1x16xf32>,
      } {sc.loop_unroll_factor = 4 : i64, sc.parallel_access}
      %mul3A_317 = arith.constant 40 : i32
      %mul3A_318 = arith.muli %add3A_288, %mul3A_317 : i32
      %add3A_319 = arith.addi %mul3A_2, %mul3A_318 : i32
      %dma_start3A_320 = arith.constant 0 : i32
      %dma_start3A_321 = arith.constant 0 : i32
      %dma_start3A_322 = tpu.memref_slice %arg10[%dma_start3A_320, %dma_start3A_321] : memref<120x128xf32, #tpu.memory_space<vmem>> -> memref<40x128xf32, #tpu.memory_space<vmem>>
      %dma_start3A_323 = arith.constant 0 : i32
      %dma_start3A_324 = tpu.memref_slice %arg4[%add3A_319, %dma_start3A_323] : memref<320000x128xf32, #tpu.memory_space<hbm>> -> memref<40x128xf32, #tpu.memory_space<hbm>>
      %dma_start3A_325 = arith.constant 0 : i32
      %dma_start3A_326 = tpu.memref_slice %arg4[%add3A_319, %dma_start3A_325] : memref<320000x128xf32, #tpu.memory_space<hbm>> -> memref<40x128xf32, #tpu.memory_space<hbm>>
      %dma_start3A_327 = arith.constant 0 : i32
      %dma_start3A_328 = arith.constant 0 : i32
      %dma_start3A_329 = tpu.memref_slice %arg10[%dma_start3A_327, %dma_start3A_328] : memref<120x128xf32, #tpu.memory_space<vmem>> -> memref<40x128xf32, #tpu.memory_space<vmem>>
      tpu.enqueue_dma source(%dma_start3A_329 : memref<40x128xf32, #tpu.memory_space<vmem>>) target(%dma_start3A_326 : memref<40x128xf32, #tpu.memory_space<hbm>>) target_semaphore(%arg20 : memref<!tpu.dma_semaphore, #tpu.memory_space<semaphore_mem>>)
    }
    %scan3A_161 = arith.constant 83 : i32
    %dma_wait3A_162 = arith.constant 0 : i32
    %dma_wait3A_163 = arith.constant 0 : i32
    %dma_wait3A_164 = tpu.memref_slice %arg2[%dma_wait3A_162, %dma_wait3A_163] : memref<10000x128xf32, #tpu.memory_space<hbm>> -> memref<120x128xf32, #tpu.memory_space<hbm>>
    %dma_wait3A_165 = arith.constant 0 : i32
    %dma_wait3A_166 = arith.constant 0 : i32
    %dma_wait3A_167 = tpu.memref_slice %arg2[%dma_wait3A_165, %dma_wait3A_166] : memref<10000x128xf32, #tpu.memory_space<hbm>> -> memref<120x128xf32, #tpu.memory_space<hbm>>
    tpu.wait_dma2 semaphore(%arg15 : memref<!tpu.dma_semaphore, #tpu.memory_space<semaphore_mem>>) src(%dma_wait3A_167 : memref<120x128xf32, #tpu.memory_space<hbm>>) dst(%arg8 : memref<120x128xf32, #tpu.memory_space<vmem>>)
    %parallel_loop3A = arith.constant 0 : i32
    %parallel_loop3A_168 = arith.constant 40 : i32
    %parallel_loop3A_169 = arith.constant 1 : i32
    scf.for %parallel_loop3A_202 = %parallel_loop3A to %parallel_loop3A_168 step %parallel_loop3A_169  : i32 {
      %parallel_loop3A_203 = arith.index_cast %parallel_loop3A_202 : i32 to index
      %parallel_loop3A_204 = arith.constant 0 : index
      %parallel_loop3A_205 = tpu.vector_load %arg8[%parallel_loop3A_203, %parallel_loop3A_204] {strides = array<i32>} : memref<120x128xf32, #tpu.memory_space<vmem>>, vector<1x16xf32>,
      %parallel_loop3A_206 = vector.shape_cast %parallel_loop3A_205 : vector<1x16xf32> to vector<16xf32>
      %parallel_loop3A_207 = arith.constant 40 : i32
      %parallel_loop3A_208 = arith.addi %parallel_loop3A_207, %parallel_loop3A_202 : i32
      %parallel_loop3A_209 = arith.index_cast %parallel_loop3A_208 : i32 to index
      %parallel_loop3A_210 = arith.constant 0 : index
      %parallel_loop3A_211 = tpu.vector_load %arg8[%parallel_loop3A_209, %parallel_loop3A_210] {strides = array<i32>} : memref<120x128xf32, #tpu.memory_space<vmem>>, vector<1x16xf32>,
      %parallel_loop3A_212 = vector.shape_cast %parallel_loop3A_211 : vector<1x16xf32> to vector<16xf32>
      %parallel_loop3A_213 = arith.mulf %parallel_loop3A_206, %parallel_loop3A_212 : vector<16xf32>
      %parallel_loop3A_214 = arith.constant 80 : i32
      %parallel_loop3A_215 = arith.addi %parallel_loop3A_214, %parallel_loop3A_202 : i32
      %parallel_loop3A_216 = arith.index_cast %parallel_loop3A_215 : i32 to index
      %parallel_loop3A_217 = arith.constant 0 : index
      %parallel_loop3A_218 = tpu.vector_load %arg8[%parallel_loop3A_216, %parallel_loop3A_217] {strides = array<i32>} : memref<120x128xf32, #tpu.memory_space<vmem>>, vector<1x16xf32>,
      %parallel_loop3A_219 = vector.shape_cast %parallel_loop3A_218 : vector<1x16xf32> to vector<16xf32>
      %parallel_loop3A_220 = arith.mulf %parallel_loop3A_213, %parallel_loop3A_219 : vector<16xf32>
      %parallel_loop3A_221 = arith.index_cast %parallel_loop3A_202 : i32 to index
      %parallel_loop3A_222 = arith.constant 0 : index
      %parallel_loop3A_223 = tpu.vector_load %arg8[%parallel_loop3A_221, %parallel_loop3A_222] {strides = array<i32>} : memref<120x128xf32, #tpu.memory_space<vmem>>, vector<1x16xf32>,
      %parallel_loop3A_224 = vector.shape_cast %parallel_loop3A_223 : vector<1x16xf32> to vector<16xf32>
      %parallel_loop3A_225 = vector.shape_cast %parallel_loop3A_220 : vector<16xf32> to vector<1x16xf32>
      tpu.vector_store %arg8[%parallel_loop3A_221, %parallel_loop3A_222], %parallel_loop3A_225 {strides = array<i32>} : memref<120x128xf32, #tpu.memory_space<vmem>>, vector<1x16xf32>,
      %parallel_loop3A_226 = arith.index_cast %parallel_loop3A_202 : i32 to index
      %parallel_loop3A_227 = arith.constant 16 : index
      %parallel_loop3A_228 = tpu.vector_load %arg8[%parallel_loop3A_226, %parallel_loop3A_227] {strides = array<i32>} : memref<120x128xf32, #tpu.memory_space<vmem>>, vector<1x16xf32>,
      %parallel_loop3A_229 = vector.shape_cast %parallel_loop3A_228 : vector<1x16xf32> to vector<16xf32>
      %parallel_loop3A_230 = arith.constant 40 : i32
      %parallel_loop3A_231 = arith.addi %parallel_loop3A_230, %parallel_loop3A_202 : i32
      %parallel_loop3A_232 = arith.index_cast %parallel_loop3A_231 : i32 to index
      %parallel_loop3A_233 = arith.constant 16 : index
      %parallel_loop3A_234 = tpu.vector_load %arg8[%parallel_loop3A_232, %parallel_loop3A_233] {strides = array<i32>} : memref<120x128xf32, #tpu.memory_space<vmem>>, vector<1x16xf32>,
      %parallel_loop3A_235 = vector.shape_cast %parallel_loop3A_234 : vector<1x16xf32> to vector<16xf32>
      %parallel_loop3A_236 = arith.mulf %parallel_loop3A_229, %parallel_loop3A_235 : vector<16xf32>
      %parallel_loop3A_237 = arith.constant 80 : i32
      %parallel_loop3A_238 = arith.addi %parallel_loop3A_237, %parallel_loop3A_202 : i32
      %parallel_loop3A_239 = arith.index_cast %parallel_loop3A_238 : i32 to index
      %parallel_loop3A_240 = arith.constant 16 : index
      %parallel_loop3A_241 = tpu.vector_load %arg8[%parallel_loop3A_239, %parallel_loop3A_240] {strides = array<i32>} : memref<120x128xf32, #tpu.memory_space<vmem>>, vector<1x16xf32>,
      %parallel_loop3A_242 = vector.shape_cast %parallel_loop3A_241 : vector<1x16xf32> to vector<16xf32>
      %parallel_loop3A_243 = arith.mulf %parallel_loop3A_236, %parallel_loop3A_242 : vector<16xf32>
      %parallel_loop3A_244 = arith.index_cast %parallel_loop3A_202 : i32 to index
      %parallel_loop3A_245 = arith.constant 16 : index
      %parallel_loop3A_246 = tpu.vector_load %arg8[%parallel_loop3A_244, %parallel_loop3A_245] {strides = array<i32>} : memref<120x128xf32, #tpu.memory_space<vmem>>, vector<1x16xf32>,
      %parallel_loop3A_247 = vector.shape_cast %parallel_loop3A_246 : vector<1x16xf32> to vector<16xf32>
      %parallel_loop3A_248 = vector.shape_cast %parallel_loop3A_243 : vector<16xf32> to vector<1x16xf32>
      tpu.vector_store %arg8[%parallel_loop3A_244, %parallel_loop3A_245], %parallel_loop3A_248 {strides = array<i32>} : memref<120x128xf32, #tpu.memory_space<vmem>>, vector<1x16xf32>,
      %parallel_loop3A_249 = arith.index_cast %parallel_loop3A_202 : i32 to index
      %parallel_loop3A_250 = arith.constant 32 : index
      %parallel_loop3A_251 = tpu.vector_load %arg8[%parallel_loop3A_249, %parallel_loop3A_250] {strides = array<i32>} : memref<120x128xf32, #tpu.memory_space<vmem>>, vector<1x16xf32>,
      %parallel_loop3A_252 = vector.shape_cast %parallel_loop3A_251 : vector<1x16xf32> to vector<16xf32>
      %parallel_loop3A_253 = arith.constant 40 : i32
      %parallel_loop3A_254 = arith.addi %parallel_loop3A_253, %parallel_loop3A_202 : i32
      %parallel_loop3A_255 = arith.index_cast %parallel_loop3A_254 : i32 to index
      %parallel_loop3A_256 = arith.constant 32 : index
      %parallel_loop3A_257 = tpu.vector_load %arg8[%parallel_loop3A_255, %parallel_loop3A_256] {strides = array<i32>} : memref<120x128xf32, #tpu.memory_space<vmem>>, vector<1x16xf32>,
      %parallel_loop3A_258 = vector.shape_cast %parallel_loop3A_257 : vector<1x16xf32> to vector<16xf32>
      %parallel_loop3A_259 = arith.mulf %parallel_loop3A_252, %parallel_loop3A_258 : vector<16xf32>
      %parallel_loop3A_260 = arith.constant 80 : i32
      %parallel_loop3A_261 = arith.addi %parallel_loop3A_260, %parallel_loop3A_202 : i32
      %parallel_loop3A_262 = arith.index_cast %parallel_loop3A_261 : i32 to index
      %parallel_loop3A_263 = arith.constant 32 : index
      %parallel_loop3A_264 = tpu.vector_load %arg8[%parallel_loop3A_262, %parallel_loop3A_263] {strides = array<i32>} : memref<120x128xf32, #tpu.memory_space<vmem>>, vector<1x16xf32>,
      %parallel_loop3A_265 = vector.shape_cast %parallel_loop3A_264 : vector<1x16xf32> to vector<16xf32>
      %parallel_loop3A_266 = arith.mulf %parallel_loop3A_259, %parallel_loop3A_265 : vector<16xf32>
      %parallel_loop3A_267 = arith.index_cast %parallel_loop3A_202 : i32 to index
      %parallel_loop3A_268 = arith.constant 32 : index
      %parallel_loop3A_269 = tpu.vector_load %arg8[%parallel_loop3A_267, %parallel_loop3A_268] {strides = array<i32>} : memref<120x128xf32, #tpu.memory_space<vmem>>, vector<1x16xf32>,
      %parallel_loop3A_270 = vector.shape_cast %parallel_loop3A_269 : vector<1x16xf32> to vector<16xf32>
      %parallel_loop3A_271 = vector.shape_cast %parallel_loop3A_266 : vector<16xf32> to vector<1x16xf32>
      tpu.vector_store %arg8[%parallel_loop3A_267, %parallel_loop3A_268], %parallel_loop3A_271 {strides = array<i32>} : memref<120x128xf32, #tpu.memory_space<vmem>>, vector<1x16xf32>,
      %parallel_loop3A_272 = arith.index_cast %parallel_loop3A_202 : i32 to index
      %parallel_loop3A_273 = arith.constant 48 : index
      %parallel_loop3A_274 = tpu.vector_load %arg8[%parallel_loop3A_272, %parallel_loop3A_273] {strides = array<i32>} : memref<120x128xf32, #tpu.memory_space<vmem>>, vector<1x16xf32>,
      %parallel_loop3A_275 = vector.shape_cast %parallel_loop3A_274 : vector<1x16xf32> to vector<16xf32>
      %parallel_loop3A_276 = arith.constant 40 : i32
      %parallel_loop3A_277 = arith.addi %parallel_loop3A_276, %parallel_loop3A_202 : i32
      %parallel_loop3A_278 = arith.index_cast %parallel_loop3A_277 : i32 to index
      %parallel_loop3A_279 = arith.constant 48 : index
      %parallel_loop3A_280 = tpu.vector_load %arg8[%parallel_loop3A_278, %parallel_loop3A_279] {strides = array<i32>} : memref<120x128xf32, #tpu.memory_space<vmem>>, vector<1x16xf32>,
      %parallel_loop3A_281 = vector.shape_cast %parallel_loop3A_280 : vector<1x16xf32> to vector<16xf32>
      %parallel_loop3A_282 = arith.mulf %parallel_loop3A_275, %parallel_loop3A_281 : vector<16xf32>
      %parallel_loop3A_283 = arith.constant 80 : i32
      %parallel_loop3A_284 = arith.addi %parallel_loop3A_283, %parallel_loop3A_202 : i32
      %parallel_loop3A_285 = arith.index_cast %parallel_loop3A_284 : i32 to index
      %parallel_loop3A_286 = arith.constant 48 : index
      %parallel_loop3A_287 = tpu.vector_load %arg8[%parallel_loop3A_285, %parallel_loop3A_286] {strides = array<i32>} : memref<120x128xf32, #tpu.memory_space<vmem>>, vector<1x16xf32>,
      %parallel_loop3A_288 = vector.shape_cast %parallel_loop3A_287 : vector<1x16xf32> to vector<16xf32>
      %parallel_loop3A_289 = arith.mulf %parallel_loop3A_282, %parallel_loop3A_288 : vector<16xf32>
      %parallel_loop3A_290 = arith.index_cast %parallel_loop3A_202 : i32 to index
      %parallel_loop3A_291 = arith.constant 48 : index
      %parallel_loop3A_292 = tpu.vector_load %arg8[%parallel_loop3A_290, %parallel_loop3A_291] {strides = array<i32>} : memref<120x128xf32, #tpu.memory_space<vmem>>, vector<1x16xf32>,
      %parallel_loop3A_293 = vector.shape_cast %parallel_loop3A_292 : vector<1x16xf32> to vector<16xf32>
      %parallel_loop3A_294 = vector.shape_cast %parallel_loop3A_289 : vector<16xf32> to vector<1x16xf32>
      tpu.vector_store %arg8[%parallel_loop3A_290, %parallel_loop3A_291], %parallel_loop3A_294 {strides = array<i32>} : memref<120x128xf32, #tpu.memory_space<vmem>>, vector<1x16xf32>,
      %parallel_loop3A_295 = arith.index_cast %parallel_loop3A_202 : i32 to index
      %parallel_loop3A_296 = arith.constant 64 : index
      %parallel_loop3A_297 = tpu.vector_load %arg8[%parallel_loop3A_295, %parallel_loop3A_296] {strides = array<i32>} : memref<120x128xf32, #tpu.memory_space<vmem>>, vector<1x16xf32>,
      %parallel_loop3A_298 = vector.shape_cast %parallel_loop3A_297 : vector<1x16xf32> to vector<16xf32>
      %parallel_loop3A_299 = arith.constant 40 : i32
      %parallel_loop3A_300 = arith.addi %parallel_loop3A_299, %parallel_loop3A_202 : i32
      %parallel_loop3A_301 = arith.index_cast %parallel_loop3A_300 : i32 to index
      %parallel_loop3A_302 = arith.constant 64 : index
      %parallel_loop3A_303 = tpu.vector_load %arg8[%parallel_loop3A_301, %parallel_loop3A_302] {strides = array<i32>} : memref<120x128xf32, #tpu.memory_space<vmem>>, vector<1x16xf32>,
      %parallel_loop3A_304 = vector.shape_cast %parallel_loop3A_303 : vector<1x16xf32> to vector<16xf32>
      %parallel_loop3A_305 = arith.mulf %parallel_loop3A_298, %parallel_loop3A_304 : vector<16xf32>
      %parallel_loop3A_306 = arith.constant 80 : i32
      %parallel_loop3A_307 = arith.addi %parallel_loop3A_306, %parallel_loop3A_202 : i32
      %parallel_loop3A_308 = arith.index_cast %parallel_loop3A_307 : i32 to index
      %parallel_loop3A_309 = arith.constant 64 : index
      %parallel_loop3A_310 = tpu.vector_load %arg8[%parallel_loop3A_308, %parallel_loop3A_309] {strides = array<i32>} : memref<120x128xf32, #tpu.memory_space<vmem>>, vector<1x16xf32>,
      %parallel_loop3A_311 = vector.shape_cast %parallel_loop3A_310 : vector<1x16xf32> to vector<16xf32>
      %parallel_loop3A_312 = arith.mulf %parallel_loop3A_305, %parallel_loop3A_311 : vector<16xf32>
      %parallel_loop3A_313 = arith.index_cast %parallel_loop3A_202 : i32 to index
      %parallel_loop3A_314 = arith.constant 64 : index
      %parallel_loop3A_315 = tpu.vector_load %arg8[%parallel_loop3A_313, %parallel_loop3A_314] {strides = array<i32>} : memref<120x128xf32, #tpu.memory_space<vmem>>, vector<1x16xf32>,
      %parallel_loop3A_316 = vector.shape_cast %parallel_loop3A_315 : vector<1x16xf32> to vector<16xf32>
      %parallel_loop3A_317 = vector.shape_cast %parallel_loop3A_312 : vector<16xf32> to vector<1x16xf32>
      tpu.vector_store %arg8[%parallel_loop3A_313, %parallel_loop3A_314], %parallel_loop3A_317 {strides = array<i32>} : memref<120x128xf32, #tpu.memory_space<vmem>>, vector<1x16xf32>,
      %parallel_loop3A_318 = arith.index_cast %parallel_loop3A_202 : i32 to index
      %parallel_loop3A_319 = arith.constant 80 : index
      %parallel_loop3A_320 = tpu.vector_load %arg8[%parallel_loop3A_318, %parallel_loop3A_319] {strides = array<i32>} : memref<120x128xf32, #tpu.memory_space<vmem>>, vector<1x16xf32>,
      %parallel_loop3A_321 = vector.shape_cast %parallel_loop3A_320 : vector<1x16xf32> to vector<16xf32>
      %parallel_loop3A_322 = arith.constant 40 : i32
      %parallel_loop3A_323 = arith.addi %parallel_loop3A_322, %parallel_loop3A_202 : i32
      %parallel_loop3A_324 = arith.index_cast %parallel_loop3A_323 : i32 to index
      %parallel_loop3A_325 = arith.constant 80 : index
      %parallel_loop3A_326 = tpu.vector_load %arg8[%parallel_loop3A_324, %parallel_loop3A_325] {strides = array<i32>} : memref<120x128xf32, #tpu.memory_space<vmem>>, vector<1x16xf32>,
      %parallel_loop3A_327 = vector.shape_cast %parallel_loop3A_326 : vector<1x16xf32> to vector<16xf32>
      %parallel_loop3A_328 = arith.mulf %parallel_loop3A_321, %parallel_loop3A_327 : vector<16xf32>
      %parallel_loop3A_329 = arith.constant 80 : i32
      %parallel_loop3A_330 = arith.addi %parallel_loop3A_329, %parallel_loop3A_202 : i32
      %parallel_loop3A_331 = arith.index_cast %parallel_loop3A_330 : i32 to index
      %parallel_loop3A_332 = arith.constant 80 : index
      %parallel_loop3A_333 = tpu.vector_load %arg8[%parallel_loop3A_331, %parallel_loop3A_332] {strides = array<i32>} : memref<120x128xf32, #tpu.memory_space<vmem>>, vector<1x16xf32>,
      %parallel_loop3A_334 = vector.shape_cast %parallel_loop3A_333 : vector<1x16xf32> to vector<16xf32>
      %parallel_loop3A_335 = arith.mulf %parallel_loop3A_328, %parallel_loop3A_334 : vector<16xf32>
      %parallel_loop3A_336 = arith.index_cast %parallel_loop3A_202 : i32 to index
      %parallel_loop3A_337 = arith.constant 80 : index
      %parallel_loop3A_338 = tpu.vector_load %arg8[%parallel_loop3A_336, %parallel_loop3A_337] {strides = array<i32>} : memref<120x128xf32, #tpu.memory_space<vmem>>, vector<1x16xf32>,
      %parallel_loop3A_339 = vector.shape_cast %parallel_loop3A_338 : vector<1x16xf32> to vector<16xf32>
      %parallel_loop3A_340 = vector.shape_cast %parallel_loop3A_335 : vector<16xf32> to vector<1x16xf32>
      tpu.vector_store %arg8[%parallel_loop3A_336, %parallel_loop3A_337], %parallel_loop3A_340 {strides = array<i32>} : memref<120x128xf32, #tpu.memory_space<vmem>>, vector<1x16xf32>,
      %parallel_loop3A_341 = arith.index_cast %parallel_loop3A_202 : i32 to index
      %parallel_loop3A_342 = arith.constant 96 : index
      %parallel_loop3A_343 = tpu.vector_load %arg8[%parallel_loop3A_341, %parallel_loop3A_342] {strides = array<i32>} : memref<120x128xf32, #tpu.memory_space<vmem>>, vector<1x16xf32>,
      %parallel_loop3A_344 = vector.shape_cast %parallel_loop3A_343 : vector<1x16xf32> to vector<16xf32>
      %parallel_loop3A_345 = arith.constant 40 : i32
      %parallel_loop3A_346 = arith.addi %parallel_loop3A_345, %parallel_loop3A_202 : i32
      %parallel_loop3A_347 = arith.index_cast %parallel_loop3A_346 : i32 to index
      %parallel_loop3A_348 = arith.constant 96 : index
      %parallel_loop3A_349 = tpu.vector_load %arg8[%parallel_loop3A_347, %parallel_loop3A_348] {strides = array<i32>} : memref<120x128xf32, #tpu.memory_space<vmem>>, vector<1x16xf32>,
      %parallel_loop3A_350 = vector.shape_cast %parallel_loop3A_349 : vector<1x16xf32> to vector<16xf32>
      %parallel_loop3A_351 = arith.mulf %parallel_loop3A_344, %parallel_loop3A_350 : vector<16xf32>
      %parallel_loop3A_352 = arith.constant 80 : i32
      %parallel_loop3A_353 = arith.addi %parallel_loop3A_352, %parallel_loop3A_202 : i32
      %parallel_loop3A_354 = arith.index_cast %parallel_loop3A_353 : i32 to index
      %parallel_loop3A_355 = arith.constant 96 : index
      %parallel_loop3A_356 = tpu.vector_load %arg8[%parallel_loop3A_354, %parallel_loop3A_355] {strides = array<i32>} : memref<120x128xf32, #tpu.memory_space<vmem>>, vector<1x16xf32>,
      %parallel_loop3A_357 = vector.shape_cast %parallel_loop3A_356 : vector<1x16xf32> to vector<16xf32>
      %parallel_loop3A_358 = arith.mulf %parallel_loop3A_351, %parallel_loop3A_357 : vector<16xf32>
      %parallel_loop3A_359 = arith.index_cast %parallel_loop3A_202 : i32 to index
      %parallel_loop3A_360 = arith.constant 96 : index
      %parallel_loop3A_361 = tpu.vector_load %arg8[%parallel_loop3A_359, %parallel_loop3A_360] {strides = array<i32>} : memref<120x128xf32, #tpu.memory_space<vmem>>, vector<1x16xf32>,
      %parallel_loop3A_362 = vector.shape_cast %parallel_loop3A_361 : vector<1x16xf32> to vector<16xf32>
      %parallel_loop3A_363 = vector.shape_cast %parallel_loop3A_358 : vector<16xf32> to vector<1x16xf32>
      tpu.vector_store %arg8[%parallel_loop3A_359, %parallel_loop3A_360], %parallel_loop3A_363 {strides = array<i32>} : memref<120x128xf32, #tpu.memory_space<vmem>>, vector<1x16xf32>,
      %parallel_loop3A_364 = arith.index_cast %parallel_loop3A_202 : i32 to index
      %parallel_loop3A_365 = arith.constant 112 : index
      %parallel_loop3A_366 = tpu.vector_load %arg8[%parallel_loop3A_364, %parallel_loop3A_365] {strides = array<i32>} : memref<120x128xf32, #tpu.memory_space<vmem>>, vector<1x16xf32>,
      %parallel_loop3A_367 = vector.shape_cast %parallel_loop3A_366 : vector<1x16xf32> to vector<16xf32>
      %parallel_loop3A_368 = arith.constant 40 : i32
      %parallel_loop3A_369 = arith.addi %parallel_loop3A_368, %parallel_loop3A_202 : i32
      %parallel_loop3A_370 = arith.index_cast %parallel_loop3A_369 : i32 to index
      %parallel_loop3A_371 = arith.constant 112 : index
      %parallel_loop3A_372 = tpu.vector_load %arg8[%parallel_loop3A_370, %parallel_loop3A_371] {strides = array<i32>} : memref<120x128xf32, #tpu.memory_space<vmem>>, vector<1x16xf32>,
      %parallel_loop3A_373 = vector.shape_cast %parallel_loop3A_372 : vector<1x16xf32> to vector<16xf32>
      %parallel_loop3A_374 = arith.mulf %parallel_loop3A_367, %parallel_loop3A_373 : vector<16xf32>
      %parallel_loop3A_375 = arith.constant 80 : i32
      %parallel_loop3A_376 = arith.addi %parallel_loop3A_375, %parallel_loop3A_202 : i32
      %parallel_loop3A_377 = arith.index_cast %parallel_loop3A_376 : i32 to index
      %parallel_loop3A_378 = arith.constant 112 : index
      %parallel_loop3A_379 = tpu.vector_load %arg8[%parallel_loop3A_377, %parallel_loop3A_378] {strides = array<i32>} : memref<120x128xf32, #tpu.memory_space<vmem>>, vector<1x16xf32>,
      %parallel_loop3A_380 = vector.shape_cast %parallel_loop3A_379 : vector<1x16xf32> to vector<16xf32>
      %parallel_loop3A_381 = arith.mulf %parallel_loop3A_374, %parallel_loop3A_380 : vector<16xf32>
      %parallel_loop3A_382 = arith.index_cast %parallel_loop3A_202 : i32 to index
      %parallel_loop3A_383 = arith.constant 112 : index
      %parallel_loop3A_384 = tpu.vector_load %arg8[%parallel_loop3A_382, %parallel_loop3A_383] {strides = array<i32>} : memref<120x128xf32, #tpu.memory_space<vmem>>, vector<1x16xf32>,
      %parallel_loop3A_385 = vector.shape_cast %parallel_loop3A_384 : vector<1x16xf32> to vector<16xf32>
      %parallel_loop3A_386 = vector.shape_cast %parallel_loop3A_381 : vector<16xf32> to vector<1x16xf32>
      tpu.vector_store %arg8[%parallel_loop3A_382, %parallel_loop3A_383], %parallel_loop3A_386 {strides = array<i32>} : memref<120x128xf32, #tpu.memory_space<vmem>>, vector<1x16xf32>,
    } {sc.loop_unroll_factor = 4 : i64, sc.parallel_access}
    %add3A_170 = arith.constant 9960 : i32
    %add3A_171 = arith.addi %mul3A_2, %add3A_170 : i32
    %dma_start3A_172 = arith.constant 0 : i32
    %dma_start3A_173 = arith.constant 0 : i32
    %dma_start3A_174 = tpu.memref_slice %arg8[%dma_start3A_172, %dma_start3A_173] : memref<120x128xf32, #tpu.memory_space<vmem>> -> memref<40x128xf32, #tpu.memory_space<vmem>>
    %dma_start3A_175 = arith.constant 0 : i32
    %dma_start3A_176 = tpu.memref_slice %arg4[%add3A_171, %dma_start3A_175] : memref<320000x128xf32, #tpu.memory_space<hbm>> -> memref<40x128xf32, #tpu.memory_space<hbm>>
    %dma_start3A_177 = arith.constant 0 : i32
    %dma_start3A_178 = tpu.memref_slice %arg4[%add3A_171, %dma_start3A_177] : memref<320000x128xf32, #tpu.memory_space<hbm>> -> memref<40x128xf32, #tpu.memory_space<hbm>>
    %dma_start3A_179 = arith.constant 0 : i32
    %dma_start3A_180 = arith.constant 0 : i32
    %dma_start3A_181 = tpu.memref_slice %arg8[%dma_start3A_179, %dma_start3A_180] : memref<120x128xf32, #tpu.memory_space<vmem>> -> memref<40x128xf32, #tpu.memory_space<vmem>>
    tpu.enqueue_dma source(%dma_start3A_181 : memref<40x128xf32, #tpu.memory_space<vmem>>) target(%dma_start3A_178 : memref<40x128xf32, #tpu.memory_space<hbm>>) target_semaphore(%arg18 : memref<!tpu.dma_semaphore, #tpu.memory_space<semaphore_mem>>)
    %dma_wait3A_182 = arith.constant 0 : i32
    %dma_wait3A_183 = arith.constant 0 : i32
    %dma_wait3A_184 = tpu.memref_slice %arg10[%dma_wait3A_182, %dma_wait3A_183] : memref<120x128xf32, #tpu.memory_space<vmem>> -> memref<40x128xf32, #tpu.memory_space<vmem>>
    %dma_wait3A_185 = arith.constant 0 : i32
    %dma_wait3A_186 = tpu.memref_slice %arg4[%mul3A_2, %dma_wait3A_185] : memref<320000x128xf32, #tpu.memory_space<hbm>> -> memref<40x128xf32, #tpu.memory_space<hbm>>
    %dma_wait3A_187 = arith.constant 0 : i32
    %dma_wait3A_188 = tpu.memref_slice %arg4[%mul3A_2, %dma_wait3A_187] : memref<320000x128xf32, #tpu.memory_space<hbm>> -> memref<40x128xf32, #tpu.memory_space<hbm>>
    %dma_wait3A_189 = arith.constant 0 : i32
    %dma_wait3A_190 = arith.constant 0 : i32
    %dma_wait3A_191 = tpu.memref_slice %arg10[%dma_wait3A_189, %dma_wait3A_190] : memref<120x128xf32, #tpu.memory_space<vmem>> -> memref<40x128xf32, #tpu.memory_space<vmem>>
    tpu.wait_dma2 semaphore(%arg20 : memref<!tpu.dma_semaphore, #tpu.memory_space<semaphore_mem>>) src(%dma_wait3A_191 : memref<40x128xf32, #tpu.memory_space<vmem>>) dst(%dma_wait3A_188 : memref<40x128xf32, #tpu.memory_space<hbm>>)
    %dma_wait3A_192 = arith.constant 0 : i32
    %dma_wait3A_193 = arith.constant 0 : i32
    %dma_wait3A_194 = tpu.memref_slice %arg8[%dma_wait3A_192, %dma_wait3A_193] : memref<120x128xf32, #tpu.memory_space<vmem>> -> memref<40x128xf32, #tpu.memory_space<vmem>>
    %dma_wait3A_195 = arith.constant 0 : i32
    %dma_wait3A_196 = tpu.memref_slice %arg4[%mul3A_2, %dma_wait3A_195] : memref<320000x128xf32, #tpu.memory_space<hbm>> -> memref<40x128xf32, #tpu.memory_space<hbm>>
    %dma_wait3A_197 = arith.constant 0 : i32
    %dma_wait3A_198 = tpu.memref_slice %arg4[%mul3A_2, %dma_wait3A_197] : memref<320000x128xf32, #tpu.memory_space<hbm>> -> memref<40x128xf32, #tpu.memory_space<hbm>>
    %dma_wait3A_199 = arith.constant 0 : i32
    %dma_wait3A_200 = arith.constant 0 : i32
    %dma_wait3A_201 = tpu.memref_slice %arg8[%dma_wait3A_199, %dma_wait3A_200] : memref<120x128xf32, #tpu.memory_space<vmem>> -> memref<40x128xf32, #tpu.memory_space<vmem>>
    tpu.wait_dma2 semaphore(%arg18 : memref<!tpu.dma_semaphore, #tpu.memory_space<semaphore_mem>>) src(%dma_wait3A_201 : memref<40x128xf32, #tpu.memory_space<vmem>>) dst(%dma_wait3A_198 : memref<40x128xf32, #tpu.memory_space<hbm>>)
    return
  }
}

</mosaic_0001>

<sc_bundles>
// kernel: kernel.3.cloned.1.call-start
scs
__scs_entry_jumppad:
0x0: {  	(pc) =	sbr.rel $0x88, $3  }
0x1: {  	(tag) =	ssettag $0x0;
	lr =	simm.s32 $0x1  }
0x2: {  	[smem:$0x3F9F] =	sst lr;
	_ =	strace $0xD0000000  }
0x3: {  	_ = 	snop  }
0x4: {  	_ = 	snop  }
0x5: {  	_ = 	snop  }
0x6: {  	_ = 	snop  }
0x7: {  	_ = 	snop  }
__scs_overlays_trampoline_lowered:
0x8: {  	[smem:$0x3FAE] =	sst s0  }
0x9: {  	[smem:$0x3FAF] =	sst s1  }
0xa: {  	[smem:$0x3FB0] =	sst s2  }
0xb: {  	[smem:$0x3FB1] =	sst s3  }
0xc: {  	[smem:$0x3FB2] =	sst s4  }
0xd: {  	[smem:$0x3FB3] =	sst s5  }
0xe: {  	[smem:$0x3FB4] =	sst s6  }
0xf: {  	[smem:$0x3FB5] =	sst s7  }
0x10: {  	[smem:$0x3FB6] =	sst s8  }
0x11: {  	[smem:$0x3FB7] =	sst s9;
	s0 =	simm.s32 @!p0 $0x0  }
0x12: {  	s1 =	sld [smem:$0x3F9D];
	s0 =	simm.s32 @p0 $0x1  }
0x13: {  	[smem:$0x3FB8] =	sst s0;
	s0 =	simm.s32 @!p1 $0x0  }
0x14: {  	s2 =	sld [smem:$0x3F9C];
	s0 =	simm.s32 @p1 $0x1  }
0x15: {  	[smem:$0x3FB9] =	sst s0;
	s0 =	simm.s32 @!p2 $0x0  }
0x16: {  	s3 =	sld [smem:$0x3FDB];
	s0 =	simm.s32 @p2 $0x1  }
0x17: {  	s4 =	simm.s32 $0x1BF5;
	[smem:$0x3FBB] =	sst s0  }
0x18: {  	s0 =	sld [smem:$0x3F9E];
	_ =	swait.ge [sflag:s4], $0x0  }
0x19: {  	s7 =	sld [smem:$0x3F9F]  }
0x1a: {  	s8 =	sadd.s32 $0xFFFFE003, lr  }
0x1b: {  	s9 =	sadd.s32 $0xFFFFFEF7, lr;
	s5 =	simm.s32 $0xFFFFFFFF;
	p2 =	slt.u32 s8, $0xFFFFF086  }
0x1c: {  	p1 =	slt.u32 s9, $0xF7A;
	s5 =	simm.s32 @!p2 $0x0  }
0x1d: {  	s5 =	simm.s32 @p1 $0x1;
	p0 =	seq.s32 s7, s2  }
0x1e: {  	s7 =	smul.u32 @!p0 $0xF7A, s2;
	p2 =	seq.s32 @!p0 s5, $0x0  }
0x1f: {  	s9 =	smul.u32 $0xF7A, s1;
	s8 =	simm.s32 @!p0 $0x1BF5;
	p2 =	por !p2, p0  }
0x20: {  	[sflag:s8] =	ssyncset.s32 @!p0 $0xFFFFF086;
	s6 =	sadd.s32 @!p0 s3, s7;
	s7 =	simm.s32 @!p0 $0x108  }
0x21: {  	s3 =	sadd.s32 s3, s9;
	s6 =	sadd.s32 @!p0 $0x88, s6;
	s7 =	simm.s32 @p2 $0x1082  }
0x22: {  	[simem:s7], [sflag:s8] =	dma.local @!p0 [hbm:s6], $0xF7A  }
0x23: {  	s9 =	sor.u32 $0xD0000000, s2;
	s6 =	simm.s32 $0x108;
	_ =	swait.ge @!p0 [sflag:s8], $0x0  }
0x24: {  	s3 =	sadd.s32 $0x88, s3;
	s6 =	simm.s32 @!p1 $0x1082;
	[sflag:s4] =	ssyncset.s32 $0xFFFFF086  }
0x25: {  	[simem:s6], [sflag:s4] =	dma.local [hbm:s3], $0xF7A  }
0x26: {  	[smem:$0x3F9F] =	sst s1;
	(tag) =	ssettag s2;
	_ =	strace s9  }
0x27: {  	s1 =	sld [smem:$0x3FAF]  }
0x28: {  	s2 =	sld [smem:$0x3FB0]  }
0x29: {  	s4 =	sld [smem:$0x3FB2]  }
0x2a: {  	p0 =	seq.s32 s5, $0x0;
	s5 =	sld [smem:$0x3FB3]  }
0x2b: {  	s6 =	sld [smem:$0x3FB4]  }
0x2c: {  	s7 =	sld [smem:$0x3FB5]  }
0x2d: {  	s3 =	simm.s32 $0x108;
	s8 =	sld [smem:$0x3FB6]  }
0x2e: {  	s3 =	simm.s32 @!p0 $0x1082;
	s9 =	sld [smem:$0x3FB7]  }
0x2f: {  	lr =	sadd.s32 s0, s3;
	s0 =	sld [smem:$0x3FAE]  }
0x30: {  	s3 =	sld [smem:$0x3FB1]  }
0x31: {  	[smem:$0x3FBA] =	sst s10  }
0x32: {  	s10 =	sld [smem:$0x3FB8];
	_ =	sdelay $0x3  }
0x33: {  	p0 =	seq.s32 s10, $0x1;
	s10 =	sld [smem:$0x3FBA];
	_ =	sdelay $0x3  }
0x34: {  	[smem:$0x3FBA] =	sst s10  }
0x35: {  	s10 =	sld [smem:$0x3FB9];
	_ =	sdelay $0x3  }
0x36: {  	p1 =	seq.s32 s10, $0x1;
	s10 =	sld [smem:$0x3FBA];
	_ =	sdelay $0x3  }
0x37: {  	[smem:$0x3FBA] =	sst s10  }
0x38: {  	s10 =	sld [smem:$0x3FBB]  }
0x39: {  	_ = 	snop;
	(pc) =	sbr.ind lr, $3  }
0x3a: {  	_ = 	snop  }
0x3b: {  	_ = 	snop  }
0x3c: {  	p2 =	seq.s32 s10, $0x1;
	s10 =	sld [smem:$0x3FBA]  }
0x3d: {  	_ =	shalt  }
0x3e: {  	_ =	shalt  }
0x3f: {  	_ =	shalt  }
0x40: {  	_ =	shalt  }
0x41: {  	_ =	shalt  }
0x42: {  	_ =	shalt  }
0x43: {  	_ =	shalt  }
0x44: {  	_ =	shalt  }
0x45: {  	_ =	shalt  }
0x46: {  	_ =	shalt  }
0x47: {  	_ =	shalt  }
0x48: {  	_ =	shalt  }
0x49: {  	_ =	shalt  }
0x4a: {  	_ =	shalt  }
0x4b: {  	_ =	shalt  }
0x4c: {  	_ =	shalt  }
0x4d: {  	_ =	shalt  }
0x4e: {  	_ =	shalt  }
0x4f: {  	_ =	shalt  }
0x50: {  	_ =	shalt  }
0x51: {  	_ =	shalt  }
0x52: {  	_ =	shalt  }
0x53: {  	_ =	shalt  }
0x54: {  	_ =	shalt  }
0x55: {  	_ =	shalt  }
0x56: {  	_ =	shalt  }
0x57: {  	_ =	shalt  }
0x58: {  	_ =	shalt  }
0x59: {  	_ =	shalt  }
0x5a: {  	_ =	shalt  }
0x5b: {  	_ =	shalt  }
0x5c: {  	_ =	shalt  }
0x5d: {  	_ =	shalt  }
0x5e: {  	_ =	shalt  }
0x5f: {  	_ =	shalt  }
0x60: {  	_ =	shalt  }
0x61: {  	_ =	shalt  }
0x62: {  	_ =	shalt  }
0x63: {  	_ =	shalt  }
0x64: {  	_ =	shalt  }
0x65: {  	_ =	shalt  }
0x66: {  	_ =	shalt  }
0x67: {  	_ =	shalt  }
0x68: {  	_ =	shalt  }
0x69: {  	_ =	shalt  }
0x6a: {  	_ =	shalt  }
0x6b: {  	_ =	shalt  }
0x6c: {  	_ =	shalt  }
0x6d: {  	_ =	shalt  }
0x6e: {  	_ =	shalt  }
0x6f: {  	_ =	shalt  }
0x70: {  	_ =	shalt  }
0x71: {  	_ =	shalt  }
0x72: {  	_ =	shalt  }
0x73: {  	_ =	shalt  }
0x74: {  	_ =	shalt  }
0x75: {  	_ =	shalt  }
0x76: {  	_ =	shalt  }
0x77: {  	_ =	shalt  }
0x78: {  	_ =	shalt  }
0x79: {  	_ =	shalt  }
0x7a: {  	_ =	shalt  }
0x7b: {  	_ =	shalt  }
0x7c: {  	_ =	shalt  }
0x7d: {  	_ =	shalt  }
0x7e: {  	_ =	shalt  }
0x7f: {  	_ =	shalt  }
0x80: {  	_ =	shalt  }
0x81: {  	_ =	shalt  }
0x82: {  	_ =	shalt  }
0x83: {  	_ =	shalt  }
0x84: {  	_ =	shalt  }
0x85: {  	_ =	shalt  }
0x86: {  	_ =	shalt  }
0x87: {  	_ =	shalt  }
.Lfunc_end0:
.L_simem_size_0:
called_computation_lowered:
.L_overlay_start_0:
0x88: {  	s2 =	sld [smem:$0x3FD9]  }
0x89: {  	s3 =	sld [smem:$0x3FFE];
	_ =	sdelay $0x1  }
0x8a: {  	s1 =	srdreg.scid  }
0x8b: {  	s0 =	sand.u32 $0x1, s1  }
0x8c: {  	s17 =	sshll.u32 s0, $0xA;
	s2 =	sadd.s32 s3, s2  }
0x8d: {  	s2 =	sadd.s32 s2, s17  }
0x8e: {  	[smem:$0x3FC6] =	sst s2  }
0x8f: {  	_ = 	snop  }
0x90: {  	s2 =	sld [smem:$0x3FC9]  }
0x91: {  	s18 =	sld [smem:$0x3FD0];
	(tm) =	ssettm $0x1  }
0x92: {  	s4 =	sld [smem:$0x3FFB];
	_ =	sdelay $0x3  }
0x93: {  	_ =	strace s4  }
0x94: {  	s4 =	sld [smem:$0x3FFC];
	_ =	sdelay $0x3  }
0x95: {  	_ =	strace s4  }
0x96: {  	s4 =	sld [smem:$0x3FFD];
	_ =	sdelay $0x3  }
0x97: {  	_ =	strace s4  }
0x98: {  	_ =	strace $0x8FFFFFFF  }
0x99: {  	s19 =	sld [smem:$0x3FDB];
	_ =	sdelay $0x1  }
0x9a: {  	s5 =	simm.s32 $_scs_section_size  }
0x9b: {  	s6 =	simm.s32 $_size__tile_overlayer_lowered;
	s7 =	simm.s32 $_tile_overlayer_lowered  }
0x9c: {  	s22 =	simm.s32 $0x1BFF;
	s21 =	sshll.u32 s7, $0x1;
	s4 =	sadd.s32 s5, s19  }
0x9d: {  	s8 =	simm.s32 $0x0;
	s20 =	sshll.u32 s6, $0x1;
	s6 =	sadd.s32 s21, s4  }
0x9e: {  	[timem:s8], [sflag:s22] =	dma.local [hbm:s6], s20  }
0x9f: {  	_ =	swait.ge [sflag:s22], s20  }
0xa0: {  	s5 =	ssub.s32 $0x0, s20;
	[sflag:s22] =	ssyncset.done $0x0  }
0xa1: {  	[sflag:s22] =	ssyncadd.s32 s5;
	_ =	sdelay $0x1  }
0xa2: {  	s23 =	simm.s32 $0x1B8B  }
0xa3: {  	_ =	swait.ge [sflag:s23], $0x1  }
0xa4: {  	[sflag:s23] =	ssyncset.done $0x0  }
0xa5: {  	s25 =	simm.s32 $0x1B8E;
	s24 =	sld [smem:$0x3FFE];
	[sflag:s23] =	ssyncadd.s32 $0xFFFFFFFF  }
0xa6: {  	s26 =	simm.s32 $execute0_lowered;
	[smem:$0x3FD2] =	sst s25  }
0xa7: {  	s6 =	sshll.u32 s26, $0x1;
	_ =	strace $0x80000046;
	[dreg:$0x1] =	wrdreg $0xFFFFFFFF  }
0xa8: {  	s28 =	simm.s32 $_size_execute0_lowered;
	s4 =	sadd.s32 s4, s6;
	[dreg:$0x0] =	wrdreg $0x0  }
0xa9: {  	s6 =	sshll.u32 s28, $0x1;
	[dreg:$0x2] =	wrdreg s4  }
0xaa: {  	[dreg:$0x3] =	wrdreg s6  }
0xab: {  	[dreg:$0x4] =	wrdreg $0xC0  }
0xac: {  	_ =	task [dreg:s8], $0x5FFFF  }
0xad: {  	[dreg:$0x1] =	wrdreg $0xFFFFFFFF  }
0xae: {  	[dreg:$0x0] =	wrdreg $0x60  }
0xaf: {  	[dreg:$0x2] =	wrdreg s2  }
0xb0: {  	[dreg:$0x3] =	wrdreg s24  }
0xb1: {  	[dreg:$0x4] =	wrdreg s18  }
0xb2: {  	[dreg:$0x5] =	wrdreg $0xB5800  }
0xb3: {  	[dreg:$0x6] =	wrdreg $0x9  }
0xb4: {  	_ =	task.clear_ibuf [dreg:s8], $0x7FFFF;
	_ =	strace $0x90000046  }
0xb5: {  	s29 =	simm.s32 $0x9;
	_ =	strace $0x80000048  }
0xb6: {  	_ =	swait.ge [sflag:s29], $0x1  }
0xb7: {  	[sflag:s29] =	ssyncadd.s32 $0xFFFFFFFF  }
0xb8: {  	_ =	strace $0x90000048  }
0xb9: {  	_ =	sfence  }
0xba: {  	s30 =	sld [smem:$0x0];
	_ =	sdelay $0x2  }
0xbb: {  	s31 =	sshll.u32 s1, $0xD;
	s1 =	sshrl.u32 s1, $0x2  }
0xbc: {  	s3 =	sand.u32 $0x4000, s31;
	s1 =	sadd.s32 s1, s30  }
0xbd: {  	s0 =	sor.u32 s3, s0;
	s1 =	sshll.u32 s1, $0x11  }
0xbe: {  	s0 =	sor.u32 s1, s0  }
0xbf: {  	s0 =	sadd.s32 $0x8F2B, s0  }
0xc0: {  	[sflag:s0] =	ssyncadd.remote.s32 $0x1  }
0xc1: {  	_ =	sfence.sel $0xFFFF  }
0xc2: {  	[dreg:$0x0] =	wrdreg $0xFFFFFFFF;
	(pc) =	sbr.abs _section_cstart, $3  }
0xc3: {  	[dreg:$0x1] =	wrdreg $0xFFFFFFFF  }
0xc4: {  	_ =	task.clear_ibuf [dreg:s8], $0x2FFFF;
	_ =	strace $0x9FFFFFFF  }
0xc5: {  	(tm) =	ssettm $0x7FFFFFFF  }
tec
execute0_lowered:
.L_overlay_start_1:
0x0: {  	(tag) =	ssettag $0x1  }
0x1: {  	s0 =	rddreg [dreg:$0x1]  }
0x2: {  	s1 =	rddreg [dreg:$0x2];
	s2 =	srdreg.scid  }
0x3: {  	s8 =	stileid.u32;
	s3 =	rddreg [dreg:$0x3]  }
0x4: {  	s4 =	simm.s32 $0x0;
	s29 =	simm.s32 $0x100;
	s30 =	simm.s32 $0x128  }
0x5: {  	s31 =	simm.s32 $0x150;
	s2 =	sand.u32 $0x1, s2;
	s5 =	sshll.u32 s8, $0x1  }
0x6: {  	[smem:$0x7FF] =	sst s4;
	s6 =	sadd.s32 $0x400, s0;
	s9 =	sor.u32 s2, s5  }
0x7: {  	p0 =	sne.s32 s8, $0x0;
	s16 =	ssub.s32 $0x2, s2;
	s5 =	smul.u32 $0x2710, s9  }
0x8: {  	_ =	strace $0x80000047;
	s2 =	sshrl.u32 s16, $0x1;
	s9 =	smul.u32 $0x138800, s9  }
0x9: {  	s0 =	ssub.s32 s16, s2;
	s10 =	sshrl.u32 s5, $0x3;
	s7 =	sadd.s32 $0x4E200, s5  }
0xa: {  	s11 =	sadd.s32 $0x28, s5;
	s13 =	sadd.s32 $0x4E228, s5;
	s21 =	sadd.s32 $0x9C428, s5  }
0xb: {  	s14 =	sadd.s32 $0x50, s5;
	s25 =	sshrl.u32 s9, $0x3;
	s0 =	smax.u32 s0, $0x1  }
0xc: {  	s9 =	simm.s32 $0x3D80;
	s15 =	sadd.s32 s6, s10;
	s17 =	sshrl.u32 s7, $0x3  }
0xd: {  	s10 =	sadd.s32 $0x9C400, s5;
	s12 =	sshrl.u32 s11, $0x3;
	s20 =	sshrl.u32 s13, $0x3  }
0xe: {  	s22 =	sshrl.u32 s21, $0x3;
	s23 =	sshrl.u32 s14, $0x3;
	[dreg:$0xf] =	wrdreg s0  }
0xf: {  	s0 =	sshrl.u32 @!p0 s3, $0x3;
	s13 =	simm.s32 $0x7980;
	[dreg:$0x5] =	wrdreg s15  }
0x10: {  	s2 =	sadd.s32 s6, s17;
	s18 =	sshrl.u32 s10, $0x3;
	[dreg:$0x10] =	wrdreg s0  }
0x11: {  	s19 =	sadd.s32 s6, s12;
	s24 =	sadd.s32 s6, s23;
	[dreg:$0x6] =	wrdreg s2  }
0x12: {  	s26 =	sadd.s32 $0x9C4A, s15;
	s28 =	sadd.s32 $0x1388A, s15;
	[dreg:$0x8] =	wrdreg s19  }
0x13: {  	s23 =	simm.s32 $0x28;
	s0 =	simm.s32 $0x180;
	[dreg:$0xb] =	wrdreg s24  }
0x14: {  	s12 =	simm.s32 $0x3;
	s17 =	simm.s32 $0x4;
	[dreg:$0xc] =	wrdreg s26  }
0x15: {  	s15 =	simm.s32 $0x0;
	s2 =	sadd.s32 s6, s18;
	[dreg:$0xd] =	wrdreg s28  }
0x16: {  	s24 =	simm.s32 $0x50;
	[dreg:$0x7] =	wrdreg s2;
	s2 =	sadd.s32 s6, s20  }
0x17: {  	s26 =	simm.s32 $0x2980;
	[dreg:$0x9] =	wrdreg s2;
	s2 =	sadd.s32 s6, s22  }
0x18: {  	s18 =	simm.s32 $0x7;
	[dreg:$0xa] =	wrdreg s2;
	s2 =	sadd.s32 s1, s25  }
0x19: {  	s19 =	simm.s32 $0x5;
	s20 =	simm.s32 $0x8;
	s2 =	sadd.s32 $0x26E80, s2  }
0x1a: {  	s25 =	simm.s32 $0x1580;
	[dreg:$0xe] =	wrdreg s2;
	s2 =	simm.s32 $0x1  }
.LBB2_1:
0x1b: {  	[dreg:$0x11] =	wrdreg s15  }
0x1c: {  	s15 =	rddreg [dreg:$0x0]  }
0x1d: {  	s8 =	simm.s32 @!p0 $0x1C0A;
	s16 =	rddreg [dreg:$0x10]  }
0x1e: {  	[spmem:s16], [sflag:s8] =	dma.local @!p0 [hbm:s15], $0x27100  }
0x1f: {  	s8 =	simm.s32 @!p0 $0xA  }
0x20: {  	_ =	swait.ge @!p0 [sflag:s8], $0x27100  }
0x21: {  	[sflag:s8] =	ssyncset.done @!p0 $0x0  }
0x22: {  	[sflag:s8] =	ssyncadd.s32 @!p0 $0xFFFD8F00  }
0x23: {  	[bflag:$0x0] =	sbarrier.arrive $0xFFFF  }
0x24: {  	s28 =	rddreg [dreg:$0x5]  }
0x25: {  	[tilespmem:s4], [sflag:$0x1] =	stream.linear.gather [hbm4b:s28+s4], $0x28, $0x38;
	[tilespmem:$0x1EE00] =	vst v63  }
0x26: {  	s15 =	rddreg [dreg:$0x6]  }
0x27: {  	[tilespmem:s23], [sflag:$0x1] =	stream.linear.gather [hbm4b:s15+s4], $0x28, $0x38;
	[tilespmem:$0x1EE00] =	vst v63  }
0x28: {  	s16 =	rddreg [dreg:$0x7]  }
0x29: {  	[tilespmem:s24], [sflag:$0x1] =	stream.linear.gather [hbm4b:s16+s4], $0x28, $0x38;
	[tilespmem:$0x1EE00] =	vst v63  }
0x2a: {  	s21 =	rddreg [dreg:$0x8];
	s15 =	simm.s32 $0x80  }
0x2b: {  	[tilespmem:s15], [sflag:$0x2] =	stream.linear.gather [hbm4b:s21+s4], $0x28, $0x38;
	[tilespmem:$0x1EE00] =	vst v63  }
0x2c: {  	s22 =	rddreg [dreg:$0x9];
	s16 =	simm.s32 $0xA8  }
0x2d: {  	[tilespmem:s16], [sflag:$0x2] =	stream.linear.gather [hbm4b:s22+s4], $0x28, $0x38;
	[tilespmem:$0x1EE00] =	vst v63  }
0x2e: {  	s28 =	rddreg [dreg:$0xa];
	s21 =	simm.s32 $0xD0  }
0x2f: {  	[tilespmem:s21], [sflag:$0x2] =	stream.linear.gather [hbm4b:s28+s4], $0x28, $0x38;
	[tilespmem:$0x1EE00] =	vst v63  }
0x30: {  	s22 =	rddreg [dreg:$0xb]  }
0x31: {  	[tilespmem:s29], [sflag:$0x3] =	stream.linear.gather [hbm4b:s22+s4], $0x28, $0x38;
	[tilespmem:$0x1EE00] =	vst v63  }
0x32: {  	s28 =	rddreg [dreg:$0xc]  }
0x33: {  	[tilespmem:s30], [sflag:$0x3] =	stream.linear.gather [hbm4b:s28+s4], $0x28, $0x38;
	[tilespmem:$0x1EE00] =	vst v63  }
0x34: {  	s22 =	rddreg [dreg:$0xd]  }
0x35: {  	[tilespmem:s31], [sflag:$0x3] =	stream.linear.gather [hbm4b:s22+s4], $0x28, $0x38;
	[tilespmem:$0x1EE00] =	vst v63  }
0x36: {  	_ =	swait.ge [sflag:s2], $0x78  }
0x37: {  	[sflag:s2] =	ssyncset.done $0x0  }
0x38: {  	[sflag:s2] =	ssyncadd.s32 $0xFFFFFF88  }
0x39: {  	[tilespmem:s0], [sflag:$0x4] =	stream.indirect.gather [spmem:s3], $0x80, s4, s23, $0xb8;
	[tilespmem:$0x1EE00] =	vst v63  }
0x3a: {  	_ = 	snop  }
0x3b: {  	[tilespmem:s25], [sflag:$0x4] =	stream.indirect.gather [spmem:s3], $0x80, s23, s23, $0xb8;
	[tilespmem:$0x1EE00] =	vst v63  }
0x3c: {  	s28 =	simm.s32 $0x2  }
0x3d: {  	[tilespmem:s26], [sflag:$0x4] =	stream.indirect.gather [spmem:s3], $0x80, s24, s23, $0xb8;
	[tilespmem:$0x1EE00] =	vst v63  }
0x3e: {  	_ =	swait.ge [sflag:s28], $0x78  }
0x3f: {  	[sflag:s28] =	ssyncset.done $0x0  }
0x40: {  	[sflag:s28] =	ssyncadd.s32 $0xFFFFFF88  }
0x41: {  	[tilespmem:s9], [sflag:$0x5] =	stream.indirect.gather [spmem:s3], $0x80, s15, s23, $0xb8;
	[tilespmem:$0x1EE00] =	vst v63  }
0x42: {  	s22 =	simm.s32 $0x5180  }
0x43: {  	[tilespmem:s22], [sflag:$0x5] =	stream.indirect.gather [spmem:s3], $0x80, s16, s23, $0xb8;
	[tilespmem:$0x1EE00] =	vst v63  }
0x44: {  	s8 =	simm.s32 $0x0;
	s28 =	simm.s32 $0x6580  }
0x45: {  	[tilespmem:s28], [sflag:$0x5] =	stream.indirect.gather [spmem:s3], $0x80, s21, s23, $0xb8;
	[tilespmem:$0x1EE00] =	vst v63  }
.LBB2_2:
0x46: {  	p1 =	seq.s32 s8, $0x0  }
0x47: {  	s15 =	simm.s32 @!p1 $0x9  }
0x48: {  	_ =	swait.ge @!p1 [sflag:s15], $0x1400  }
0x49: {  	[sflag:s15] =	ssyncset.done @!p1 $0x0  }
0x4a: {  	[sflag:s15] =	ssyncadd.s32 @!p1 $0xFFFFEC00  }
0x4b: {  	_ =	swait.ge [sflag:s12], $0x78  }
0x4c: {  	[sflag:s12] =	ssyncset.done $0x0  }
0x4d: {  	[sflag:s12] =	ssyncadd.s32 $0xFFFFFF88  }
0x4e: {  	[tilespmem:s13], [sflag:$0x6] =	stream.indirect.gather [spmem:s3], $0x80, s29, s23, $0xb8;
	[tilespmem:$0x1EE00] =	vst v63  }
0x4f: {  	s21 =	simm.s32 $0x8D80;
	s28 =	smul.u32 $0x78, s8  }
0x50: {  	[tilespmem:s21], [sflag:$0x6] =	stream.indirect.gather [spmem:s3], $0x80, s30, s23, $0xb8;
	[tilespmem:$0x1EE00] =	vst v63  }
0x51: {  	s22 =	simm.s32 $0xA180;
	s16 =	sadd.s32 $0x78, s28  }
0x52: {  	[tilespmem:s22], [sflag:$0x6] =	stream.indirect.gather [spmem:s3], $0x80, s31, s23, $0xb8;
	[tilespmem:$0x1EE00] =	vst v63  }
0x53: {  	s21 =	sadd.s32 s5, s16;
	_ =	swait.ge [sflag:s17], $0x3C00  }
0x54: {  	s21 =	sshrl.u32 s21, $0x3;
	[sflag:s17] =	ssyncset.done $0x0  }
0x55: {  	s21 =	sadd.s32 s6, s21;
	s22 =	sadd.s32 s7, s16;
	[sflag:s17] =	ssyncadd.s32 $0xFFFFC400  }
0x56: {  	[tilespmem:s4], [sflag:$0x1] =	stream.linear.gather [hbm4b:s21+s4], $0x28, $0x38;
	[tilespmem:$0x1EE00] =	vst v63  }
0x57: {  	s15 =	sadd.s32 s10, s16;
	s21 =	sshrl.u32 s22, $0x3  }
0x58: {  	s15 =	sshrl.u32 s15, $0x3;
	s21 =	sadd.s32 s6, s21  }
0x59: {  	[tilespmem:s23], [sflag:$0x1] =	stream.linear.gather [hbm4b:s21+s4], $0x28, $0x38;
	[tilespmem:$0x1EE00] =	vst v63  }
0x5a: {  	s15 =	sadd.s32 s6, s15;
	s21 =	simm.s32 $0x180  }
0x5b: {  	[tilespmem:s24], [sflag:$0x1] =	stream.linear.gather [hbm4b:s15+s4], $0x28, $0x38;
	[tilespmem:$0x1EE00] =	vst v63  }
0x5c: {  	v0 =	vld [tilespmem:s21+$0x1F0]  }
0x5d: {  	v1 =	vld [tilespmem:s21+$0x15F0]  }
0x5e: {  	v2 =	vld [tilespmem:s21+$0x1400]  }
0x5f: {  	v3 =	vld [tilespmem:s21+$0x29F0]  }
0x60: {  	v4 =	vld [tilespmem:s21+$0x10]  }
0x61: {  	v5 =	vld [tilespmem:s21+$0x1410]  }
0x62: {  	v6 =	vld [tilespmem:s21+$0x20]  }
0x63: {  	v7 =	vld [tilespmem:s21+$0x1420]  }
0x64: {  	v8 =	vld [tilespmem:s21+$0x30]  }
0x65: {  	v9 =	vld [tilespmem:s21+$0x1430]  }
0x66: {  	v10 =	vld [tilespmem:s21+$0x40]  }
0x67: {  	v11 =	vld [tilespmem:s21+$0x1440]  }
0x68: {  	v12 =	vld [tilespmem:s21+$0x50]  }
0x69: {  	v13 =	vld [tilespmem:s21+$0x1450]  }
0x6a: {  	v14 =	vld [tilespmem:s21+$0x60]  }
0x6b: {  	v15 =	vld [tilespmem:s21+$0x1460]  }
0x6c: {  	v16 =	vld [tilespmem:s21+$0x70]  }
0x6d: {  	v17 =	vld [tilespmem:s21+$0x1470]  }
0x6e: {  	v18 =	vld [tilespmem:s21+$0x80]  }
0x6f: {  	v19 =	vld [tilespmem:s21+$0x1480]  }
0x70: {  	v20 =	vld [tilespmem:s21+$0x90]  }
0x71: {  	v21 =	vld [tilespmem:s21+$0x1490]  }
0x72: {  	v22 =	vld [tilespmem:s21+$0xA0]  }
0x73: {  	v23 =	vld [tilespmem:s21+$0x14A0]  }
0x74: {  	v24 =	vld [tilespmem:s21+$0xB0]  }
0x75: {  	v25 =	vld [tilespmem:s21+$0x14B0]  }
0x76: {  	v26 =	vld [tilespmem:s21+$0xC0]  }
0x77: {  	v27 =	vld [tilespmem:s21+$0x14C0]  }
0x78: {  	v28 =	vld [tilespmem:s21+$0xD0]  }
0x79: {  	v29 =	vld [tilespmem:s21+$0x14D0]  }
0x7a: {  	v30 =	vld [tilespmem:s21+$0xE0]  }
0x7b: {  	v31 =	vld [tilespmem:s21+$0x14E0]  }
0x7c: {  	v32 =	vld [tilespmem:s21+$0xF0]  }
0x7d: {  	v33 =	vld [tilespmem:s21+$0x14F0]  }
0x7e: {  	v34 =	vld [tilespmem:s21+$0x100]  }
0x7f: {  	v35 =	vld [tilespmem:s21+$0x1500]  }
0x80: {  	v36 =	vld [tilespmem:s21+$0x110]  }
0x81: {  	v37 =	vld [tilespmem:s21+$0x1510]  }
0x82: {  	v38 =	vld [tilespmem:s21+$0x120]  }
0x83: {  	v39 =	vld [tilespmem:s21+$0x1520]  }
0x84: {  	v40 =	vld [tilespmem:s21+$0x130]  }
0x85: {  	v41 =	vld [tilespmem:s21+$0x1530]  }
0x86: {  	v42 =	vld [tilespmem:s21+$0x140]  }
0x87: {  	v43 =	vld [tilespmem:s21+$0x1540]  }
0x88: {  	v44 =	vld [tilespmem:s21+$0x150]  }
0x89: {  	v45 =	vld [tilespmem:s21+$0x160]  }
0x8a: {  	v46 =	vld [tilespmem:s21+$0x170]  }
0x8b: {  	v47 =	vld [tilespmem:s21+$0x180]  }
0x8c: {  	v48 =	vld [tilespmem:s21+$0x1580]  }
0x8d: {  	v49 =	vld [tilespmem:s21+$0x190]  }
0x8e: {  	v50 =	vld [tilespmem:s21+$0x1590]  }
0x8f: {  	v51 =	vld [tilespmem:s21+$0x1A0]  }
0x90: {  	v52 =	vld [tilespmem:s21+$0x15A0]  }
0x91: {  	v53 =	vld [tilespmem:s21+$0x1B0]  }
0x92: {  	v54 =	vld [tilespmem:s21+$0x15B0]  }
0x93: {  	v55 =	vld [tilespmem:s21+$0x1C0]  }
0x94: {  	v56 =	vld [tilespmem:s21+$0x15C0]  }
0x95: {  	v57 =	vld [tilespmem:s21+$0x1D0]  }
0x96: {  	v58 =	vld [tilespmem:s21+$0x15D0]  }
0x97: {  	v59 =	vld [tilespmem:s21+$0x1E0]  }
0x98: {  	v60 =	vld [tilespmem:s21+$0x15E0]  }
0x99: {  	v61 =	vld [tilespmem:s21+$0x0]  }
0x9a: {  	v62 =	vld [tilespmem:s21+$0x2800]  }
0x9b: {  	v63 =	vld [tilespmem:s21+$0x2810]  }
0x9c: {  	v0 =	vmul.f32 v1, v0;
	v1 =	vld [tilespmem:s21+$0x1550]  }
0x9d: {  	v4 =	vmul.f32 v5, v4;
	v5 =	vld [tilespmem:s21+$0x2820]  }
0x9e: {  	v6 =	vmul.f32 v7, v6;
	v7 =	vmul.f32 v9, v8;
	v8 =	vld [tilespmem:s21+$0x2830]  }
0x9f: {  	v9 =	vmul.f32 v11, v10;
	v10 =	vld [tilespmem:s21+$0x2840]  }
0xa0: {  	v11 =	vmul.f32 v13, v12;
	v13 =	vld [tilespmem:s21+$0x2850]  }
0xa1: {  	v2 =	vmul.f32 v2, v61;
	v12 =	vmul.f32 v15, v14;
	v15 =	vld [tilespmem:s21+$0x2860]  }
0xa2: {  	v61 =	vld [tilespmem:s21+$0x2970];
	v0 =	vmul.f32 v3, v0  }
0xa3: {  	v14 =	vmul.f32 v17, v16;
	v3 =	vld [tilespmem:s21+$0x1560];
	v2 =	vmul.f32 v62, v2  }
0xa4: {  	v21 =	vmul.f32 v21, v20;
	v4 =	vmul.f32 v63, v4;
	v63 =	vld [tilespmem:s21+$0x2870];
	[tilespmem:s21+$0x1F0] =	vst v0  }
0xa5: {  	v33 =	vmul.f32 v33, v32;
	v0 =	vld [tilespmem:s21+$0x1570];
	[tilespmem:s21+$0x0] =	vst v2;
	v5 =	vmul.f32 v5, v6  }
0xa6: {  	v35 =	vmul.f32 v35, v34;
	v2 =	vld [tilespmem:s21+$0x2880];
	[tilespmem:s21+$0x10] =	vst v4;
	v7 =	vmul.f32 v8, v7  }
0xa7: {  	v37 =	vmul.f32 v37, v36;
	v4 =	vld [tilespmem:s21+$0x2890];
	v9 =	vmul.f32 v10, v9;
	[tilespmem:s21+$0x20] =	vst v5  }
0xa8: {  	v48 =	vmul.f32 v48, v47;
	v11 =	vmul.f32 v13, v11;
	v5 =	vld [tilespmem:s21+$0x28A0];
	[tilespmem:s21+$0x30] =	vst v7  }
0xa9: {  	v62 =	vmul.f32 v19, v18;
	v12 =	vmul.f32 v15, v12;
	v7 =	vld [tilespmem:s21+$0x28B0];
	[tilespmem:s21+$0x40] =	vst v9  }
0xaa: {  	v6 =	vmul.f32 v23, v22;
	v9 =	vld [tilespmem:s21+$0x28C0];
	v14 =	vmul.f32 v63, v14;
	[tilespmem:s21+$0x50] =	vst v11  }
0xab: {  	v8 =	vmul.f32 v25, v24;
	v11 =	vld [tilespmem:s21+$0x28D0];
	[tilespmem:s21+$0x60] =	vst v12;
	v2 =	vmul.f32 v2, v62  }
0xac: {  	v10 =	vmul.f32 v27, v26;
	v12 =	vld [tilespmem:s21+$0x28E0];
	v4 =	vmul.f32 v4, v21;
	[tilespmem:s21+$0x70] =	vst v14  }
0xad: {  	v13 =	vmul.f32 v29, v28;
	v14 =	vld [tilespmem:s21+$0x28F0];
	[tilespmem:s21+$0x80] =	vst v2;
	v5 =	vmul.f32 v5, v6  }
0xae: {  	v15 =	vmul.f32 v31, v30;
	v2 =	vld [tilespmem:s21+$0x2900];
	[tilespmem:s21+$0x90] =	vst v4;
	v7 =	vmul.f32 v7, v8  }
0xaf: {  	v62 =	vmul.f32 v50, v49;
	v4 =	vld [tilespmem:s21+$0x2910];
	v9 =	vmul.f32 v9, v10;
	[tilespmem:s21+$0xA0] =	vst v5  }
0xb0: {  	v6 =	vmul.f32 v39, v38;
	v11 =	vmul.f32 v11, v13;
	v5 =	vld [tilespmem:s21+$0x2920];
	[tilespmem:s21+$0xB0] =	vst v7  }
0xb1: {  	v13 =	vmul.f32 v1, v44;
	v1 =	vmul.f32 v12, v15;
	v7 =	vld [tilespmem:s21+$0x2930];
	[tilespmem:s21+$0xC0] =	vst v9  }
0xb2: {  	v12 =	vmul.f32 v3, v45;
	v9 =	vld [tilespmem:s21+$0x2940];
	v3 =	vmul.f32 v14, v33;
	[tilespmem:s21+$0xD0] =	vst v11  }
0xb3: {  	v11 =	vld [tilespmem:s21+$0x2950];
	v14 =	vmul.f32 v0, v46;
	[tilespmem:s21+$0xE0] =	vst v1;
	v0 =	vmul.f32 v2, v35  }
0xb4: {  	v8 =	vmul.f32 v41, v40;
	v15 =	vld [tilespmem:s21+$0x2960];
	v2 =	vmul.f32 v4, v37;
	[tilespmem:s21+$0xF0] =	vst v3  }
0xb5: {  	v63 =	vld [tilespmem:s21+$0x2980];
	v10 =	vmul.f32 v43, v42;
	[tilespmem:s21+$0x100] =	vst v0;
	v3 =	vmul.f32 v5, v6  }
0xb6: {  	v1 =	vmul.f32 v52, v51;
	[tilespmem:s21+$0x110] =	vst v2;
	v4 =	vmul.f32 v7, v8;
	v8 =	vld [tilespmem:s21+$0x2990]  }
0xb7: {  	v2 =	vmul.f32 v54, v53;
	v0 =	vld [tilespmem:s21+$0x29A0];
	v6 =	vmul.f32 v9, v10;
	[tilespmem:s21+$0x120] =	vst v3  }
0xb8: {  	v7 =	vmul.f32 v11, v13;
	v5 =	vmul.f32 v58, v57;
	[tilespmem:s21+$0x130] =	vst v4;
	v4 =	vld [tilespmem:s21+$0x29B0]  }
0xb9: {  	v11 =	vmul.f32 v15, v12;
	v9 =	vmul.f32 v60, v59;
	[tilespmem:s21+$0x140] =	vst v6;
	v6 =	vld [tilespmem:s21+$0x29C0]  }
0xba: {  	v10 =	vmul.f32 v61, v14;
	v12 =	vmul.f32 v63, v48;
	[tilespmem:s21+$0x150] =	vst v7;
	v7 =	vld [tilespmem:s21+$0x29D0]  }
0xbb: {  	s22 =	simm.s32 $0x0;
	s15 =	simm.s32 $0x380;
	v3 =	vmul.f32 v56, v55;
	[tilespmem:s21+$0x160] =	vst v11;
	v11 =	vmul.f32 v8, v62;
	v8 =	vld [tilespmem:s21+$0x29E0]  }
.LBB2_3:
0xbc: {  	v13 =	vld [tilespmem:s15+$0x1F0];
	[tilespmem:s21+$0x170] =	vst v10;
	v1 =	vmul.f32 v0, v1  }
0xbd: {  	s22 =	sadd.s32 $0x4, s22;
	v10 =	vld [tilespmem:s15+$0x15F0];
	[tilespmem:s21+$0x180] =	vst v12;
	v2 =	vmul.f32 v4, v2  }
0xbe: {  	p1 =	slt.u32 s22, $0x24;
	v0 =	vld [tilespmem:s15+$0x1400];
	[tilespmem:s21+$0x190] =	vst v11;
	v3 =	vmul.f32 v6, v3  }
0xbf: {  	v4 =	vld [tilespmem:s15+$0x29F0];
	[tilespmem:s21+$0x1A0] =	vst v1;
	v1 =	vmul.f32 v7, v5  }
0xc0: {  	v5 =	vld [tilespmem:s15+$0x10];
	[tilespmem:s21+$0x1B0] =	vst v2;
	v2 =	vmul.f32 v8, v9  }
0xc1: {  	v6 =	vld [tilespmem:s15+$0x1410];
	[tilespmem:s21+$0x1C0] =	vst v3  }
0xc2: {  	v3 =	vld [tilespmem:s15+$0x20];
	v7 =	vmul.f32 v10, v13;
	[tilespmem:s21+$0x1D0] =	vst v1  }
0xc3: {  	v1 =	vld [tilespmem:s15+$0x1420];
	[tilespmem:s21+$0x1E0] =	vst v2;
	s21 =	smov.u32 s15  }
0xc4: {  	v2 =	vld [tilespmem:s15+$0x30];
	v7 =	vmul.f32 v4, v7  }
0xc5: {  	v8 =	vld [tilespmem:s15+$0x1430]  }
0xc6: {  	v4 =	vmul.f32 v6, v5;
	v5 =	vld [tilespmem:s15+$0x40];
	[tilespmem:s15+$0x1F0] =	vst v7  }
0xc7: {  	v9 =	vld [tilespmem:s15+$0x1440]  }
0xc8: {  	v6 =	vmul.f32 v1, v3;
	v1 =	vld [tilespmem:s15+$0x50]  }
0xc9: {  	v3 =	vld [tilespmem:s15+$0x1450]  }
0xca: {  	v7 =	vmul.f32 v8, v2;
	v2 =	vld [tilespmem:s15+$0x60]  }
0xcb: {  	v11 =	vld [tilespmem:s15+$0x1460]  }
0xcc: {  	v8 =	vmul.f32 v9, v5;
	v5 =	vld [tilespmem:s15+$0x70]  }
0xcd: {  	v9 =	vld [tilespmem:s15+$0x1470]  }
0xce: {  	v10 =	vmul.f32 v3, v1;
	v1 =	vld [tilespmem:s15+$0x80]  }
0xcf: {  	v3 =	vld [tilespmem:s15+$0x1480]  }
0xd0: {  	v11 =	vmul.f32 v11, v2;
	v2 =	vld [tilespmem:s15+$0x90]  }
0xd1: {  	v14 =	vld [tilespmem:s15+$0x1490]  }
0xd2: {  	v12 =	vmul.f32 v9, v5;
	v5 =	vld [tilespmem:s15+$0xA0]  }
0xd3: {  	v9 =	vld [tilespmem:s15+$0x14A0]  }
0xd4: {  	v13 =	vmul.f32 v3, v1;
	v1 =	vld [tilespmem:s15+$0xB0]  }
0xd5: {  	v3 =	vld [tilespmem:s15+$0x14B0]  }
0xd6: {  	v14 =	vmul.f32 v14, v2;
	v2 =	vld [tilespmem:s15+$0xC0]  }
0xd7: {  	v17 =	vld [tilespmem:s15+$0x14C0]  }
0xd8: {  	v15 =	vmul.f32 v9, v5;
	v5 =	vld [tilespmem:s15+$0xD0]  }
0xd9: {  	v9 =	vld [tilespmem:s15+$0x14D0]  }
0xda: {  	v16 =	vmul.f32 v3, v1;
	v1 =	vld [tilespmem:s15+$0xE0]  }
0xdb: {  	v3 =	vld [tilespmem:s15+$0x14E0]  }
0xdc: {  	v17 =	vmul.f32 v17, v2;
	v2 =	vld [tilespmem:s15+$0xF0]  }
0xdd: {  	v20 =	vld [tilespmem:s15+$0x14F0]  }
0xde: {  	v18 =	vmul.f32 v9, v5;
	v5 =	vld [tilespmem:s15+$0x100]  }
0xdf: {  	v9 =	vld [tilespmem:s15+$0x1500]  }
0xe0: {  	v19 =	vmul.f32 v3, v1;
	v1 =	vld [tilespmem:s15+$0x110]  }
0xe1: {  	v3 =	vld [tilespmem:s15+$0x1510]  }
0xe2: {  	v20 =	vmul.f32 v20, v2;
	v2 =	vld [tilespmem:s15+$0x120]  }
0xe3: {  	v23 =	vld [tilespmem:s15+$0x1520]  }
0xe4: {  	v21 =	vmul.f32 v9, v5;
	v5 =	vld [tilespmem:s15+$0x130]  }
0xe5: {  	v9 =	vld [tilespmem:s15+$0x1530]  }
0xe6: {  	v22 =	vmul.f32 v3, v1;
	v1 =	vld [tilespmem:s15+$0x140]  }
0xe7: {  	v3 =	vld [tilespmem:s15+$0x1540]  }
0xe8: {  	v23 =	vmul.f32 v23, v2;
	v2 =	vld [tilespmem:s15+$0x150]  }
0xe9: {  	v26 =	vld [tilespmem:s15+$0x1550]  }
0xea: {  	v24 =	vmul.f32 v9, v5;
	v5 =	vld [tilespmem:s15+$0x160]  }
0xeb: {  	v9 =	vld [tilespmem:s15+$0x1560]  }
0xec: {  	v25 =	vmul.f32 v3, v1;
	v1 =	vld [tilespmem:s15+$0x170]  }
0xed: {  	v3 =	vld [tilespmem:s15+$0x1570]  }
0xee: {  	v26 =	vmul.f32 v26, v2;
	v2 =	vld [tilespmem:s15+$0x180]  }
0xef: {  	v29 =	vld [tilespmem:s15+$0x1580]  }
0xf0: {  	v27 =	vmul.f32 v9, v5;
	v5 =	vld [tilespmem:s15+$0x190]  }
0xf1: {  	v9 =	vld [tilespmem:s15+$0x1590]  }
0xf2: {  	v28 =	vmul.f32 v3, v1;
	v1 =	vld [tilespmem:s15+$0x1A0]  }
0xf3: {  	v3 =	vld [tilespmem:s15+$0x15A0]  }
0xf4: {  	v29 =	vmul.f32 v29, v2;
	v2 =	vld [tilespmem:s15+$0x1B0]  }
0xf5: {  	v31 =	vld [tilespmem:s15+$0x15B0]  }
0xf6: {  	v30 =	vmul.f32 v9, v5;
	v5 =	vld [tilespmem:s15+$0x1C0]  }
0xf7: {  	v9 =	vld [tilespmem:s15+$0x15C0]  }
0xf8: {  	v1 =	vmul.f32 v3, v1;
	v32 =	vld [tilespmem:s15+$0x1D0]  }
0xf9: {  	v33 =	vld [tilespmem:s15+$0x15D0]  }
0xfa: {  	v2 =	vmul.f32 v31, v2;
	v31 =	vld [tilespmem:s15+$0x1E0]  }
0xfb: {  	v34 =	vld [tilespmem:s15+$0x15E0]  }
0xfc: {  	v35 =	vld [tilespmem:s15+$0x0];
	v3 =	vmul.f32 v9, v5  }
0xfd: {  	v36 =	vld [tilespmem:s15+$0x2800]  }
0xfe: {  	v37 =	vld [tilespmem:s15+$0x2810];
	v5 =	vmul.f32 v33, v32  }
0xff: {  	v32 =	vld [tilespmem:s15+$0x2820]  }
0x100: {  	v33 =	vld [tilespmem:s15+$0x2830];
	v9 =	vmul.f32 v34, v31  }
0x101: {  	v0 =	vmul.f32 v0, v35;
	v31 =	vld [tilespmem:s15+$0x2840]  }
0x102: {  	v34 =	vld [tilespmem:s15+$0x2850]  }
0x103: {  	v0 =	vmul.f32 v36, v0;
	v4 =	vmul.f32 v37, v4;
	v35 =	vld [tilespmem:s15+$0x2860]  }
0x104: {  	v6 =	vmul.f32 v32, v6;
	v32 =	vld [tilespmem:s15+$0x2870]  }
0x105: {  	[tilespmem:s15+$0x0] =	vst v0;
	v0 =	vmul.f32 v33, v7;
	v7 =	vld [tilespmem:s15+$0x2880]  }
0x106: {  	[tilespmem:s15+$0x10] =	vst v4;
	v4 =	vmul.f32 v31, v8;
	v8 =	vld [tilespmem:s15+$0x2890]  }
0x107: {  	[tilespmem:s15+$0x20] =	vst v6;
	v6 =	vmul.f32 v34, v10;
	v10 =	vld [tilespmem:s15+$0x28A0]  }
0x108: {  	[tilespmem:s15+$0x30] =	vst v0;
	v0 =	vmul.f32 v35, v11;
	v11 =	vld [tilespmem:s15+$0x28B0]  }
0x109: {  	[tilespmem:s15+$0x40] =	vst v4;
	v4 =	vmul.f32 v32, v12;
	v12 =	vld [tilespmem:s15+$0x28C0]  }
0x10a: {  	[tilespmem:s15+$0x50] =	vst v6;
	v6 =	vmul.f32 v7, v13;
	v7 =	vld [tilespmem:s15+$0x28D0]  }
0x10b: {  	[tilespmem:s15+$0x60] =	vst v0;
	v0 =	vmul.f32 v8, v14;
	v8 =	vld [tilespmem:s15+$0x28E0]  }
0x10c: {  	[tilespmem:s15+$0x70] =	vst v4;
	v4 =	vmul.f32 v10, v15;
	v10 =	vld [tilespmem:s15+$0x28F0]  }
0x10d: {  	[tilespmem:s15+$0x80] =	vst v6;
	v6 =	vmul.f32 v11, v16;
	v11 =	vld [tilespmem:s15+$0x2900]  }
0x10e: {  	[tilespmem:s15+$0x90] =	vst v0;
	v0 =	vmul.f32 v12, v17;
	v12 =	vld [tilespmem:s15+$0x2910]  }
0x10f: {  	[tilespmem:s15+$0xA0] =	vst v4;
	v4 =	vmul.f32 v7, v18;
	v7 =	vld [tilespmem:s15+$0x2920]  }
0x110: {  	[tilespmem:s15+$0xB0] =	vst v6;
	v6 =	vmul.f32 v8, v19;
	v8 =	vld [tilespmem:s15+$0x2930]  }
0x111: {  	[tilespmem:s15+$0xC0] =	vst v0;
	v0 =	vmul.f32 v10, v20;
	v10 =	vld [tilespmem:s15+$0x2940]  }
0x112: {  	[tilespmem:s15+$0xD0] =	vst v4;
	v4 =	vmul.f32 v11, v21;
	v11 =	vld [tilespmem:s15+$0x2950]  }
0x113: {  	[tilespmem:s15+$0xE0] =	vst v6;
	v6 =	vmul.f32 v12, v22;
	v12 =	vld [tilespmem:s15+$0x2960]  }
0x114: {  	[tilespmem:s15+$0xF0] =	vst v0;
	v0 =	vmul.f32 v7, v23;
	v7 =	vld [tilespmem:s15+$0x2970]  }
0x115: {  	[tilespmem:s15+$0x100] =	vst v4;
	v4 =	vmul.f32 v8, v24;
	v8 =	vld [tilespmem:s15+$0x2980]  }
0x116: {  	[tilespmem:s15+$0x110] =	vst v6;
	v6 =	vmul.f32 v10, v25;
	v13 =	vld [tilespmem:s15+$0x2990]  }
.Ltmp0:
0x117: {  	[tilespmem:s15+$0x120] =	vst v0;
	v11 =	vmul.f32 v11, v26;
	v0 =	vld [tilespmem:s15+$0x29A0];
	(pc) =	sbr.rel @p1 .LBB2_3-.Ltmp0, $4  }
0x118: {  	[tilespmem:s15+$0x130] =	vst v4;
	v14 =	vmul.f32 v12, v27;
	v4 =	vld [tilespmem:s15+$0x29B0]  }
0x119: {  	[tilespmem:s15+$0x140] =	vst v6;
	v10 =	vmul.f32 v7, v28;
	v6 =	vld [tilespmem:s15+$0x29C0]  }
0x11a: {  	[tilespmem:s15+$0x150] =	vst v11;
	v12 =	vmul.f32 v8, v29;
	v7 =	vld [tilespmem:s15+$0x29D0]  }
0x11b: {  	s15 =	sadd.s32 $0x200, s15;
	[tilespmem:s21+$0x160] =	vst v14;
	v11 =	vmul.f32 v13, v30;
	v8 =	vld [tilespmem:s21+$0x29E0]  }
0x11c: {  	[tilespmem:s21+$0x170] =	vst v10  }
0x11d: {  	v0 =	vmul.f32 v0, v1;
	[tilespmem:s21+$0x180] =	vst v12  }
0x11e: {  	v1 =	vmul.f32 v4, v2;
	[tilespmem:s21+$0x190] =	vst v11  }
0x11f: {  	v2 =	vmul.f32 v6, v3;
	[tilespmem:s21+$0x1A0] =	vst v0  }
0x120: {  	v0 =	vmul.f32 v7, v5;
	[tilespmem:s21+$0x1B0] =	vst v1  }
0x121: {  	s15 =	sadd.s32 s5, s28;
	v1 =	vmul.f32 v8, v9;
	[tilespmem:s21+$0x1C0] =	vst v2  }
0x122: {  	s15 =	sshll.u32 s15, $0x4;
	[tilespmem:s21+$0x1D0] =	vst v0  }
0x123: {  	s15 =	sadd.s32 s1, s15;
	[tilespmem:s21+$0x1E0] =	vst v1  }
0x124: {  	[hbm4b:s15+s4] =	stream.linear.scatter [tilespmem:s0], [sflag:$0x7], $0x1400, $0x38;
	[tilespmem:$0x1EE00] =	vst v63  }
0x125: {  	_ =	swait.ge [sflag:s18], $0x1400  }
0x126: {  	[sflag:s18] =	ssyncset.done $0x0  }
0x127: {  	[sflag:s18] =	ssyncadd.s32 $0xFFFFEC00  }
0x128: {  	_ =	swait.ge [sflag:s2], $0x78  }
0x129: {  	[sflag:s2] =	ssyncset.done $0x0  }
0x12a: {  	[sflag:s2] =	ssyncadd.s32 $0xFFFFFF88  }
0x12b: {  	[tilespmem:s0], [sflag:$0x4] =	stream.indirect.gather [spmem:s3], $0x80, s4, s23, $0xb8;
	[tilespmem:$0x1EE00] =	vst v63  }
0x12c: {  	p1 =	seq.s32 s8, $0x52  }
0x12d: {  	[tilespmem:s25], [sflag:$0x4] =	stream.indirect.gather [spmem:s3], $0x80, s23, s23, $0xb8;
	[tilespmem:$0x1EE00] =	vst v63  }
0x12e: {  	s15 =	sadd.s32 @!p1 $0xA0, s28  }
0x12f: {  	[tilespmem:s26], [sflag:$0x4] =	stream.indirect.gather [spmem:s3], $0x80, s24, s23, $0xb8;
	[tilespmem:$0x1EE00] =	vst v63  }
0x130: {  	s21 =	sadd.s32 @!p1 s5, s15;
	_ =	swait.ge [sflag:s19], $0x3C00  }
0x131: {  	s22 =	simm.s32 @!p1 $0x0;
	s21 =	sshrl.u32 @!p1 s21, $0x3;
	[sflag:s19] =	ssyncset.done $0x0  }
0x132: {  	s16 =	simm.s32 @!p1 $0x80;
	s21 =	sadd.s32 @!p1 s6, s21;
	[sflag:s19] =	ssyncadd.s32 $0xFFFFC400  }
0x133: {  	[tilespmem:s16], [sflag:$0x2] =	stream.linear.gather @!p1 [hbm4b:s21+s22], $0x28, $0x38;
	[tilespmem:$0x1EE00] =	vst v63  }
0x134: {  	s16 =	sadd.s32 @!p1 s7, s15  }
0x135: {  	s15 =	sadd.s32 @!p1 s10, s15;
	s16 =	sshrl.u32 @!p1 s16, $0x3  }
0x136: {  	s21 =	simm.s32 @!p1 $0xA8;
	s15 =	sshrl.u32 @!p1 s15, $0x3;
	s16 =	sadd.s32 @!p1 s6, s16  }
0x137: {  	[tilespmem:s21], [sflag:$0x2] =	stream.linear.gather @!p1 [hbm4b:s16+s22], $0x28, $0x38;
	[tilespmem:$0x1EE00] =	vst v63  }
0x138: {  	s15 =	sadd.s32 @!p1 s6, s15;
	s16 =	simm.s32 @!p1 $0xD0;
	s21 =	simm.s32 $0x3D80  }
0x139: {  	[tilespmem:s16], [sflag:$0x2] =	stream.linear.gather @!p1 [hbm4b:s15+s22], $0x28, $0x38;
	[tilespmem:$0x1EE00] =	vst v63  }
0x13a: {  	v0 =	vld [tilespmem:s21+$0x1F0]  }
0x13b: {  	v1 =	vld [tilespmem:s21+$0x15F0]  }
0x13c: {  	v2 =	vld [tilespmem:s21+$0x1400]  }
0x13d: {  	v3 =	vld [tilespmem:s21+$0x29F0]  }
0x13e: {  	v4 =	vld [tilespmem:s21+$0x10]  }
0x13f: {  	v5 =	vld [tilespmem:s21+$0x1410]  }
0x140: {  	v6 =	vld [tilespmem:s21+$0x20]  }
0x141: {  	v7 =	vld [tilespmem:s21+$0x1420]  }
0x142: {  	v8 =	vld [tilespmem:s21+$0x30]  }
0x143: {  	v9 =	vld [tilespmem:s21+$0x1430]  }
0x144: {  	v10 =	vld [tilespmem:s21+$0x40]  }
0x145: {  	v11 =	vld [tilespmem:s21+$0x1440]  }
0x146: {  	v12 =	vld [tilespmem:s21+$0x50]  }
0x147: {  	v13 =	vld [tilespmem:s21+$0x1450]  }
0x148: {  	v14 =	vld [tilespmem:s21+$0x60]  }
0x149: {  	v15 =	vld [tilespmem:s21+$0x1460]  }
0x14a: {  	v16 =	vld [tilespmem:s21+$0x70]  }
0x14b: {  	v17 =	vld [tilespmem:s21+$0x1470]  }
0x14c: {  	v18 =	vld [tilespmem:s21+$0x80]  }
0x14d: {  	v19 =	vld [tilespmem:s21+$0x1480]  }
0x14e: {  	v20 =	vld [tilespmem:s21+$0x90]  }
0x14f: {  	v21 =	vld [tilespmem:s21+$0x1490]  }
0x150: {  	v22 =	vld [tilespmem:s21+$0xA0]  }
0x151: {  	v23 =	vld [tilespmem:s21+$0x14A0]  }
0x152: {  	v24 =	vld [tilespmem:s21+$0xB0]  }
0x153: {  	v25 =	vld [tilespmem:s21+$0x14B0]  }
0x154: {  	v26 =	vld [tilespmem:s21+$0xC0]  }
0x155: {  	v27 =	vld [tilespmem:s21+$0x14C0]  }
0x156: {  	v28 =	vld [tilespmem:s21+$0xD0]  }
0x157: {  	v29 =	vld [tilespmem:s21+$0x14D0]  }
0x158: {  	v30 =	vld [tilespmem:s21+$0xE0]  }
0x159: {  	v31 =	vld [tilespmem:s21+$0x14E0]  }
0x15a: {  	v32 =	vld [tilespmem:s21+$0xF0]  }
0x15b: {  	v33 =	vld [tilespmem:s21+$0x14F0]  }
0x15c: {  	v34 =	vld [tilespmem:s21+$0x100]  }
0x15d: {  	v35 =	vld [tilespmem:s21+$0x1500]  }
0x15e: {  	v36 =	vld [tilespmem:s21+$0x110]  }
0x15f: {  	v37 =	vld [tilespmem:s21+$0x1510]  }
0x160: {  	v38 =	vld [tilespmem:s21+$0x120]  }
0x161: {  	v39 =	vld [tilespmem:s21+$0x1520]  }
0x162: {  	v40 =	vld [tilespmem:s21+$0x130]  }
0x163: {  	v41 =	vld [tilespmem:s21+$0x1530]  }
0x164: {  	v42 =	vld [tilespmem:s21+$0x140]  }
0x165: {  	v43 =	vld [tilespmem:s21+$0x1540]  }
0x166: {  	v44 =	vld [tilespmem:s21+$0x150]  }
0x167: {  	v45 =	vld [tilespmem:s21+$0x160]  }
0x168: {  	v46 =	vld [tilespmem:s21+$0x170]  }
0x169: {  	v47 =	vld [tilespmem:s21+$0x180]  }
0x16a: {  	v48 =	vld [tilespmem:s21+$0x1580]  }
0x16b: {  	v49 =	vld [tilespmem:s21+$0x190]  }
0x16c: {  	v50 =	vld [tilespmem:s21+$0x1590]  }
0x16d: {  	v51 =	vld [tilespmem:s21+$0x1A0]  }
0x16e: {  	v52 =	vld [tilespmem:s21+$0x15A0]  }
0x16f: {  	v53 =	vld [tilespmem:s21+$0x1B0]  }
0x170: {  	v54 =	vld [tilespmem:s21+$0x15B0]  }
0x171: {  	v55 =	vld [tilespmem:s21+$0x1C0]  }
0x172: {  	v56 =	vld [tilespmem:s21+$0x15C0]  }
0x173: {  	v57 =	vld [tilespmem:s21+$0x1D0]  }
0x174: {  	v58 =	vld [tilespmem:s21+$0x15D0]  }
0x175: {  	v59 =	vld [tilespmem:s21+$0x1E0]  }
0x176: {  	v60 =	vld [tilespmem:s21+$0x15E0]  }
0x177: {  	v61 =	vld [tilespmem:s21+$0x0]  }
0x178: {  	v62 =	vld [tilespmem:s21+$0x2800]  }
0x179: {  	v63 =	vld [tilespmem:s21+$0x2810]  }
0x17a: {  	v0 =	vmul.f32 v1, v0;
	v1 =	vld [tilespmem:s21+$0x1550]  }
0x17b: {  	v4 =	vmul.f32 v5, v4;
	v5 =	vld [tilespmem:s21+$0x2820]  }
0x17c: {  	v6 =	vmul.f32 v7, v6;
	v7 =	vmul.f32 v9, v8;
	v8 =	vld [tilespmem:s21+$0x2830]  }
0x17d: {  	v9 =	vmul.f32 v11, v10;
	v10 =	vld [tilespmem:s21+$0x2840]  }
0x17e: {  	v11 =	vmul.f32 v13, v12;
	v13 =	vld [tilespmem:s21+$0x2850]  }
0x17f: {  	v2 =	vmul.f32 v2, v61;
	v12 =	vmul.f32 v15, v14;
	v15 =	vld [tilespmem:s21+$0x2860]  }
0x180: {  	v61 =	vld [tilespmem:s21+$0x2970];
	v0 =	vmul.f32 v3, v0  }
0x181: {  	v14 =	vmul.f32 v17, v16;
	v3 =	vld [tilespmem:s21+$0x1560];
	v2 =	vmul.f32 v62, v2  }
0x182: {  	v21 =	vmul.f32 v21, v20;
	v4 =	vmul.f32 v63, v4;
	v63 =	vld [tilespmem:s21+$0x2870];
	[tilespmem:s21+$0x1F0] =	vst v0  }
0x183: {  	v33 =	vmul.f32 v33, v32;
	v0 =	vld [tilespmem:s21+$0x1570];
	[tilespmem:s21+$0x0] =	vst v2;
	v5 =	vmul.f32 v5, v6  }
0x184: {  	v35 =	vmul.f32 v35, v34;
	v2 =	vld [tilespmem:s21+$0x2880];
	[tilespmem:s21+$0x10] =	vst v4;
	v7 =	vmul.f32 v8, v7  }
0x185: {  	v37 =	vmul.f32 v37, v36;
	v4 =	vld [tilespmem:s21+$0x2890];
	v9 =	vmul.f32 v10, v9;
	[tilespmem:s21+$0x20] =	vst v5  }
0x186: {  	v48 =	vmul.f32 v48, v47;
	v11 =	vmul.f32 v13, v11;
	v5 =	vld [tilespmem:s21+$0x28A0];
	[tilespmem:s21+$0x30] =	vst v7  }
0x187: {  	v62 =	vmul.f32 v19, v18;
	v12 =	vmul.f32 v15, v12;
	v7 =	vld [tilespmem:s21+$0x28B0];
	[tilespmem:s21+$0x40] =	vst v9  }
0x188: {  	v6 =	vmul.f32 v23, v22;
	v9 =	vld [tilespmem:s21+$0x28C0];
	v14 =	vmul.f32 v63, v14;
	[tilespmem:s21+$0x50] =	vst v11  }
0x189: {  	v8 =	vmul.f32 v25, v24;
	v11 =	vld [tilespmem:s21+$0x28D0];
	[tilespmem:s21+$0x60] =	vst v12;
	v2 =	vmul.f32 v2, v62  }
0x18a: {  	v10 =	vmul.f32 v27, v26;
	v12 =	vld [tilespmem:s21+$0x28E0];
	v4 =	vmul.f32 v4, v21;
	[tilespmem:s21+$0x70] =	vst v14  }
0x18b: {  	v13 =	vmul.f32 v29, v28;
	v14 =	vld [tilespmem:s21+$0x28F0];
	[tilespmem:s21+$0x80] =	vst v2;
	v5 =	vmul.f32 v5, v6  }
0x18c: {  	v15 =	vmul.f32 v31, v30;
	v2 =	vld [tilespmem:s21+$0x2900];
	[tilespmem:s21+$0x90] =	vst v4;
	v7 =	vmul.f32 v7, v8  }
0x18d: {  	v62 =	vmul.f32 v50, v49;
	v4 =	vld [tilespmem:s21+$0x2910];
	v9 =	vmul.f32 v9, v10;
	[tilespmem:s21+$0xA0] =	vst v5  }
0x18e: {  	v6 =	vmul.f32 v39, v38;
	v11 =	vmul.f32 v11, v13;
	v5 =	vld [tilespmem:s21+$0x2920];
	[tilespmem:s21+$0xB0] =	vst v7  }
0x18f: {  	v13 =	vmul.f32 v1, v44;
	v1 =	vmul.f32 v12, v15;
	v7 =	vld [tilespmem:s21+$0x2930];
	[tilespmem:s21+$0xC0] =	vst v9  }
0x190: {  	v12 =	vmul.f32 v3, v45;
	v9 =	vld [tilespmem:s21+$0x2940];
	v3 =	vmul.f32 v14, v33;
	[tilespmem:s21+$0xD0] =	vst v11  }
0x191: {  	v11 =	vld [tilespmem:s21+$0x2950];
	v14 =	vmul.f32 v0, v46;
	[tilespmem:s21+$0xE0] =	vst v1;
	v0 =	vmul.f32 v2, v35  }
0x192: {  	v8 =	vmul.f32 v41, v40;
	v15 =	vld [tilespmem:s21+$0x2960];
	v2 =	vmul.f32 v4, v37;
	[tilespmem:s21+$0xF0] =	vst v3  }
0x193: {  	v63 =	vld [tilespmem:s21+$0x2980];
	v10 =	vmul.f32 v43, v42;
	[tilespmem:s21+$0x100] =	vst v0;
	v3 =	vmul.f32 v5, v6  }
0x194: {  	v1 =	vmul.f32 v52, v51;
	[tilespmem:s21+$0x110] =	vst v2;
	v4 =	vmul.f32 v7, v8;
	v8 =	vld [tilespmem:s21+$0x2990]  }
0x195: {  	v2 =	vmul.f32 v54, v53;
	v0 =	vld [tilespmem:s21+$0x29A0];
	v6 =	vmul.f32 v9, v10;
	[tilespmem:s21+$0x120] =	vst v3  }
0x196: {  	v7 =	vmul.f32 v11, v13;
	v5 =	vmul.f32 v58, v57;
	[tilespmem:s21+$0x130] =	vst v4;
	v4 =	vld [tilespmem:s21+$0x29B0]  }
0x197: {  	v11 =	vmul.f32 v15, v12;
	v9 =	vmul.f32 v60, v59;
	[tilespmem:s21+$0x140] =	vst v6;
	v6 =	vld [tilespmem:s21+$0x29C0]  }
0x198: {  	v10 =	vmul.f32 v61, v14;
	v12 =	vmul.f32 v63, v48;
	[tilespmem:s21+$0x150] =	vst v7;
	v7 =	vld [tilespmem:s21+$0x29D0]  }
0x199: {  	s22 =	simm.s32 $0x0;
	s15 =	simm.s32 $0x3F80;
	v3 =	vmul.f32 v56, v55;
	[tilespmem:s21+$0x160] =	vst v11;
	v11 =	vmul.f32 v8, v62;
	v8 =	vld [tilespmem:s21+$0x29E0]  }
.LBB2_5:
0x19a: {  	v13 =	vld [tilespmem:s15+$0x1F0];
	[tilespmem:s21+$0x170] =	vst v10;
	v1 =	vmul.f32 v0, v1  }
0x19b: {  	s22 =	sadd.s32 $0x4, s22;
	v10 =	vld [tilespmem:s15+$0x15F0];
	[tilespmem:s21+$0x180] =	vst v12;
	v2 =	vmul.f32 v4, v2  }
0x19c: {  	p1 =	slt.u32 s22, $0x24;
	v0 =	vld [tilespmem:s15+$0x1400];
	[tilespmem:s21+$0x190] =	vst v11;
	v3 =	vmul.f32 v6, v3  }
0x19d: {  	v4 =	vld [tilespmem:s15+$0x29F0];
	[tilespmem:s21+$0x1A0] =	vst v1;
	v1 =	vmul.f32 v7, v5  }
0x19e: {  	v5 =	vld [tilespmem:s15+$0x10];
	[tilespmem:s21+$0x1B0] =	vst v2;
	v2 =	vmul.f32 v8, v9  }
0x19f: {  	v6 =	vld [tilespmem:s15+$0x1410];
	[tilespmem:s21+$0x1C0] =	vst v3  }
0x1a0: {  	v3 =	vld [tilespmem:s15+$0x20];
	v7 =	vmul.f32 v10, v13;
	[tilespmem:s21+$0x1D0] =	vst v1  }
0x1a1: {  	v1 =	vld [tilespmem:s15+$0x1420];
	[tilespmem:s21+$0x1E0] =	vst v2;
	s21 =	smov.u32 s15  }
0x1a2: {  	v2 =	vld [tilespmem:s15+$0x30];
	v7 =	vmul.f32 v4, v7  }
0x1a3: {  	v8 =	vld [tilespmem:s15+$0x1430]  }
0x1a4: {  	v4 =	vmul.f32 v6, v5;
	v5 =	vld [tilespmem:s15+$0x40];
	[tilespmem:s15+$0x1F0] =	vst v7  }
0x1a5: {  	v9 =	vld [tilespmem:s15+$0x1440]  }
0x1a6: {  	v6 =	vmul.f32 v1, v3;
	v1 =	vld [tilespmem:s15+$0x50]  }
0x1a7: {  	v3 =	vld [tilespmem:s15+$0x1450]  }
0x1a8: {  	v7 =	vmul.f32 v8, v2;
	v2 =	vld [tilespmem:s15+$0x60]  }
0x1a9: {  	v11 =	vld [tilespmem:s15+$0x1460]  }
0x1aa: {  	v8 =	vmul.f32 v9, v5;
	v5 =	vld [tilespmem:s15+$0x70]  }
0x1ab: {  	v9 =	vld [tilespmem:s15+$0x1470]  }
0x1ac: {  	v10 =	vmul.f32 v3, v1;
	v1 =	vld [tilespmem:s15+$0x80]  }
0x1ad: {  	v3 =	vld [tilespmem:s15+$0x1480]  }
0x1ae: {  	v11 =	vmul.f32 v11, v2;
	v2 =	vld [tilespmem:s15+$0x90]  }
0x1af: {  	v14 =	vld [tilespmem:s15+$0x1490]  }
0x1b0: {  	v12 =	vmul.f32 v9, v5;
	v5 =	vld [tilespmem:s15+$0xA0]  }
0x1b1: {  	v9 =	vld [tilespmem:s15+$0x14A0]  }
0x1b2: {  	v13 =	vmul.f32 v3, v1;
	v1 =	vld [tilespmem:s15+$0xB0]  }
0x1b3: {  	v3 =	vld [tilespmem:s15+$0x14B0]  }
0x1b4: {  	v14 =	vmul.f32 v14, v2;
	v2 =	vld [tilespmem:s15+$0xC0]  }
0x1b5: {  	v17 =	vld [tilespmem:s15+$0x14C0]  }
0x1b6: {  	v15 =	vmul.f32 v9, v5;
	v5 =	vld [tilespmem:s15+$0xD0]  }
0x1b7: {  	v9 =	vld [tilespmem:s15+$0x14D0]  }
0x1b8: {  	v16 =	vmul.f32 v3, v1;
	v1 =	vld [tilespmem:s15+$0xE0]  }
0x1b9: {  	v3 =	vld [tilespmem:s15+$0x14E0]  }
0x1ba: {  	v17 =	vmul.f32 v17, v2;
	v2 =	vld [tilespmem:s15+$0xF0]  }
0x1bb: {  	v20 =	vld [tilespmem:s15+$0x14F0]  }
0x1bc: {  	v18 =	vmul.f32 v9, v5;
	v5 =	vld [tilespmem:s15+$0x100]  }
0x1bd: {  	v9 =	vld [tilespmem:s15+$0x1500]  }
0x1be: {  	v19 =	vmul.f32 v3, v1;
	v1 =	vld [tilespmem:s15+$0x110]  }
0x1bf: {  	v3 =	vld [tilespmem:s15+$0x1510]  }
0x1c0: {  	v20 =	vmul.f32 v20, v2;
	v2 =	vld [tilespmem:s15+$0x120]  }
0x1c1: {  	v23 =	vld [tilespmem:s15+$0x1520]  }
0x1c2: {  	v21 =	vmul.f32 v9, v5;
	v5 =	vld [tilespmem:s15+$0x130]  }
0x1c3: {  	v9 =	vld [tilespmem:s15+$0x1530]  }
0x1c4: {  	v22 =	vmul.f32 v3, v1;
	v1 =	vld [tilespmem:s15+$0x140]  }
0x1c5: {  	v3 =	vld [tilespmem:s15+$0x1540]  }
0x1c6: {  	v23 =	vmul.f32 v23, v2;
	v2 =	vld [tilespmem:s15+$0x150]  }
0x1c7: {  	v26 =	vld [tilespmem:s15+$0x1550]  }
0x1c8: {  	v24 =	vmul.f32 v9, v5;
	v5 =	vld [tilespmem:s15+$0x160]  }
0x1c9: {  	v9 =	vld [tilespmem:s15+$0x1560]  }
0x1ca: {  	v25 =	vmul.f32 v3, v1;
	v1 =	vld [tilespmem:s15+$0x170]  }
0x1cb: {  	v3 =	vld [tilespmem:s15+$0x1570]  }
0x1cc: {  	v26 =	vmul.f32 v26, v2;
	v2 =	vld [tilespmem:s15+$0x180]  }
0x1cd: {  	v29 =	vld [tilespmem:s15+$0x1580]  }
0x1ce: {  	v27 =	vmul.f32 v9, v5;
	v5 =	vld [tilespmem:s15+$0x190]  }
0x1cf: {  	v9 =	vld [tilespmem:s15+$0x1590]  }
0x1d0: {  	v28 =	vmul.f32 v3, v1;
	v1 =	vld [tilespmem:s15+$0x1A0]  }
0x1d1: {  	v3 =	vld [tilespmem:s15+$0x15A0]  }
0x1d2: {  	v29 =	vmul.f32 v29, v2;
	v2 =	vld [tilespmem:s15+$0x1B0]  }
0x1d3: {  	v31 =	vld [tilespmem:s15+$0x15B0]  }
0x1d4: {  	v30 =	vmul.f32 v9, v5;
	v5 =	vld [tilespmem:s15+$0x1C0]  }
0x1d5: {  	v9 =	vld [tilespmem:s15+$0x15C0]  }
0x1d6: {  	v1 =	vmul.f32 v3, v1;
	v32 =	vld [tilespmem:s15+$0x1D0]  }
0x1d7: {  	v33 =	vld [tilespmem:s15+$0x15D0]  }
0x1d8: {  	v2 =	vmul.f32 v31, v2;
	v31 =	vld [tilespmem:s15+$0x1E0]  }
0x1d9: {  	v34 =	vld [tilespmem:s15+$0x15E0]  }
0x1da: {  	v35 =	vld [tilespmem:s15+$0x0];
	v3 =	vmul.f32 v9, v5  }
0x1db: {  	v36 =	vld [tilespmem:s15+$0x2800]  }
0x1dc: {  	v37 =	vld [tilespmem:s15+$0x2810];
	v5 =	vmul.f32 v33, v32  }
0x1dd: {  	v32 =	vld [tilespmem:s15+$0x2820]  }
0x1de: {  	v33 =	vld [tilespmem:s15+$0x2830];
	v9 =	vmul.f32 v34, v31  }
0x1df: {  	v0 =	vmul.f32 v0, v35;
	v31 =	vld [tilespmem:s15+$0x2840]  }
0x1e0: {  	v34 =	vld [tilespmem:s15+$0x2850]  }
0x1e1: {  	v0 =	vmul.f32 v36, v0;
	v4 =	vmul.f32 v37, v4;
	v35 =	vld [tilespmem:s15+$0x2860]  }
0x1e2: {  	v6 =	vmul.f32 v32, v6;
	v32 =	vld [tilespmem:s15+$0x2870]  }
0x1e3: {  	[tilespmem:s15+$0x0] =	vst v0;
	v0 =	vmul.f32 v33, v7;
	v7 =	vld [tilespmem:s15+$0x2880]  }
0x1e4: {  	[tilespmem:s15+$0x10] =	vst v4;
	v4 =	vmul.f32 v31, v8;
	v8 =	vld [tilespmem:s15+$0x2890]  }
0x1e5: {  	[tilespmem:s15+$0x20] =	vst v6;
	v6 =	vmul.f32 v34, v10;
	v10 =	vld [tilespmem:s15+$0x28A0]  }
0x1e6: {  	[tilespmem:s15+$0x30] =	vst v0;
	v0 =	vmul.f32 v35, v11;
	v11 =	vld [tilespmem:s15+$0x28B0]  }
0x1e7: {  	[tilespmem:s15+$0x40] =	vst v4;
	v4 =	vmul.f32 v32, v12;
	v12 =	vld [tilespmem:s15+$0x28C0]  }
0x1e8: {  	[tilespmem:s15+$0x50] =	vst v6;
	v6 =	vmul.f32 v7, v13;
	v7 =	vld [tilespmem:s15+$0x28D0]  }
0x1e9: {  	[tilespmem:s15+$0x60] =	vst v0;
	v0 =	vmul.f32 v8, v14;
	v8 =	vld [tilespmem:s15+$0x28E0]  }
0x1ea: {  	[tilespmem:s15+$0x70] =	vst v4;
	v4 =	vmul.f32 v10, v15;
	v10 =	vld [tilespmem:s15+$0x28F0]  }
0x1eb: {  	[tilespmem:s15+$0x80] =	vst v6;
	v6 =	vmul.f32 v11, v16;
	v11 =	vld [tilespmem:s15+$0x2900]  }
0x1ec: {  	[tilespmem:s15+$0x90] =	vst v0;
	v0 =	vmul.f32 v12, v17;
	v12 =	vld [tilespmem:s15+$0x2910]  }
0x1ed: {  	[tilespmem:s15+$0xA0] =	vst v4;
	v4 =	vmul.f32 v7, v18;
	v7 =	vld [tilespmem:s15+$0x2920]  }
0x1ee: {  	[tilespmem:s15+$0xB0] =	vst v6;
	v6 =	vmul.f32 v8, v19;
	v8 =	vld [tilespmem:s15+$0x2930]  }
0x1ef: {  	[tilespmem:s15+$0xC0] =	vst v0;
	v0 =	vmul.f32 v10, v20;
	v10 =	vld [tilespmem:s15+$0x2940]  }
0x1f0: {  	[tilespmem:s15+$0xD0] =	vst v4;
	v4 =	vmul.f32 v11, v21;
	v11 =	vld [tilespmem:s15+$0x2950]  }
0x1f1: {  	[tilespmem:s15+$0xE0] =	vst v6;
	v6 =	vmul.f32 v12, v22;
	v12 =	vld [tilespmem:s15+$0x2960]  }
0x1f2: {  	[tilespmem:s15+$0xF0] =	vst v0;
	v0 =	vmul.f32 v7, v23;
	v7 =	vld [tilespmem:s15+$0x2970]  }
0x1f3: {  	[tilespmem:s15+$0x100] =	vst v4;
	v4 =	vmul.f32 v8, v24;
	v8 =	vld [tilespmem:s15+$0x2980]  }
0x1f4: {  	[tilespmem:s15+$0x110] =	vst v6;
	v6 =	vmul.f32 v10, v25;
	v13 =	vld [tilespmem:s15+$0x2990]  }
.Ltmp1:
0x1f5: {  	[tilespmem:s15+$0x120] =	vst v0;
	v11 =	vmul.f32 v11, v26;
	v0 =	vld [tilespmem:s15+$0x29A0];
	(pc) =	sbr.rel @p1 .LBB2_5-.Ltmp1, $4  }
0x1f6: {  	[tilespmem:s15+$0x130] =	vst v4;
	v14 =	vmul.f32 v12, v27;
	v4 =	vld [tilespmem:s15+$0x29B0]  }
0x1f7: {  	[tilespmem:s15+$0x140] =	vst v6;
	v10 =	vmul.f32 v7, v28;
	v6 =	vld [tilespmem:s15+$0x29C0]  }
0x1f8: {  	[tilespmem:s15+$0x150] =	vst v11;
	v12 =	vmul.f32 v8, v29;
	v7 =	vld [tilespmem:s15+$0x29D0]  }
0x1f9: {  	s15 =	sadd.s32 $0x200, s15;
	[tilespmem:s21+$0x160] =	vst v14;
	v11 =	vmul.f32 v13, v30;
	v8 =	vld [tilespmem:s21+$0x29E0]  }
0x1fa: {  	[tilespmem:s21+$0x170] =	vst v10  }
0x1fb: {  	v0 =	vmul.f32 v0, v1;
	[tilespmem:s21+$0x180] =	vst v12  }
0x1fc: {  	v1 =	vmul.f32 v4, v2;
	[tilespmem:s21+$0x190] =	vst v11  }
0x1fd: {  	v2 =	vmul.f32 v6, v3;
	[tilespmem:s21+$0x1A0] =	vst v0  }
0x1fe: {  	v0 =	vmul.f32 v7, v5;
	[tilespmem:s21+$0x1B0] =	vst v1  }
0x1ff: {  	s15 =	sadd.s32 s28, s11;
	v1 =	vmul.f32 v8, v9;
	[tilespmem:s21+$0x1C0] =	vst v2  }
0x200: {  	s15 =	sshll.u32 s15, $0x4;
	[tilespmem:s21+$0x1D0] =	vst v0  }
0x201: {  	s15 =	sadd.s32 s1, s15;
	[tilespmem:s21+$0x1E0] =	vst v1  }
0x202: {  	[hbm4b:s15+s4] =	stream.linear.scatter [tilespmem:s9], [sflag:$0x8], $0x1400, $0x38;
	[tilespmem:$0x1EE00] =	vst v63  }
0x203: {  	_ =	swait.ge [sflag:s20], $0x1400  }
0x204: {  	p1 =	sne.s32 s8, $0x52;
	[sflag:s20] =	ssyncset.done $0x0  }
0x205: {  	s15 =	simm.s32 @p1 $0x2;
	[sflag:s20] =	ssyncadd.s32 $0xFFFFEC00  }
0x206: {  	_ =	swait.ge @p1 [sflag:s15], $0x78  }
0x207: {  	s16 =	simm.s32 @p1 $0x80;
	[sflag:s15] =	ssyncset.done @p1 $0x0  }
0x208: {  	s21 =	simm.s32 @p1 $0x3D80;
	[sflag:s15] =	ssyncadd.s32 @p1 $0xFFFFFF88;
	s15 =	simm.s32 @p1 $0x28  }
0x209: {  	[tilespmem:s21], [sflag:$0x5] =	stream.indirect.gather @p1 [spmem:s3], $0x80, s16, s15, $0xb8;
	[tilespmem:$0x1EE00] =	vst v63  }
0x20a: {  	s16 =	simm.s32 @p1 $0xA8;
	s21 =	simm.s32 @p1 $0x5180  }
0x20b: {  	[tilespmem:s21], [sflag:$0x5] =	stream.indirect.gather @p1 [spmem:s3], $0x80, s16, s15, $0xb8;
	[tilespmem:$0x1EE00] =	vst v63  }
0x20c: {  	s16 =	simm.s32 @p1 $0xD0;
	s21 =	simm.s32 @p1 $0x6580  }
0x20d: {  	[tilespmem:s21], [sflag:$0x5] =	stream.indirect.gather @p1 [spmem:s3], $0x80, s16, s15, $0xb8;
	[tilespmem:$0x1EE00] =	vst v63  }
0x20e: {  	s15 =	simm.s32 @p1 $0x6  }
0x20f: {  	s16 =	sadd.s32 @p1 $0xC8, s28;
	_ =	swait.ge @p1 [sflag:s15], $0x3C00  }
0x210: {  	s21 =	sadd.s32 @p1 s5, s16;
	[sflag:s15] =	ssyncset.done @p1 $0x0  }
0x211: {  	[sflag:s15] =	ssyncadd.s32 @p1 $0xFFFFC400;
	s15 =	sshrl.u32 @p1 s21, $0x3  }
0x212: {  	s22 =	simm.s32 @p1 $0x100;
	s21 =	simm.s32 @p1 $0x0;
	s15 =	sadd.s32 @p1 s6, s15  }
0x213: {  	[tilespmem:s22], [sflag:$0x3] =	stream.linear.gather @p1 [hbm4b:s15+s21], $0x28, $0x38;
	[tilespmem:$0x1EE00] =	vst v63  }
0x214: {  	s15 =	sadd.s32 @p1 s7, s16  }
0x215: {  	s15 =	sshrl.u32 @p1 s15, $0x3  }
0x216: {  	s22 =	simm.s32 @p1 $0x128;
	s15 =	sadd.s32 @p1 s6, s15  }
0x217: {  	[tilespmem:s22], [sflag:$0x3] =	stream.linear.gather @p1 [hbm4b:s15+s21], $0x28, $0x38;
	[tilespmem:$0x1EE00] =	vst v63  }
0x218: {  	s15 =	sadd.s32 @p1 s10, s16  }
0x219: {  	s15 =	sshrl.u32 @p1 s15, $0x3  }
0x21a: {  	s16 =	simm.s32 @p1 $0x150;
	s15 =	sadd.s32 @p1 s6, s15  }
0x21b: {  	[tilespmem:s16], [sflag:$0x3] =	stream.linear.gather @p1 [hbm4b:s15+s21], $0x28, $0x38;
	[tilespmem:$0x1EE00] =	vst v63  }
0x21c: {  	s15 =	simm.s32 @!p1 $0x6  }
0x21d: {  	_ =	swait.ge @!p1 [sflag:s15], $0x3C00  }
0x21e: {  	[sflag:s15] =	ssyncset.done @!p1 $0x0  }
0x21f: {  	s21 =	simm.s32 $0x7980;
	[sflag:s15] =	ssyncadd.s32 @!p1 $0xFFFFC400  }
0x220: {  	v0 =	vld [tilespmem:s21+$0x1F0]  }
0x221: {  	v1 =	vld [tilespmem:s21+$0x15F0]  }
0x222: {  	v2 =	vld [tilespmem:s21+$0x1400]  }
0x223: {  	v3 =	vld [tilespmem:s21+$0x29F0]  }
0x224: {  	v4 =	vld [tilespmem:s21+$0x10]  }
0x225: {  	v5 =	vld [tilespmem:s21+$0x1410]  }
0x226: {  	v6 =	vld [tilespmem:s21+$0x20]  }
0x227: {  	v7 =	vld [tilespmem:s21+$0x1420]  }
0x228: {  	v8 =	vld [tilespmem:s21+$0x30]  }
0x229: {  	v9 =	vld [tilespmem:s21+$0x1430]  }
0x22a: {  	v10 =	vld [tilespmem:s21+$0x40]  }
0x22b: {  	v11 =	vld [tilespmem:s21+$0x1440]  }
0x22c: {  	v12 =	vld [tilespmem:s21+$0x50]  }
0x22d: {  	v13 =	vld [tilespmem:s21+$0x1450]  }
0x22e: {  	v14 =	vld [tilespmem:s21+$0x60]  }
0x22f: {  	v15 =	vld [tilespmem:s21+$0x1460]  }
0x230: {  	v16 =	vld [tilespmem:s21+$0x70]  }
0x231: {  	v17 =	vld [tilespmem:s21+$0x1470]  }
0x232: {  	v18 =	vld [tilespmem:s21+$0x80]  }
0x233: {  	v19 =	vld [tilespmem:s21+$0x1480]  }
0x234: {  	v20 =	vld [tilespmem:s21+$0x90]  }
0x235: {  	v21 =	vld [tilespmem:s21+$0x1490]  }
0x236: {  	v22 =	vld [tilespmem:s21+$0xA0]  }
0x237: {  	v23 =	vld [tilespmem:s21+$0x14A0]  }
0x238: {  	v24 =	vld [tilespmem:s21+$0xB0]  }
0x239: {  	v25 =	vld [tilespmem:s21+$0x14B0]  }
0x23a: {  	v26 =	vld [tilespmem:s21+$0xC0]  }
0x23b: {  	v27 =	vld [tilespmem:s21+$0x14C0]  }
0x23c: {  	v28 =	vld [tilespmem:s21+$0xD0]  }
0x23d: {  	v29 =	vld [tilespmem:s21+$0x14D0]  }
0x23e: {  	v30 =	vld [tilespmem:s21+$0xE0]  }
0x23f: {  	v31 =	vld [tilespmem:s21+$0x14E0]  }
0x240: {  	v32 =	vld [tilespmem:s21+$0xF0]  }
0x241: {  	v33 =	vld [tilespmem:s21+$0x14F0]  }
0x242: {  	v34 =	vld [tilespmem:s21+$0x100]  }
0x243: {  	v35 =	vld [tilespmem:s21+$0x1500]  }
0x244: {  	v36 =	vld [tilespmem:s21+$0x110]  }
0x245: {  	v37 =	vld [tilespmem:s21+$0x1510]  }
0x246: {  	v38 =	vld [tilespmem:s21+$0x120]  }
0x247: {  	v39 =	vld [tilespmem:s21+$0x1520]  }
0x248: {  	v40 =	vld [tilespmem:s21+$0x130]  }
0x249: {  	v41 =	vld [tilespmem:s21+$0x1530]  }
0x24a: {  	v42 =	vld [tilespmem:s21+$0x140]  }
0x24b: {  	v43 =	vld [tilespmem:s21+$0x1540]  }
0x24c: {  	v44 =	vld [tilespmem:s21+$0x150]  }
0x24d: {  	v45 =	vld [tilespmem:s21+$0x160]  }
0x24e: {  	v46 =	vld [tilespmem:s21+$0x170]  }
0x24f: {  	v47 =	vld [tilespmem:s21+$0x180]  }
0x250: {  	v48 =	vld [tilespmem:s21+$0x1580]  }
0x251: {  	v49 =	vld [tilespmem:s21+$0x190]  }
0x252: {  	v50 =	vld [tilespmem:s21+$0x1590]  }
0x253: {  	v51 =	vld [tilespmem:s21+$0x1A0]  }
0x254: {  	v52 =	vld [tilespmem:s21+$0x15A0]  }
0x255: {  	v53 =	vld [tilespmem:s21+$0x1B0]  }
0x256: {  	v54 =	vld [tilespmem:s21+$0x15B0]  }
0x257: {  	v55 =	vld [tilespmem:s21+$0x1C0]  }
0x258: {  	v56 =	vld [tilespmem:s21+$0x15C0]  }
0x259: {  	v57 =	vld [tilespmem:s21+$0x1D0]  }
0x25a: {  	v58 =	vld [tilespmem:s21+$0x15D0]  }
0x25b: {  	v59 =	vld [tilespmem:s21+$0x1E0]  }
0x25c: {  	v60 =	vld [tilespmem:s21+$0x15E0]  }
0x25d: {  	v61 =	vld [tilespmem:s21+$0x0]  }
0x25e: {  	v62 =	vld [tilespmem:s21+$0x2800]  }
0x25f: {  	v63 =	vld [tilespmem:s21+$0x2810]  }
0x260: {  	v0 =	vmul.f32 v1, v0;
	v1 =	vld [tilespmem:s21+$0x1550]  }
0x261: {  	v4 =	vmul.f32 v5, v4;
	v5 =	vld [tilespmem:s21+$0x2820]  }
0x262: {  	v6 =	vmul.f32 v7, v6;
	v7 =	vmul.f32 v9, v8;
	v8 =	vld [tilespmem:s21+$0x2830]  }
0x263: {  	v9 =	vmul.f32 v11, v10;
	v10 =	vld [tilespmem:s21+$0x2840]  }
0x264: {  	v11 =	vmul.f32 v13, v12;
	v13 =	vld [tilespmem:s21+$0x2850]  }
0x265: {  	v2 =	vmul.f32 v2, v61;
	v12 =	vmul.f32 v15, v14;
	v15 =	vld [tilespmem:s21+$0x2860]  }
0x266: {  	v61 =	vld [tilespmem:s21+$0x2970];
	v0 =	vmul.f32 v3, v0  }
0x267: {  	v14 =	vmul.f32 v17, v16;
	v3 =	vld [tilespmem:s21+$0x1560];
	v2 =	vmul.f32 v62, v2  }
0x268: {  	v21 =	vmul.f32 v21, v20;
	v4 =	vmul.f32 v63, v4;
	v63 =	vld [tilespmem:s21+$0x2870];
	[tilespmem:s21+$0x1F0] =	vst v0  }
0x269: {  	v33 =	vmul.f32 v33, v32;
	v0 =	vld [tilespmem:s21+$0x1570];
	[tilespmem:s21+$0x0] =	vst v2;
	v5 =	vmul.f32 v5, v6  }
0x26a: {  	v35 =	vmul.f32 v35, v34;
	v2 =	vld [tilespmem:s21+$0x2880];
	[tilespmem:s21+$0x10] =	vst v4;
	v7 =	vmul.f32 v8, v7  }
0x26b: {  	v37 =	vmul.f32 v37, v36;
	v4 =	vld [tilespmem:s21+$0x2890];
	v9 =	vmul.f32 v10, v9;
	[tilespmem:s21+$0x20] =	vst v5  }
0x26c: {  	v48 =	vmul.f32 v48, v47;
	v11 =	vmul.f32 v13, v11;
	v5 =	vld [tilespmem:s21+$0x28A0];
	[tilespmem:s21+$0x30] =	vst v7  }
0x26d: {  	v62 =	vmul.f32 v19, v18;
	v12 =	vmul.f32 v15, v12;
	v7 =	vld [tilespmem:s21+$0x28B0];
	[tilespmem:s21+$0x40] =	vst v9  }
0x26e: {  	v6 =	vmul.f32 v23, v22;
	v9 =	vld [tilespmem:s21+$0x28C0];
	v14 =	vmul.f32 v63, v14;
	[tilespmem:s21+$0x50] =	vst v11  }
0x26f: {  	v8 =	vmul.f32 v25, v24;
	v11 =	vld [tilespmem:s21+$0x28D0];
	[tilespmem:s21+$0x60] =	vst v12;
	v2 =	vmul.f32 v2, v62  }
0x270: {  	v10 =	vmul.f32 v27, v26;
	v12 =	vld [tilespmem:s21+$0x28E0];
	v4 =	vmul.f32 v4, v21;
	[tilespmem:s21+$0x70] =	vst v14  }
0x271: {  	v13 =	vmul.f32 v29, v28;
	v14 =	vld [tilespmem:s21+$0x28F0];
	[tilespmem:s21+$0x80] =	vst v2;
	v5 =	vmul.f32 v5, v6  }
0x272: {  	v15 =	vmul.f32 v31, v30;
	v2 =	vld [tilespmem:s21+$0x2900];
	[tilespmem:s21+$0x90] =	vst v4;
	v7 =	vmul.f32 v7, v8  }
0x273: {  	v62 =	vmul.f32 v50, v49;
	v4 =	vld [tilespmem:s21+$0x2910];
	v9 =	vmul.f32 v9, v10;
	[tilespmem:s21+$0xA0] =	vst v5  }
0x274: {  	v6 =	vmul.f32 v39, v38;
	v11 =	vmul.f32 v11, v13;
	v5 =	vld [tilespmem:s21+$0x2920];
	[tilespmem:s21+$0xB0] =	vst v7  }
0x275: {  	v13 =	vmul.f32 v1, v44;
	v1 =	vmul.f32 v12, v15;
	v7 =	vld [tilespmem:s21+$0x2930];
	[tilespmem:s21+$0xC0] =	vst v9  }
0x276: {  	v12 =	vmul.f32 v3, v45;
	v9 =	vld [tilespmem:s21+$0x2940];
	v3 =	vmul.f32 v14, v33;
	[tilespmem:s21+$0xD0] =	vst v11  }
0x277: {  	v11 =	vld [tilespmem:s21+$0x2950];
	v14 =	vmul.f32 v0, v46;
	[tilespmem:s21+$0xE0] =	vst v1;
	v0 =	vmul.f32 v2, v35  }
0x278: {  	v8 =	vmul.f32 v41, v40;
	v15 =	vld [tilespmem:s21+$0x2960];
	v2 =	vmul.f32 v4, v37;
	[tilespmem:s21+$0xF0] =	vst v3  }
0x279: {  	v63 =	vld [tilespmem:s21+$0x2980];
	v10 =	vmul.f32 v43, v42;
	[tilespmem:s21+$0x100] =	vst v0;
	v3 =	vmul.f32 v5, v6  }
0x27a: {  	v1 =	vmul.f32 v52, v51;
	[tilespmem:s21+$0x110] =	vst v2;
	v4 =	vmul.f32 v7, v8;
	v8 =	vld [tilespmem:s21+$0x2990]  }
0x27b: {  	v2 =	vmul.f32 v54, v53;
	v0 =	vld [tilespmem:s21+$0x29A0];
	v6 =	vmul.f32 v9, v10;
	[tilespmem:s21+$0x120] =	vst v3  }
0x27c: {  	v7 =	vmul.f32 v11, v13;
	v5 =	vmul.f32 v58, v57;
	[tilespmem:s21+$0x130] =	vst v4;
	v4 =	vld [tilespmem:s21+$0x29B0]  }
0x27d: {  	v11 =	vmul.f32 v15, v12;
	v9 =	vmul.f32 v60, v59;
	[tilespmem:s21+$0x140] =	vst v6;
	v6 =	vld [tilespmem:s21+$0x29C0]  }
0x27e: {  	v10 =	vmul.f32 v61, v14;
	v12 =	vmul.f32 v63, v48;
	[tilespmem:s21+$0x150] =	vst v7;
	v7 =	vld [tilespmem:s21+$0x29D0]  }
0x27f: {  	s22 =	simm.s32 $0x0;
	s15 =	simm.s32 $0x7B80;
	v3 =	vmul.f32 v56, v55;
	[tilespmem:s21+$0x160] =	vst v11;
	v11 =	vmul.f32 v8, v62;
	v8 =	vld [tilespmem:s21+$0x29E0]  }
.LBB2_7:
0x280: {  	v13 =	vld [tilespmem:s15+$0x1F0];
	[tilespmem:s21+$0x170] =	vst v10;
	v1 =	vmul.f32 v0, v1  }
0x281: {  	s22 =	sadd.s32 $0x4, s22;
	v10 =	vld [tilespmem:s15+$0x15F0];
	[tilespmem:s21+$0x180] =	vst v12;
	v2 =	vmul.f32 v4, v2  }
0x282: {  	p1 =	slt.u32 s22, $0x24;
	v0 =	vld [tilespmem:s15+$0x1400];
	[tilespmem:s21+$0x190] =	vst v11;
	v3 =	vmul.f32 v6, v3  }
0x283: {  	v4 =	vld [tilespmem:s15+$0x29F0];
	[tilespmem:s21+$0x1A0] =	vst v1;
	v1 =	vmul.f32 v7, v5  }
0x284: {  	v5 =	vld [tilespmem:s15+$0x10];
	[tilespmem:s21+$0x1B0] =	vst v2;
	v2 =	vmul.f32 v8, v9  }
0x285: {  	v6 =	vld [tilespmem:s15+$0x1410];
	[tilespmem:s21+$0x1C0] =	vst v3  }
0x286: {  	v3 =	vld [tilespmem:s15+$0x20];
	v7 =	vmul.f32 v10, v13;
	[tilespmem:s21+$0x1D0] =	vst v1  }
0x287: {  	v1 =	vld [tilespmem:s15+$0x1420];
	[tilespmem:s21+$0x1E0] =	vst v2;
	s21 =	smov.u32 s15  }
0x288: {  	v2 =	vld [tilespmem:s15+$0x30];
	v7 =	vmul.f32 v4, v7  }
0x289: {  	v8 =	vld [tilespmem:s15+$0x1430]  }
0x28a: {  	v4 =	vmul.f32 v6, v5;
	v5 =	vld [tilespmem:s15+$0x40];
	[tilespmem:s15+$0x1F0] =	vst v7  }
0x28b: {  	v9 =	vld [tilespmem:s15+$0x1440]  }
0x28c: {  	v6 =	vmul.f32 v1, v3;
	v1 =	vld [tilespmem:s15+$0x50]  }
0x28d: {  	v3 =	vld [tilespmem:s15+$0x1450]  }
0x28e: {  	v7 =	vmul.f32 v8, v2;
	v2 =	vld [tilespmem:s15+$0x60]  }
0x28f: {  	v11 =	vld [tilespmem:s15+$0x1460]  }
0x290: {  	v8 =	vmul.f32 v9, v5;
	v5 =	vld [tilespmem:s15+$0x70]  }
0x291: {  	v9 =	vld [tilespmem:s15+$0x1470]  }
0x292: {  	v10 =	vmul.f32 v3, v1;
	v1 =	vld [tilespmem:s15+$0x80]  }
0x293: {  	v3 =	vld [tilespmem:s15+$0x1480]  }
0x294: {  	v11 =	vmul.f32 v11, v2;
	v2 =	vld [tilespmem:s15+$0x90]  }
0x295: {  	v14 =	vld [tilespmem:s15+$0x1490]  }
0x296: {  	v12 =	vmul.f32 v9, v5;
	v5 =	vld [tilespmem:s15+$0xA0]  }
0x297: {  	v9 =	vld [tilespmem:s15+$0x14A0]  }
0x298: {  	v13 =	vmul.f32 v3, v1;
	v1 =	vld [tilespmem:s15+$0xB0]  }
0x299: {  	v3 =	vld [tilespmem:s15+$0x14B0]  }
0x29a: {  	v14 =	vmul.f32 v14, v2;
	v2 =	vld [tilespmem:s15+$0xC0]  }
0x29b: {  	v17 =	vld [tilespmem:s15+$0x14C0]  }
0x29c: {  	v15 =	vmul.f32 v9, v5;
	v5 =	vld [tilespmem:s15+$0xD0]  }
0x29d: {  	v9 =	vld [tilespmem:s15+$0x14D0]  }
0x29e: {  	v16 =	vmul.f32 v3, v1;
	v1 =	vld [tilespmem:s15+$0xE0]  }
0x29f: {  	v3 =	vld [tilespmem:s15+$0x14E0]  }
0x2a0: {  	v17 =	vmul.f32 v17, v2;
	v2 =	vld [tilespmem:s15+$0xF0]  }
0x2a1: {  	v20 =	vld [tilespmem:s15+$0x14F0]  }
0x2a2: {  	v18 =	vmul.f32 v9, v5;
	v5 =	vld [tilespmem:s15+$0x100]  }
0x2a3: {  	v9 =	vld [tilespmem:s15+$0x1500]  }
0x2a4: {  	v19 =	vmul.f32 v3, v1;
	v1 =	vld [tilespmem:s15+$0x110]  }
0x2a5: {  	v3 =	vld [tilespmem:s15+$0x1510]  }
0x2a6: {  	v20 =	vmul.f32 v20, v2;
	v2 =	vld [tilespmem:s15+$0x120]  }
0x2a7: {  	v23 =	vld [tilespmem:s15+$0x1520]  }
0x2a8: {  	v21 =	vmul.f32 v9, v5;
	v5 =	vld [tilespmem:s15+$0x130]  }
0x2a9: {  	v9 =	vld [tilespmem:s15+$0x1530]  }
0x2aa: {  	v22 =	vmul.f32 v3, v1;
	v1 =	vld [tilespmem:s15+$0x140]  }
0x2ab: {  	v3 =	vld [tilespmem:s15+$0x1540]  }
0x2ac: {  	v23 =	vmul.f32 v23, v2;
	v2 =	vld [tilespmem:s15+$0x150]  }
0x2ad: {  	v26 =	vld [tilespmem:s15+$0x1550]  }
0x2ae: {  	v24 =	vmul.f32 v9, v5;
	v5 =	vld [tilespmem:s15+$0x160]  }
0x2af: {  	v9 =	vld [tilespmem:s15+$0x1560]  }
0x2b0: {  	v25 =	vmul.f32 v3, v1;
	v1 =	vld [tilespmem:s15+$0x170]  }
0x2b1: {  	v3 =	vld [tilespmem:s15+$0x1570]  }
0x2b2: {  	v26 =	vmul.f32 v26, v2;
	v2 =	vld [tilespmem:s15+$0x180]  }
0x2b3: {  	v29 =	vld [tilespmem:s15+$0x1580]  }
0x2b4: {  	v27 =	vmul.f32 v9, v5;
	v5 =	vld [tilespmem:s15+$0x190]  }
0x2b5: {  	v9 =	vld [tilespmem:s15+$0x1590]  }
0x2b6: {  	v28 =	vmul.f32 v3, v1;
	v1 =	vld [tilespmem:s15+$0x1A0]  }
0x2b7: {  	v3 =	vld [tilespmem:s15+$0x15A0]  }
0x2b8: {  	v29 =	vmul.f32 v29, v2;
	v2 =	vld [tilespmem:s15+$0x1B0]  }
0x2b9: {  	v31 =	vld [tilespmem:s15+$0x15B0]  }
0x2ba: {  	v30 =	vmul.f32 v9, v5;
	v5 =	vld [tilespmem:s15+$0x1C0]  }
0x2bb: {  	v9 =	vld [tilespmem:s15+$0x15C0]  }
0x2bc: {  	v1 =	vmul.f32 v3, v1;
	v32 =	vld [tilespmem:s15+$0x1D0]  }
0x2bd: {  	v33 =	vld [tilespmem:s15+$0x15D0]  }
0x2be: {  	v2 =	vmul.f32 v31, v2;
	v31 =	vld [tilespmem:s15+$0x1E0]  }
0x2bf: {  	v34 =	vld [tilespmem:s15+$0x15E0]  }
0x2c0: {  	v35 =	vld [tilespmem:s15+$0x0];
	v3 =	vmul.f32 v9, v5  }
0x2c1: {  	v36 =	vld [tilespmem:s15+$0x2800]  }
0x2c2: {  	v37 =	vld [tilespmem:s15+$0x2810];
	v5 =	vmul.f32 v33, v32  }
0x2c3: {  	v32 =	vld [tilespmem:s15+$0x2820]  }
0x2c4: {  	v33 =	vld [tilespmem:s15+$0x2830];
	v9 =	vmul.f32 v34, v31  }
0x2c5: {  	v0 =	vmul.f32 v0, v35;
	v31 =	vld [tilespmem:s15+$0x2840]  }
0x2c6: {  	v34 =	vld [tilespmem:s15+$0x2850]  }
0x2c7: {  	v0 =	vmul.f32 v36, v0;
	v4 =	vmul.f32 v37, v4;
	v35 =	vld [tilespmem:s15+$0x2860]  }
0x2c8: {  	v6 =	vmul.f32 v32, v6;
	v32 =	vld [tilespmem:s15+$0x2870]  }
0x2c9: {  	[tilespmem:s15+$0x0] =	vst v0;
	v0 =	vmul.f32 v33, v7;
	v7 =	vld [tilespmem:s15+$0x2880]  }
0x2ca: {  	[tilespmem:s15+$0x10] =	vst v4;
	v4 =	vmul.f32 v31, v8;
	v8 =	vld [tilespmem:s15+$0x2890]  }
0x2cb: {  	[tilespmem:s15+$0x20] =	vst v6;
	v6 =	vmul.f32 v34, v10;
	v10 =	vld [tilespmem:s15+$0x28A0]  }
0x2cc: {  	[tilespmem:s15+$0x30] =	vst v0;
	v0 =	vmul.f32 v35, v11;
	v11 =	vld [tilespmem:s15+$0x28B0]  }
0x2cd: {  	[tilespmem:s15+$0x40] =	vst v4;
	v4 =	vmul.f32 v32, v12;
	v12 =	vld [tilespmem:s15+$0x28C0]  }
0x2ce: {  	[tilespmem:s15+$0x50] =	vst v6;
	v6 =	vmul.f32 v7, v13;
	v7 =	vld [tilespmem:s15+$0x28D0]  }
0x2cf: {  	[tilespmem:s15+$0x60] =	vst v0;
	v0 =	vmul.f32 v8, v14;
	v8 =	vld [tilespmem:s15+$0x28E0]  }
0x2d0: {  	[tilespmem:s15+$0x70] =	vst v4;
	v4 =	vmul.f32 v10, v15;
	v10 =	vld [tilespmem:s15+$0x28F0]  }
0x2d1: {  	[tilespmem:s15+$0x80] =	vst v6;
	v6 =	vmul.f32 v11, v16;
	v11 =	vld [tilespmem:s15+$0x2900]  }
0x2d2: {  	[tilespmem:s15+$0x90] =	vst v0;
	v0 =	vmul.f32 v12, v17;
	v12 =	vld [tilespmem:s15+$0x2910]  }
0x2d3: {  	[tilespmem:s15+$0xA0] =	vst v4;
	v4 =	vmul.f32 v7, v18;
	v7 =	vld [tilespmem:s15+$0x2920]  }
0x2d4: {  	[tilespmem:s15+$0xB0] =	vst v6;
	v6 =	vmul.f32 v8, v19;
	v8 =	vld [tilespmem:s15+$0x2930]  }
0x2d5: {  	[tilespmem:s15+$0xC0] =	vst v0;
	v0 =	vmul.f32 v10, v20;
	v10 =	vld [tilespmem:s15+$0x2940]  }
0x2d6: {  	[tilespmem:s15+$0xD0] =	vst v4;
	v4 =	vmul.f32 v11, v21;
	v11 =	vld [tilespmem:s15+$0x2950]  }
0x2d7: {  	[tilespmem:s15+$0xE0] =	vst v6;
	v6 =	vmul.f32 v12, v22;
	v12 =	vld [tilespmem:s15+$0x2960]  }
0x2d8: {  	[tilespmem:s15+$0xF0] =	vst v0;
	v0 =	vmul.f32 v7, v23;
	v7 =	vld [tilespmem:s15+$0x2970]  }
0x2d9: {  	[tilespmem:s15+$0x100] =	vst v4;
	v4 =	vmul.f32 v8, v24;
	v8 =	vld [tilespmem:s15+$0x2980]  }
0x2da: {  	[tilespmem:s15+$0x110] =	vst v6;
	v6 =	vmul.f32 v10, v25;
	v13 =	vld [tilespmem:s15+$0x2990]  }
.Ltmp2:
0x2db: {  	[tilespmem:s15+$0x120] =	vst v0;
	v11 =	vmul.f32 v11, v26;
	v0 =	vld [tilespmem:s15+$0x29A0];
	(pc) =	sbr.rel @p1 .LBB2_7-.Ltmp2, $4  }
0x2dc: {  	[tilespmem:s15+$0x130] =	vst v4;
	v14 =	vmul.f32 v12, v27;
	v4 =	vld [tilespmem:s15+$0x29B0]  }
0x2dd: {  	[tilespmem:s15+$0x140] =	vst v6;
	v10 =	vmul.f32 v7, v28;
	v6 =	vld [tilespmem:s15+$0x29C0]  }
0x2de: {  	[tilespmem:s15+$0x150] =	vst v11;
	v12 =	vmul.f32 v8, v29;
	v7 =	vld [tilespmem:s15+$0x29D0]  }
0x2df: {  	s15 =	sadd.s32 $0x200, s15;
	[tilespmem:s21+$0x160] =	vst v14;
	v11 =	vmul.f32 v13, v30;
	v8 =	vld [tilespmem:s21+$0x29E0]  }
0x2e0: {  	[tilespmem:s21+$0x170] =	vst v10  }
0x2e1: {  	v0 =	vmul.f32 v0, v1;
	[tilespmem:s21+$0x180] =	vst v12  }
0x2e2: {  	s8 =	sadd.s32 $0x1, s8;
	v60 =	vmul.f32 v4, v2;
	[tilespmem:s21+$0x190] =	vst v11  }
0x2e3: {  	p1 =	sne.s32 s8, $0x53;
	v61 =	vmul.f32 v6, v3;
	[tilespmem:s21+$0x1A0] =	vst v0  }
.Ltmp3:
0x2e4: {  	v62 =	vmul.f32 v7, v5;
	[tilespmem:s21+$0x1B0] =	vst v60;
	(pc) =	sbr.rel @p1 .LBB2_2-.Ltmp3, $4  }
0x2e5: {  	s15 =	sadd.s32 s28, s14;
	v63 =	vmul.f32 v8, v9;
	[tilespmem:s21+$0x1C0] =	vst v61  }
0x2e6: {  	s15 =	sshll.u32 s15, $0x4;
	[tilespmem:s21+$0x1D0] =	vst v62  }
0x2e7: {  	s15 =	sadd.s32 s1, s15;
	[tilespmem:s21+$0x1E0] =	vst v63  }
0x2e8: {  	[hbm4b:s15+s4] =	stream.linear.scatter [tilespmem:s13], [sflag:$0x9], $0x1400, $0x38;
	[tilespmem:$0x1EE00] =	vst v63  }
0x2e9: {  	_ =	swait.ge [sflag:s17], $0x3C00  }
0x2ea: {  	[sflag:s17] =	ssyncset.done $0x0  }
0x2eb: {  	s8 =	simm.s32 $0x180;
	[sflag:s17] =	ssyncadd.s32 $0xFFFFC400  }
0x2ec: {  	v0 =	vld [tilespmem:s8+$0x1F0]  }
0x2ed: {  	v1 =	vld [tilespmem:s8+$0x15F0]  }
0x2ee: {  	v2 =	vld [tilespmem:s8+$0x1400]  }
0x2ef: {  	v3 =	vld [tilespmem:s8+$0x29F0]  }
0x2f0: {  	v4 =	vld [tilespmem:s8+$0x10]  }
0x2f1: {  	v5 =	vld [tilespmem:s8+$0x1410]  }
0x2f2: {  	v6 =	vld [tilespmem:s8+$0x20]  }
0x2f3: {  	v7 =	vld [tilespmem:s8+$0x1420]  }
0x2f4: {  	v8 =	vld [tilespmem:s8+$0x30]  }
0x2f5: {  	v9 =	vld [tilespmem:s8+$0x1430]  }
0x2f6: {  	v10 =	vld [tilespmem:s8+$0x40]  }
0x2f7: {  	v11 =	vld [tilespmem:s8+$0x1440]  }
0x2f8: {  	v12 =	vld [tilespmem:s8+$0x50]  }
0x2f9: {  	v13 =	vld [tilespmem:s8+$0x1450]  }
0x2fa: {  	v14 =	vld [tilespmem:s8+$0x60]  }
0x2fb: {  	v15 =	vld [tilespmem:s8+$0x1460]  }
0x2fc: {  	v16 =	vld [tilespmem:s8+$0x70]  }
0x2fd: {  	v17 =	vld [tilespmem:s8+$0x1470]  }
0x2fe: {  	v18 =	vld [tilespmem:s8+$0x80]  }
0x2ff: {  	v19 =	vld [tilespmem:s8+$0x1480]  }
0x300: {  	v20 =	vld [tilespmem:s8+$0x90]  }
0x301: {  	v21 =	vld [tilespmem:s8+$0x1490]  }
0x302: {  	v22 =	vld [tilespmem:s8+$0xA0]  }
0x303: {  	v23 =	vld [tilespmem:s8+$0x14A0]  }
0x304: {  	v24 =	vld [tilespmem:s8+$0xB0]  }
0x305: {  	v25 =	vld [tilespmem:s8+$0x14B0]  }
0x306: {  	v26 =	vld [tilespmem:s8+$0xC0]  }
0x307: {  	v27 =	vld [tilespmem:s8+$0x14C0]  }
0x308: {  	v28 =	vld [tilespmem:s8+$0xD0]  }
0x309: {  	v29 =	vld [tilespmem:s8+$0x14D0]  }
0x30a: {  	v30 =	vld [tilespmem:s8+$0xE0]  }
0x30b: {  	v31 =	vld [tilespmem:s8+$0x14E0]  }
0x30c: {  	v32 =	vld [tilespmem:s8+$0xF0]  }
0x30d: {  	v33 =	vld [tilespmem:s8+$0x14F0]  }
0x30e: {  	v34 =	vld [tilespmem:s8+$0x100]  }
0x30f: {  	v35 =	vld [tilespmem:s8+$0x1500]  }
0x310: {  	v36 =	vld [tilespmem:s8+$0x110]  }
0x311: {  	v37 =	vld [tilespmem:s8+$0x1510]  }
0x312: {  	v38 =	vld [tilespmem:s8+$0x120]  }
0x313: {  	v39 =	vld [tilespmem:s8+$0x1520]  }
0x314: {  	v40 =	vld [tilespmem:s8+$0x130]  }
0x315: {  	v41 =	vld [tilespmem:s8+$0x1530]  }
0x316: {  	v42 =	vld [tilespmem:s8+$0x140]  }
0x317: {  	v43 =	vld [tilespmem:s8+$0x1540]  }
0x318: {  	v44 =	vld [tilespmem:s8+$0x150]  }
0x319: {  	v45 =	vld [tilespmem:s8+$0x160]  }
0x31a: {  	v46 =	vld [tilespmem:s8+$0x170]  }
0x31b: {  	v47 =	vld [tilespmem:s8+$0x180]  }
0x31c: {  	v48 =	vld [tilespmem:s8+$0x1580]  }
0x31d: {  	v49 =	vld [tilespmem:s8+$0x190]  }
0x31e: {  	v50 =	vld [tilespmem:s8+$0x1590]  }
0x31f: {  	v51 =	vld [tilespmem:s8+$0x1A0]  }
0x320: {  	v52 =	vld [tilespmem:s8+$0x15A0]  }
0x321: {  	v53 =	vld [tilespmem:s8+$0x1B0]  }
0x322: {  	v54 =	vld [tilespmem:s8+$0x15B0]  }
0x323: {  	v55 =	vld [tilespmem:s8+$0x1C0]  }
0x324: {  	v56 =	vld [tilespmem:s8+$0x15C0]  }
0x325: {  	v57 =	vld [tilespmem:s8+$0x1D0]  }
0x326: {  	v58 =	vld [tilespmem:s8+$0x15D0]  }
0x327: {  	v59 =	vld [tilespmem:s8+$0x1E0]  }
0x328: {  	v60 =	vld [tilespmem:s8+$0x15E0]  }
0x329: {  	v61 =	vld [tilespmem:s8+$0x0]  }
0x32a: {  	v62 =	vld [tilespmem:s8+$0x2800]  }
0x32b: {  	v63 =	vld [tilespmem:s8+$0x2810]  }
0x32c: {  	v0 =	vmul.f32 v1, v0;
	v1 =	vld [tilespmem:s8+$0x1550]  }
0x32d: {  	v4 =	vmul.f32 v5, v4;
	v5 =	vld [tilespmem:s8+$0x2820]  }
0x32e: {  	v6 =	vmul.f32 v7, v6;
	v7 =	vmul.f32 v9, v8;
	v8 =	vld [tilespmem:s8+$0x2830]  }
0x32f: {  	v9 =	vmul.f32 v11, v10;
	v10 =	vld [tilespmem:s8+$0x2840]  }
0x330: {  	v11 =	vmul.f32 v13, v12;
	v13 =	vld [tilespmem:s8+$0x2850]  }
0x331: {  	v2 =	vmul.f32 v2, v61;
	v12 =	vmul.f32 v15, v14;
	v15 =	vld [tilespmem:s8+$0x2860]  }
0x332: {  	v61 =	vld [tilespmem:s8+$0x2970];
	v0 =	vmul.f32 v3, v0  }
0x333: {  	v14 =	vmul.f32 v17, v16;
	v3 =	vld [tilespmem:s8+$0x1560];
	v2 =	vmul.f32 v62, v2  }
0x334: {  	v21 =	vmul.f32 v21, v20;
	v4 =	vmul.f32 v63, v4;
	v63 =	vld [tilespmem:s8+$0x2870];
	[tilespmem:s8+$0x1F0] =	vst v0  }
0x335: {  	v33 =	vmul.f32 v33, v32;
	v0 =	vld [tilespmem:s8+$0x1570];
	[tilespmem:s8+$0x0] =	vst v2;
	v5 =	vmul.f32 v5, v6  }
0x336: {  	v35 =	vmul.f32 v35, v34;
	v2 =	vld [tilespmem:s8+$0x2880];
	[tilespmem:s8+$0x10] =	vst v4;
	v7 =	vmul.f32 v8, v7  }
0x337: {  	v37 =	vmul.f32 v37, v36;
	v4 =	vld [tilespmem:s8+$0x2890];
	v9 =	vmul.f32 v10, v9;
	[tilespmem:s8+$0x20] =	vst v5  }
0x338: {  	v48 =	vmul.f32 v48, v47;
	v11 =	vmul.f32 v13, v11;
	v5 =	vld [tilespmem:s8+$0x28A0];
	[tilespmem:s8+$0x30] =	vst v7  }
0x339: {  	v62 =	vmul.f32 v19, v18;
	v12 =	vmul.f32 v15, v12;
	v7 =	vld [tilespmem:s8+$0x28B0];
	[tilespmem:s8+$0x40] =	vst v9  }
0x33a: {  	v6 =	vmul.f32 v23, v22;
	v9 =	vld [tilespmem:s8+$0x28C0];
	v14 =	vmul.f32 v63, v14;
	[tilespmem:s8+$0x50] =	vst v11  }
0x33b: {  	v8 =	vmul.f32 v25, v24;
	v11 =	vld [tilespmem:s8+$0x28D0];
	[tilespmem:s8+$0x60] =	vst v12;
	v2 =	vmul.f32 v2, v62  }
0x33c: {  	v10 =	vmul.f32 v27, v26;
	v12 =	vld [tilespmem:s8+$0x28E0];
	v4 =	vmul.f32 v4, v21;
	[tilespmem:s8+$0x70] =	vst v14  }
0x33d: {  	v13 =	vmul.f32 v29, v28;
	v14 =	vld [tilespmem:s8+$0x28F0];
	[tilespmem:s8+$0x80] =	vst v2;
	v5 =	vmul.f32 v5, v6  }
0x33e: {  	v15 =	vmul.f32 v31, v30;
	v2 =	vld [tilespmem:s8+$0x2900];
	[tilespmem:s8+$0x90] =	vst v4;
	v7 =	vmul.f32 v7, v8  }
0x33f: {  	v62 =	vmul.f32 v50, v49;
	v4 =	vld [tilespmem:s8+$0x2910];
	v9 =	vmul.f32 v9, v10;
	[tilespmem:s8+$0xA0] =	vst v5  }
0x340: {  	v6 =	vmul.f32 v39, v38;
	v11 =	vmul.f32 v11, v13;
	v5 =	vld [tilespmem:s8+$0x2920];
	[tilespmem:s8+$0xB0] =	vst v7  }
0x341: {  	v13 =	vmul.f32 v1, v44;
	v1 =	vmul.f32 v12, v15;
	v7 =	vld [tilespmem:s8+$0x2930];
	[tilespmem:s8+$0xC0] =	vst v9  }
0x342: {  	v12 =	vmul.f32 v3, v45;
	v9 =	vld [tilespmem:s8+$0x2940];
	v3 =	vmul.f32 v14, v33;
	[tilespmem:s8+$0xD0] =	vst v11  }
0x343: {  	v11 =	vld [tilespmem:s8+$0x2950];
	v14 =	vmul.f32 v0, v46;
	[tilespmem:s8+$0xE0] =	vst v1;
	v0 =	vmul.f32 v2, v35  }
0x344: {  	v8 =	vmul.f32 v41, v40;
	v15 =	vld [tilespmem:s8+$0x2960];
	v2 =	vmul.f32 v4, v37;
	[tilespmem:s8+$0xF0] =	vst v3  }
0x345: {  	v63 =	vld [tilespmem:s8+$0x2980];
	v10 =	vmul.f32 v43, v42;
	[tilespmem:s8+$0x100] =	vst v0;
	v3 =	vmul.f32 v5, v6  }
0x346: {  	v1 =	vmul.f32 v52, v51;
	[tilespmem:s8+$0x110] =	vst v2;
	v4 =	vmul.f32 v7, v8;
	v8 =	vld [tilespmem:s8+$0x2990]  }
0x347: {  	v2 =	vmul.f32 v54, v53;
	v0 =	vld [tilespmem:s8+$0x29A0];
	v6 =	vmul.f32 v9, v10;
	[tilespmem:s8+$0x120] =	vst v3  }
0x348: {  	v7 =	vmul.f32 v11, v13;
	v5 =	vmul.f32 v58, v57;
	[tilespmem:s8+$0x130] =	vst v4;
	v4 =	vld [tilespmem:s8+$0x29B0]  }
0x349: {  	v11 =	vmul.f32 v15, v12;
	v9 =	vmul.f32 v60, v59;
	[tilespmem:s8+$0x140] =	vst v6;
	v6 =	vld [tilespmem:s8+$0x29C0]  }
0x34a: {  	v10 =	vmul.f32 v61, v14;
	v12 =	vmul.f32 v63, v48;
	[tilespmem:s8+$0x150] =	vst v7;
	v7 =	vld [tilespmem:s8+$0x29D0]  }
0x34b: {  	s21 =	simm.s32 $0x0;
	s15 =	simm.s32 $0x380;
	v3 =	vmul.f32 v56, v55;
	[tilespmem:s8+$0x160] =	vst v11;
	v11 =	vmul.f32 v8, v62;
	v8 =	vld [tilespmem:s8+$0x29E0]  }
.LBB2_10:
0x34c: {  	v13 =	vld [tilespmem:s15+$0x1F0];
	[tilespmem:s8+$0x170] =	vst v10;
	v1 =	vmul.f32 v0, v1  }
0x34d: {  	s21 =	sadd.s32 $0x4, s21;
	v10 =	vld [tilespmem:s15+$0x15F0];
	[tilespmem:s8+$0x180] =	vst v12;
	v2 =	vmul.f32 v4, v2  }
0x34e: {  	p1 =	slt.u32 s21, $0x24;
	v0 =	vld [tilespmem:s15+$0x1400];
	[tilespmem:s8+$0x190] =	vst v11;
	v3 =	vmul.f32 v6, v3  }
0x34f: {  	v4 =	vld [tilespmem:s15+$0x29F0];
	[tilespmem:s8+$0x1A0] =	vst v1;
	v1 =	vmul.f32 v7, v5  }
0x350: {  	v5 =	vld [tilespmem:s15+$0x10];
	[tilespmem:s8+$0x1B0] =	vst v2;
	v2 =	vmul.f32 v8, v9  }
0x351: {  	v6 =	vld [tilespmem:s15+$0x1410];
	[tilespmem:s8+$0x1C0] =	vst v3  }
0x352: {  	v3 =	vld [tilespmem:s15+$0x20];
	v7 =	vmul.f32 v10, v13;
	[tilespmem:s8+$0x1D0] =	vst v1  }
0x353: {  	v1 =	vld [tilespmem:s15+$0x1420];
	[tilespmem:s8+$0x1E0] =	vst v2;
	s8 =	smov.u32 s15  }
0x354: {  	v2 =	vld [tilespmem:s15+$0x30];
	v7 =	vmul.f32 v4, v7  }
0x355: {  	v8 =	vld [tilespmem:s15+$0x1430]  }
0x356: {  	v4 =	vmul.f32 v6, v5;
	v5 =	vld [tilespmem:s15+$0x40];
	[tilespmem:s15+$0x1F0] =	vst v7  }
0x357: {  	v9 =	vld [tilespmem:s15+$0x1440]  }
0x358: {  	v6 =	vmul.f32 v1, v3;
	v1 =	vld [tilespmem:s15+$0x50]  }
0x359: {  	v3 =	vld [tilespmem:s15+$0x1450]  }
0x35a: {  	v7 =	vmul.f32 v8, v2;
	v2 =	vld [tilespmem:s15+$0x60]  }
0x35b: {  	v11 =	vld [tilespmem:s15+$0x1460]  }
0x35c: {  	v8 =	vmul.f32 v9, v5;
	v5 =	vld [tilespmem:s15+$0x70]  }
0x35d: {  	v9 =	vld [tilespmem:s15+$0x1470]  }
0x35e: {  	v10 =	vmul.f32 v3, v1;
	v1 =	vld [tilespmem:s15+$0x80]  }
0x35f: {  	v3 =	vld [tilespmem:s15+$0x1480]  }
0x360: {  	v11 =	vmul.f32 v11, v2;
	v2 =	vld [tilespmem:s15+$0x90]  }
0x361: {  	v14 =	vld [tilespmem:s15+$0x1490]  }
0x362: {  	v12 =	vmul.f32 v9, v5;
	v5 =	vld [tilespmem:s15+$0xA0]  }
0x363: {  	v9 =	vld [tilespmem:s15+$0x14A0]  }
0x364: {  	v13 =	vmul.f32 v3, v1;
	v1 =	vld [tilespmem:s15+$0xB0]  }
0x365: {  	v3 =	vld [tilespmem:s15+$0x14B0]  }
0x366: {  	v14 =	vmul.f32 v14, v2;
	v2 =	vld [tilespmem:s15+$0xC0]  }
0x367: {  	v17 =	vld [tilespmem:s15+$0x14C0]  }
0x368: {  	v15 =	vmul.f32 v9, v5;
	v5 =	vld [tilespmem:s15+$0xD0]  }
0x369: {  	v9 =	vld [tilespmem:s15+$0x14D0]  }
0x36a: {  	v16 =	vmul.f32 v3, v1;
	v1 =	vld [tilespmem:s15+$0xE0]  }
0x36b: {  	v3 =	vld [tilespmem:s15+$0x14E0]  }
0x36c: {  	v17 =	vmul.f32 v17, v2;
	v2 =	vld [tilespmem:s15+$0xF0]  }
0x36d: {  	v20 =	vld [tilespmem:s15+$0x14F0]  }
0x36e: {  	v18 =	vmul.f32 v9, v5;
	v5 =	vld [tilespmem:s15+$0x100]  }
0x36f: {  	v9 =	vld [tilespmem:s15+$0x1500]  }
0x370: {  	v19 =	vmul.f32 v3, v1;
	v1 =	vld [tilespmem:s15+$0x110]  }
0x371: {  	v3 =	vld [tilespmem:s15+$0x1510]  }
0x372: {  	v20 =	vmul.f32 v20, v2;
	v2 =	vld [tilespmem:s15+$0x120]  }
0x373: {  	v23 =	vld [tilespmem:s15+$0x1520]  }
0x374: {  	v21 =	vmul.f32 v9, v5;
	v5 =	vld [tilespmem:s15+$0x130]  }
0x375: {  	v9 =	vld [tilespmem:s15+$0x1530]  }
0x376: {  	v22 =	vmul.f32 v3, v1;
	v1 =	vld [tilespmem:s15+$0x140]  }
0x377: {  	v3 =	vld [tilespmem:s15+$0x1540]  }
0x378: {  	v23 =	vmul.f32 v23, v2;
	v2 =	vld [tilespmem:s15+$0x150]  }
0x379: {  	v26 =	vld [tilespmem:s15+$0x1550]  }
0x37a: {  	v24 =	vmul.f32 v9, v5;
	v5 =	vld [tilespmem:s15+$0x160]  }
0x37b: {  	v9 =	vld [tilespmem:s15+$0x1560]  }
0x37c: {  	v25 =	vmul.f32 v3, v1;
	v1 =	vld [tilespmem:s15+$0x170]  }
0x37d: {  	v3 =	vld [tilespmem:s15+$0x1570]  }
0x37e: {  	v26 =	vmul.f32 v26, v2;
	v2 =	vld [tilespmem:s15+$0x180]  }
0x37f: {  	v29 =	vld [tilespmem:s15+$0x1580]  }
0x380: {  	v27 =	vmul.f32 v9, v5;
	v5 =	vld [tilespmem:s15+$0x190]  }
0x381: {  	v9 =	vld [tilespmem:s15+$0x1590]  }
0x382: {  	v28 =	vmul.f32 v3, v1;
	v1 =	vld [tilespmem:s15+$0x1A0]  }
0x383: {  	v3 =	vld [tilespmem:s15+$0x15A0]  }
0x384: {  	v29 =	vmul.f32 v29, v2;
	v2 =	vld [tilespmem:s15+$0x1B0]  }
0x385: {  	v31 =	vld [tilespmem:s15+$0x15B0]  }
0x386: {  	v30 =	vmul.f32 v9, v5;
	v5 =	vld [tilespmem:s15+$0x1C0]  }
0x387: {  	v9 =	vld [tilespmem:s15+$0x15C0]  }
0x388: {  	v1 =	vmul.f32 v3, v1;
	v32 =	vld [tilespmem:s15+$0x1D0]  }
0x389: {  	v33 =	vld [tilespmem:s15+$0x15D0]  }
0x38a: {  	v2 =	vmul.f32 v31, v2;
	v31 =	vld [tilespmem:s15+$0x1E0]  }
0x38b: {  	v34 =	vld [tilespmem:s15+$0x15E0]  }
0x38c: {  	v35 =	vld [tilespmem:s15+$0x0];
	v3 =	vmul.f32 v9, v5  }
0x38d: {  	v36 =	vld [tilespmem:s15+$0x2800]  }
0x38e: {  	v37 =	vld [tilespmem:s15+$0x2810];
	v5 =	vmul.f32 v33, v32  }
0x38f: {  	v32 =	vld [tilespmem:s15+$0x2820]  }
0x390: {  	v33 =	vld [tilespmem:s15+$0x2830];
	v9 =	vmul.f32 v34, v31  }
0x391: {  	v0 =	vmul.f32 v0, v35;
	v31 =	vld [tilespmem:s15+$0x2840]  }
0x392: {  	v34 =	vld [tilespmem:s15+$0x2850]  }
0x393: {  	v0 =	vmul.f32 v36, v0;
	v4 =	vmul.f32 v37, v4;
	v35 =	vld [tilespmem:s15+$0x2860]  }
0x394: {  	v6 =	vmul.f32 v32, v6;
	v32 =	vld [tilespmem:s15+$0x2870]  }
0x395: {  	[tilespmem:s15+$0x0] =	vst v0;
	v0 =	vmul.f32 v33, v7;
	v7 =	vld [tilespmem:s15+$0x2880]  }
0x396: {  	[tilespmem:s15+$0x10] =	vst v4;
	v4 =	vmul.f32 v31, v8;
	v8 =	vld [tilespmem:s15+$0x2890]  }
0x397: {  	[tilespmem:s15+$0x20] =	vst v6;
	v6 =	vmul.f32 v34, v10;
	v10 =	vld [tilespmem:s15+$0x28A0]  }
0x398: {  	[tilespmem:s15+$0x30] =	vst v0;
	v0 =	vmul.f32 v35, v11;
	v11 =	vld [tilespmem:s15+$0x28B0]  }
0x399: {  	[tilespmem:s15+$0x40] =	vst v4;
	v4 =	vmul.f32 v32, v12;
	v12 =	vld [tilespmem:s15+$0x28C0]  }
0x39a: {  	[tilespmem:s15+$0x50] =	vst v6;
	v6 =	vmul.f32 v7, v13;
	v7 =	vld [tilespmem:s15+$0x28D0]  }
0x39b: {  	[tilespmem:s15+$0x60] =	vst v0;
	v0 =	vmul.f32 v8, v14;
	v8 =	vld [tilespmem:s15+$0x28E0]  }
0x39c: {  	[tilespmem:s15+$0x70] =	vst v4;
	v4 =	vmul.f32 v10, v15;
	v10 =	vld [tilespmem:s15+$0x28F0]  }
0x39d: {  	[tilespmem:s15+$0x80] =	vst v6;
	v6 =	vmul.f32 v11, v16;
	v11 =	vld [tilespmem:s15+$0x2900]  }
0x39e: {  	[tilespmem:s15+$0x90] =	vst v0;
	v0 =	vmul.f32 v12, v17;
	v12 =	vld [tilespmem:s15+$0x2910]  }
0x39f: {  	[tilespmem:s15+$0xA0] =	vst v4;
	v4 =	vmul.f32 v7, v18;
	v7 =	vld [tilespmem:s15+$0x2920]  }
0x3a0: {  	[tilespmem:s15+$0xB0] =	vst v6;
	v6 =	vmul.f32 v8, v19;
	v8 =	vld [tilespmem:s15+$0x2930]  }
0x3a1: {  	[tilespmem:s15+$0xC0] =	vst v0;
	v0 =	vmul.f32 v10, v20;
	v10 =	vld [tilespmem:s15+$0x2940]  }
0x3a2: {  	[tilespmem:s15+$0xD0] =	vst v4;
	v4 =	vmul.f32 v11, v21;
	v11 =	vld [tilespmem:s15+$0x2950]  }
0x3a3: {  	[tilespmem:s15+$0xE0] =	vst v6;
	v6 =	vmul.f32 v12, v22;
	v12 =	vld [tilespmem:s15+$0x2960]  }
0x3a4: {  	[tilespmem:s15+$0xF0] =	vst v0;
	v0 =	vmul.f32 v7, v23;
	v7 =	vld [tilespmem:s15+$0x2970]  }
0x3a5: {  	[tilespmem:s15+$0x100] =	vst v4;
	v4 =	vmul.f32 v8, v24;
	v8 =	vld [tilespmem:s15+$0x2980]  }
0x3a6: {  	[tilespmem:s15+$0x110] =	vst v6;
	v6 =	vmul.f32 v10, v25;
	v13 =	vld [tilespmem:s15+$0x2990]  }
.Ltmp4:
0x3a7: {  	[tilespmem:s15+$0x120] =	vst v0;
	v11 =	vmul.f32 v11, v26;
	v0 =	vld [tilespmem:s15+$0x29A0];
	(pc) =	sbr.rel @p1 .LBB2_10-.Ltmp4, $4  }
0x3a8: {  	[tilespmem:s15+$0x130] =	vst v4;
	v14 =	vmul.f32 v12, v27;
	v4 =	vld [tilespmem:s15+$0x29B0]  }
0x3a9: {  	[tilespmem:s15+$0x140] =	vst v6;
	v10 =	vmul.f32 v7, v28;
	v6 =	vld [tilespmem:s15+$0x29C0]  }
0x3aa: {  	[tilespmem:s15+$0x150] =	vst v11;
	v12 =	vmul.f32 v8, v29;
	v7 =	vld [tilespmem:s15+$0x29D0]  }
0x3ab: {  	s15 =	sadd.s32 $0x200, s15;
	[tilespmem:s8+$0x160] =	vst v14;
	v11 =	vmul.f32 v13, v30;
	v8 =	vld [tilespmem:s8+$0x29E0]  }
0x3ac: {  	[tilespmem:s8+$0x170] =	vst v10  }
0x3ad: {  	v0 =	vmul.f32 v0, v1;
	[tilespmem:s8+$0x180] =	vst v12  }
0x3ae: {  	v60 =	vmul.f32 v4, v2;
	[tilespmem:s8+$0x190] =	vst v11  }
0x3af: {  	v61 =	vmul.f32 v6, v3;
	[tilespmem:s8+$0x1A0] =	vst v0  }
0x3b0: {  	v62 =	vmul.f32 v7, v5;
	[tilespmem:s8+$0x1B0] =	vst v60  }
0x3b1: {  	v63 =	vmul.f32 v8, v9;
	[tilespmem:s8+$0x1C0] =	vst v61  }
0x3b2: {  	[tilespmem:s8+$0x1D0] =	vst v62  }
0x3b3: {  	[tilespmem:s8+$0x1E0] =	vst v63  }
0x3b4: {  	s22 =	simm.s32 $0x9;
	s8 =	rddreg [dreg:$0xe]  }
0x3b5: {  	[hbm4b:s8+s4] =	stream.linear.scatter [tilespmem:s0], [sflag:$0x7], $0x1400, $0x38;
	[tilespmem:$0x1EE00] =	vst v63  }
0x3b6: {  	_ =	swait.ge [sflag:s22], $0x1400  }
0x3b7: {  	[sflag:s22] =	ssyncset.done $0x0  }
0x3b8: {  	[sflag:s22] =	ssyncadd.s32 $0xFFFFEC00  }
0x3b9: {  	_ =	swait.ge [sflag:s18], $0x1400  }
0x3ba: {  	s15 =	rddreg [dreg:$0x11]  }
0x3bb: {  	s28 =	rddreg [dreg:$0xf];
	s15 =	sadd.s32 $0x1, s15  }
0x3bc: {  	p1 =	sne.s32 s15, s28  }
.Ltmp5:
0x3bd: {  	_ = 	snop;
	(pc) =	sbr.rel @p1 .LBB2_1-.Ltmp5, $3  }
0x3be: {  	_ =	sdelay $0x1  }
0x3bf: {  	[sflag:s18] =	ssyncset.done $0x0  }
0x3c0: {  	[sflag:s18] =	ssyncadd.s32 $0xFFFFEC00  }
0x3c1: {  	_ =	sfence.sel $0x180000  }
0x3c2: {  	[bflag:$0x0] =	sbarrier.arrive $0xFFFF  }
0x3c3: {  	_ =	strace $0x90000047  }
0x3c4: {  	[bflag:$0x2] =	sbarrier.arrive $0xFFFF  }
0x3c5: {  	s0 =	rddreg [dreg:$0x4]  }
0x3c6: {  	s0 =	sadd.s32 @!p0 $0x100000, s0  }
0x3c7: {  	[sflag:s0] =	ssyncadd.tile.s32 @!p0 $0x1;
	_ =	shalt  }
.Lfunc_end2:
_tile_overlayer_lowered:
.L_overlay_start_2:
0x3c8: {  	(tag) =	ssettag $0x2  }
0x3c9: {  	s0 =	rddreg [dreg:$0x0];
	s2 =	stileid.u32  }
0x3ca: {  	s1 =	rddreg [dreg:$0x1];
	p0 =	sne.s32 s2, $0x0  }
0x3cb: {  	s3 =	rddreg [dreg:$0x2];
	[bflag:$0x3] =	sbarrier.arrive $0xFFFF;
	s2 =	simm.s32 @!p0 $0x1C0A  }
0x3cc: {  	[timem:s3], [sflag:s2] =	dma.local @!p0 [hbm:s0], s1  }
0x3cd: {  	s0 =	simm.s32 @!p0 $0xA  }
0x3ce: {  	_ =	swait.ge @!p0 [sflag:s0], s1  }
0x3cf: {  	s1 =	ssub.s32 @!p0 $0x0, s1;
	[sflag:s0] =	ssyncset.done @!p0 $0x0  }
0x3d0: {  	[sflag:s0] =	ssyncadd.s32 @!p0 s1  }
0x3d1: {  	[bflag:$0x3] =	sbarrier.arrive $0xFFFF  }
0x3d2: {  	_ =	shalt  }

</sc_bundles>
